<compile_context>
chip_gen: v7x
topology: tpu7x:2x2x1
jax: 0.10.2.dev20260603
libtpu: 0.0.44.dev20260713+nightly
codegen_flags: <defaults>
</compile_context>

<pallas_src>
import functools

import jax
import jax.numpy as jnp
from jax import lax
from jax.experimental import pallas as pl
from jax.experimental.pallas import tpu as pltpu
from jax.experimental.pallas import tpu_sc as plsc

_B = 16384
_D = 64
_NW = 32
_BPW = _B // _NW
_CH = 128
_NCH = _BPW // _CH


def _make_kernel():
    mesh = plsc.VectorSubcoreMesh(core_axis_name="c", subcore_axis_name="s")

    @functools.partial(
        pl.kernel,
        mesh=mesh,
        out_type=jax.ShapeDtypeStruct((_B,), jnp.float32),
        compiler_params=pltpu.CompilerParams(use_tc_tiling_on_sc=False),
        scratch_types=[
            pltpu.VMEM((_BPW,), jnp.int32),
            pltpu.VMEM((_BPW,), jnp.int32),
            pltpu.VMEM((_BPW,), jnp.int32),
            pltpu.VMEM((_BPW, _D), jnp.float32),
            pltpu.VMEM((_BPW, _D), jnp.float32),
            pltpu.VMEM((_BPW, _D), jnp.float32),
            pltpu.VMEM((_BPW,), jnp.float32),
            pltpu.VMEM((16, 48), jnp.float32),
            pltpu.SemaphoreType.DMA,
        ],
    )
    def kge_score(s_hbm, p_hbm, o_hbm, ent_hbm, rel_hbm, out_hbm,
                  s_idx, p_idx, o_idx, se_v, pe_v, oe_v, out_v, t_v, sem):
        wid = lax.axis_index("s") * 2 + lax.axis_index("c")
        base = wid * _BPW

        pltpu.sync_copy(s_hbm.at[pl.ds(base, _BPW)], s_idx)
        pltpu.sync_copy(p_hbm.at[pl.ds(base, _BPW)], p_idx)
        pltpu.sync_copy(o_hbm.at[pl.ds(base, _BPW)], o_idx)

        cps = []
        for c in range(_NCH):
            sl = pl.ds(c * _CH, _CH)
            cps.append(pltpu.async_copy(ent_hbm.at[s_idx.at[sl]], se_v.at[sl], sem))
            cps.append(pltpu.async_copy(rel_hbm.at[p_idx.at[sl]], pe_v.at[sl], sem))
            cps.append(pltpu.async_copy(ent_hbm.at[o_idx.at[sl]], oe_v.at[sl], sem))
        for cp in cps:
            cp.wait()

        lane = lax.iota(jnp.int32, 16)

        def group(g, carry):
            acc = jnp.zeros((16,), jnp.float32)
            for j in range(16):
                b = g * 16 + j
                se0 = se_v[b, pl.ds(0, 16)]
                se1 = se_v[b, pl.ds(16, 16)]
                se2 = se_v[b, pl.ds(32, 16)]
                se3 = se_v[b, pl.ds(48, 16)]
                pe0 = pe_v[b, pl.ds(0, 16)]
                pe1 = pe_v[b, pl.ds(16, 16)]
                pe2 = pe_v[b, pl.ds(32, 16)]
                pe3 = pe_v[b, pl.ds(48, 16)]
                oe0 = oe_v[b, pl.ds(0, 16)]
                oe1 = oe_v[b, pl.ds(16, 16)]
                oe2 = oe_v[b, pl.ds(32, 16)]
                oe3 = oe_v[b, pl.ds(48, 16)]
                sp_re0 = se0 * pe0 - se2 * pe2
                sp_re1 = se1 * pe1 - se3 * pe3
                sp_im0 = se0 * pe2 + se2 * pe0
                sp_im1 = se1 * pe3 + se3 * pe1
                pv = sp_re0 * oe0 + sp_re1 * oe1 + sp_im0 * oe2 + sp_im1 * oe3
                x = pv
                for step in (8, 4, 2, 1):
                    t_v[j, pl.ds(16, 16)] = x
                    d = step if (j & step) == 0 else -step
                    x = x + t_v[j, pl.ds(16 + d, 16)]
                acc = jnp.where(lane == j, x, acc)
            out_v[pl.ds(g * 16, 16)] = acc
            return carry

        lax.fori_loop(0, _BPW // 16, group, 0)

        pltpu.sync_copy(out_v, out_hbm.at[pl.ds(base, _BPW)])

    return kge_score


_kge_score = _make_kernel()


def kernel(s, p, o, entity_emb, relation_emb):
    s = s.astype(jnp.int32)
    p = p.astype(jnp.int32)
    o = o.astype(jnp.int32)
    out = _kge_score(s, p, o, entity_emb, relation_emb)
    return out.reshape(_B, 1)

# --- scband reference (transcript-rebuilt; emitter-appended) ---
"""Pipeline reference for scband-kge-model-4406636445842 (READ-ONLY COPY).

The authoritative reference and input builder live on the scoring server;
editing this copy changes nothing except your own understanding.
"""

import jax, jax.numpy as jnp
import numpy as np

NUM_ENT = 1000000
NUM_REL = 1000
DIM = 64  # must be even (ComplEx splits into real/imag halves)
BATCH = 16384


def setup_inputs(seed: int = 0) -> dict:
    key = jax.random.key(seed)
    k1, k2, k3, k4, k5 = jax.random.split(key, 5)
    s = jax.random.randint(k1, (BATCH,), 0, NUM_ENT, dtype=jnp.int64 if jax.config.jax_enable_x64 else jnp.int32)
    p = jax.random.randint(k2, (BATCH,), 0, NUM_REL, dtype=jnp.int64 if jax.config.jax_enable_x64 else jnp.int32)
    o = jax.random.randint(k3, (BATCH,), 0, NUM_ENT, dtype=jnp.int64 if jax.config.jax_enable_x64 else jnp.int32)
    # learned parameters, initialized per KgeBase.initialize('normal', std=0.1)
    entity_emb = jax.random.normal(k4, (NUM_ENT, DIM), dtype=jnp.float32) * 0.1
    relation_emb = jax.random.normal(k5, (NUM_REL, DIM), dtype=jnp.float32) * 0.1
    return {"s": s, "p": p, "o": o, "entity_emb": entity_emb, "relation_emb": relation_emb}


def _complex_score(se, pe, oe):
    # ComplEx trilinear score: Re(<s, p, conj(o)>)
    h = se.shape[-1] // 2
    s_re, s_im = se[:, :h], se[:, h:]
    p_re, p_im = pe[:, :h], pe[:, h:]
    o_re, o_im = oe[:, :h], oe[:, h:]
    score = (s_re * p_re * o_re
             + s_im * p_re * o_im
             + s_re * p_im * o_im
             - s_im * p_im * o_re)
    return jnp.sum(score, axis=-1, keepdims=True)  # [batch, 1]


def reference(s, p, o, entity_emb, relation_emb):
    # KgeModel.score_spo: embed s, p, o then _score (ComplEx per the create() factory)
    se = jnp.take(entity_emb, s, axis=0)
    pe = jnp.take(relation_emb, p, axis=0)
    oe = jnp.take(entity_emb, o, axis=0)
    return _complex_score(se, pe, oe)

if __name__ == "__main__":
    import jax
    _d = setup_inputs()
    print(jax.jit(kernel)(*tuple(_d.values())))

</pallas_src>

<mosaic_0001>
#map = affine_map<(d0, d1) -> (0)>
#map1 = affine_map<(d0, d1) -> (0, 0)>
module attributes {stable_mosaic.version = 14 : i64} {
  func.func @kge_score(%arg0: i32, %arg1: i32, %arg2: memref<16384xi32, #tpu.memory_space<hbm>>, %arg3: memref<16384xi32, #tpu.memory_space<hbm>>, %arg4: memref<16384xi32, #tpu.memory_space<hbm>>, %arg5: memref<1000000x64xf32, #tpu.memory_space<hbm>>, %arg6: memref<1000x64xf32, #tpu.memory_space<hbm>>, %arg7: memref<16384xf32, #tpu.memory_space<hbm>>, %arg8: memref<512xi32, #tpu.memory_space<vmem>>, %arg9: memref<512xi32, #tpu.memory_space<vmem>>, %arg10: memref<512xi32, #tpu.memory_space<vmem>>, %arg11: memref<512x64xf32, #tpu.memory_space<vmem>>, %arg12: memref<512x64xf32, #tpu.memory_space<vmem>>, %arg13: memref<512x64xf32, #tpu.memory_space<vmem>>, %arg14: memref<512xf32, #tpu.memory_space<vmem>>, %arg15: memref<16x48xf32, #tpu.memory_space<vmem>>, %arg16: memref<!tpu.dma_semaphore, #tpu.memory_space<semaphore_mem>>) attributes {dimension_semantics = [#tpu.dimension_semantics<core_parallel>, #tpu.dimension_semantics<subcore_parallel>], iteration_bounds = array<i64: 2, 16>, scalar_prefetch = 0 : i64, scratch_operands = 9 : i64, tpu.core_type = #tpu.core_type<sc_vector_subcore>, window_params = [{transform_indices = #map}, {transform_indices = #map}, {transform_indices = #map}, {transform_indices = #map1}, {transform_indices = #map1}, {transform_indices = #map}]} {
    %mul3A = arith.constant 2 : i32
    %mul3A_0 = arith.muli %arg1, %mul3A : i32
    %add3A = arith.addi %mul3A_0, %arg0 : i32
    %mul3A_1 = arith.constant 512 : i32
    %mul3A_2 = arith.muli %add3A, %mul3A_1 : i32
    "tpu.region"() ({
      %run_scoped3A = tpu.sem_alloc : memref<!tpu.dma_semaphore, #tpu.memory_space<semaphore_mem>>
      %dma_start3A_198 = tpu.memref_slice %arg2[%mul3A_2] : memref<16384xi32, #tpu.memory_space<hbm>> -> memref<512xi32, #tpu.memory_space<hbm>>
      %dma_start3A_199 = tpu.memref_slice %arg2[%mul3A_2] : memref<16384xi32, #tpu.memory_space<hbm>> -> memref<512xi32, #tpu.memory_space<hbm>>
      tpu.enqueue_dma source(%dma_start3A_199 : memref<512xi32, #tpu.memory_space<hbm>>) target(%arg8 : memref<512xi32, #tpu.memory_space<vmem>>) target_semaphore(%run_scoped3A : memref<!tpu.dma_semaphore, #tpu.memory_space<semaphore_mem>>)
      %dma_wait3A_200 = tpu.memref_slice %arg2[%mul3A_2] : memref<16384xi32, #tpu.memory_space<hbm>> -> memref<512xi32, #tpu.memory_space<hbm>>
      %dma_wait3A_201 = tpu.memref_slice %arg2[%mul3A_2] : memref<16384xi32, #tpu.memory_space<hbm>> -> memref<512xi32, #tpu.memory_space<hbm>>
      tpu.wait_dma2 semaphore(%run_scoped3A : memref<!tpu.dma_semaphore, #tpu.memory_space<semaphore_mem>>) src(%dma_wait3A_201 : memref<512xi32, #tpu.memory_space<hbm>>) dst(%arg8 : memref<512xi32, #tpu.memory_space<vmem>>)
      tpu.yield
    }) : () -> ()
    "tpu.region"() ({
      %run_scoped3A = tpu.sem_alloc : memref<!tpu.dma_semaphore, #tpu.memory_space<semaphore_mem>>
      %dma_start3A_198 = tpu.memref_slice %arg3[%mul3A_2] : memref<16384xi32, #tpu.memory_space<hbm>> -> memref<512xi32, #tpu.memory_space<hbm>>
      %dma_start3A_199 = tpu.memref_slice %arg3[%mul3A_2] : memref<16384xi32, #tpu.memory_space<hbm>> -> memref<512xi32, #tpu.memory_space<hbm>>
      tpu.enqueue_dma source(%dma_start3A_199 : memref<512xi32, #tpu.memory_space<hbm>>) target(%arg9 : memref<512xi32, #tpu.memory_space<vmem>>) target_semaphore(%run_scoped3A : memref<!tpu.dma_semaphore, #tpu.memory_space<semaphore_mem>>)
      %dma_wait3A_200 = tpu.memref_slice %arg3[%mul3A_2] : memref<16384xi32, #tpu.memory_space<hbm>> -> memref<512xi32, #tpu.memory_space<hbm>>
      %dma_wait3A_201 = tpu.memref_slice %arg3[%mul3A_2] : memref<16384xi32, #tpu.memory_space<hbm>> -> memref<512xi32, #tpu.memory_space<hbm>>
      tpu.wait_dma2 semaphore(%run_scoped3A : memref<!tpu.dma_semaphore, #tpu.memory_space<semaphore_mem>>) src(%dma_wait3A_201 : memref<512xi32, #tpu.memory_space<hbm>>) dst(%arg9 : memref<512xi32, #tpu.memory_space<vmem>>)
      tpu.yield
    }) : () -> ()
    "tpu.region"() ({
      %run_scoped3A = tpu.sem_alloc : memref<!tpu.dma_semaphore, #tpu.memory_space<semaphore_mem>>
      %dma_start3A_198 = tpu.memref_slice %arg4[%mul3A_2] : memref<16384xi32, #tpu.memory_space<hbm>> -> memref<512xi32, #tpu.memory_space<hbm>>
      %dma_start3A_199 = tpu.memref_slice %arg4[%mul3A_2] : memref<16384xi32, #tpu.memory_space<hbm>> -> memref<512xi32, #tpu.memory_space<hbm>>
      tpu.enqueue_dma source(%dma_start3A_199 : memref<512xi32, #tpu.memory_space<hbm>>) target(%arg10 : memref<512xi32, #tpu.memory_space<vmem>>) target_semaphore(%run_scoped3A : memref<!tpu.dma_semaphore, #tpu.memory_space<semaphore_mem>>)
      %dma_wait3A_200 = tpu.memref_slice %arg4[%mul3A_2] : memref<16384xi32, #tpu.memory_space<hbm>> -> memref<512xi32, #tpu.memory_space<hbm>>
      %dma_wait3A_201 = tpu.memref_slice %arg4[%mul3A_2] : memref<16384xi32, #tpu.memory_space<hbm>> -> memref<512xi32, #tpu.memory_space<hbm>>
      tpu.wait_dma2 semaphore(%run_scoped3A : memref<!tpu.dma_semaphore, #tpu.memory_space<semaphore_mem>>) src(%dma_wait3A_201 : memref<512xi32, #tpu.memory_space<hbm>>) dst(%arg10 : memref<512xi32, #tpu.memory_space<vmem>>)
      tpu.yield
    }) : () -> ()
    %dma_start3A = arith.constant 0 : i32
    %dma_start3A_3 = arith.constant 0 : i32
    %dma_start3A_4 = tpu.memref_slice %arg11[%dma_start3A, %dma_start3A_3] : memref<512x64xf32, #tpu.memory_space<vmem>> -> memref<128x64xf32, #tpu.memory_space<vmem>>
    %dma_start3A_5 = arith.constant 0 : i32
    %dma_start3A_6 = tpu.memref_slice %arg8[%dma_start3A_5] : memref<512xi32, #tpu.memory_space<vmem>> -> memref<128xi32, #tpu.memory_space<vmem>>
    %dma_start3A_7 = arith.constant 0 : i32
    %dma_start3A_8 = arith.constant 0 : i32
    %dma_start3A_9 = tpu.memref_slice %arg5[%dma_start3A_7, %dma_start3A_8] : memref<1000000x64xf32, #tpu.memory_space<hbm>> -> memref<1000000x64xf32, #tpu.memory_space<hbm>>
    tpu.enqueue_indirect_dma source(%dma_start3A_9 : memref<1000000x64xf32, #tpu.memory_space<hbm>>) target(%dma_start3A_4 : memref<128x64xf32, #tpu.memory_space<vmem>>) offsets(%dma_start3A_6 : memref<128xi32, #tpu.memory_space<vmem>>) semaphore(%arg16 : memref<!tpu.dma_semaphore, #tpu.memory_space<semaphore_mem>>)
    %dma_start3A_10 = arith.constant 0 : i32
    %dma_start3A_11 = arith.constant 0 : i32
    %dma_start3A_12 = tpu.memref_slice %arg12[%dma_start3A_10, %dma_start3A_11] : memref<512x64xf32, #tpu.memory_space<vmem>> -> memref<128x64xf32, #tpu.memory_space<vmem>>
    %dma_start3A_13 = arith.constant 0 : i32
    %dma_start3A_14 = tpu.memref_slice %arg9[%dma_start3A_13] : memref<512xi32, #tpu.memory_space<vmem>> -> memref<128xi32, #tpu.memory_space<vmem>>
    %dma_start3A_15 = arith.constant 0 : i32
    %dma_start3A_16 = arith.constant 0 : i32
    %dma_start3A_17 = tpu.memref_slice %arg6[%dma_start3A_15, %dma_start3A_16] : memref<1000x64xf32, #tpu.memory_space<hbm>> -> memref<1000x64xf32, #tpu.memory_space<hbm>>
    tpu.enqueue_indirect_dma source(%dma_start3A_17 : memref<1000x64xf32, #tpu.memory_space<hbm>>) target(%dma_start3A_12 : memref<128x64xf32, #tpu.memory_space<vmem>>) offsets(%dma_start3A_14 : memref<128xi32, #tpu.memory_space<vmem>>) semaphore(%arg16 : memref<!tpu.dma_semaphore, #tpu.memory_space<semaphore_mem>>)
    %dma_start3A_18 = arith.constant 0 : i32
    %dma_start3A_19 = arith.constant 0 : i32
    %dma_start3A_20 = tpu.memref_slice %arg13[%dma_start3A_18, %dma_start3A_19] : memref<512x64xf32, #tpu.memory_space<vmem>> -> memref<128x64xf32, #tpu.memory_space<vmem>>
    %dma_start3A_21 = arith.constant 0 : i32
    %dma_start3A_22 = tpu.memref_slice %arg10[%dma_start3A_21] : memref<512xi32, #tpu.memory_space<vmem>> -> memref<128xi32, #tpu.memory_space<vmem>>
    %dma_start3A_23 = arith.constant 0 : i32
    %dma_start3A_24 = arith.constant 0 : i32
    %dma_start3A_25 = tpu.memref_slice %arg5[%dma_start3A_23, %dma_start3A_24] : memref<1000000x64xf32, #tpu.memory_space<hbm>> -> memref<1000000x64xf32, #tpu.memory_space<hbm>>
    tpu.enqueue_indirect_dma source(%dma_start3A_25 : memref<1000000x64xf32, #tpu.memory_space<hbm>>) target(%dma_start3A_20 : memref<128x64xf32, #tpu.memory_space<vmem>>) offsets(%dma_start3A_22 : memref<128xi32, #tpu.memory_space<vmem>>) semaphore(%arg16 : memref<!tpu.dma_semaphore, #tpu.memory_space<semaphore_mem>>)
    %dma_start3A_26 = arith.constant 128 : i32
    %dma_start3A_27 = arith.constant 0 : i32
    %dma_start3A_28 = tpu.memref_slice %arg11[%dma_start3A_26, %dma_start3A_27] : memref<512x64xf32, #tpu.memory_space<vmem>> -> memref<128x64xf32, #tpu.memory_space<vmem>>
    %dma_start3A_29 = arith.constant 128 : i32
    %dma_start3A_30 = tpu.memref_slice %arg8[%dma_start3A_29] : memref<512xi32, #tpu.memory_space<vmem>> -> memref<128xi32, #tpu.memory_space<vmem>>
    %dma_start3A_31 = arith.constant 0 : i32
    %dma_start3A_32 = arith.constant 0 : i32
    %dma_start3A_33 = tpu.memref_slice %arg5[%dma_start3A_31, %dma_start3A_32] : memref<1000000x64xf32, #tpu.memory_space<hbm>> -> memref<1000000x64xf32, #tpu.memory_space<hbm>>
    tpu.enqueue_indirect_dma source(%dma_start3A_33 : memref<1000000x64xf32, #tpu.memory_space<hbm>>) target(%dma_start3A_28 : memref<128x64xf32, #tpu.memory_space<vmem>>) offsets(%dma_start3A_30 : memref<128xi32, #tpu.memory_space<vmem>>) semaphore(%arg16 : memref<!tpu.dma_semaphore, #tpu.memory_space<semaphore_mem>>)
    %dma_start3A_34 = arith.constant 128 : i32
    %dma_start3A_35 = arith.constant 0 : i32
    %dma_start3A_36 = tpu.memref_slice %arg12[%dma_start3A_34, %dma_start3A_35] : memref<512x64xf32, #tpu.memory_space<vmem>> -> memref<128x64xf32, #tpu.memory_space<vmem>>
    %dma_start3A_37 = arith.constant 128 : i32
    %dma_start3A_38 = tpu.memref_slice %arg9[%dma_start3A_37] : memref<512xi32, #tpu.memory_space<vmem>> -> memref<128xi32, #tpu.memory_space<vmem>>
    %dma_start3A_39 = arith.constant 0 : i32
    %dma_start3A_40 = arith.constant 0 : i32
    %dma_start3A_41 = tpu.memref_slice %arg6[%dma_start3A_39, %dma_start3A_40] : memref<1000x64xf32, #tpu.memory_space<hbm>> -> memref<1000x64xf32, #tpu.memory_space<hbm>>
    tpu.enqueue_indirect_dma source(%dma_start3A_41 : memref<1000x64xf32, #tpu.memory_space<hbm>>) target(%dma_start3A_36 : memref<128x64xf32, #tpu.memory_space<vmem>>) offsets(%dma_start3A_38 : memref<128xi32, #tpu.memory_space<vmem>>) semaphore(%arg16 : memref<!tpu.dma_semaphore, #tpu.memory_space<semaphore_mem>>)
    %dma_start3A_42 = arith.constant 128 : i32
    %dma_start3A_43 = arith.constant 0 : i32
    %dma_start3A_44 = tpu.memref_slice %arg13[%dma_start3A_42, %dma_start3A_43] : memref<512x64xf32, #tpu.memory_space<vmem>> -> memref<128x64xf32, #tpu.memory_space<vmem>>
    %dma_start3A_45 = arith.constant 128 : i32
    %dma_start3A_46 = tpu.memref_slice %arg10[%dma_start3A_45] : memref<512xi32, #tpu.memory_space<vmem>> -> memref<128xi32, #tpu.memory_space<vmem>>
    %dma_start3A_47 = arith.constant 0 : i32
    %dma_start3A_48 = arith.constant 0 : i32
    %dma_start3A_49 = tpu.memref_slice %arg5[%dma_start3A_47, %dma_start3A_48] : memref<1000000x64xf32, #tpu.memory_space<hbm>> -> memref<1000000x64xf32, #tpu.memory_space<hbm>>
    tpu.enqueue_indirect_dma source(%dma_start3A_49 : memref<1000000x64xf32, #tpu.memory_space<hbm>>) target(%dma_start3A_44 : memref<128x64xf32, #tpu.memory_space<vmem>>) offsets(%dma_start3A_46 : memref<128xi32, #tpu.memory_space<vmem>>) semaphore(%arg16 : memref<!tpu.dma_semaphore, #tpu.memory_space<semaphore_mem>>)
    %dma_start3A_50 = arith.constant 256 : i32
    %dma_start3A_51 = arith.constant 0 : i32
    %dma_start3A_52 = tpu.memref_slice %arg11[%dma_start3A_50, %dma_start3A_51] : memref<512x64xf32, #tpu.memory_space<vmem>> -> memref<128x64xf32, #tpu.memory_space<vmem>>
    %dma_start3A_53 = arith.constant 256 : i32
    %dma_start3A_54 = tpu.memref_slice %arg8[%dma_start3A_53] : memref<512xi32, #tpu.memory_space<vmem>> -> memref<128xi32, #tpu.memory_space<vmem>>
    %dma_start3A_55 = arith.constant 0 : i32
    %dma_start3A_56 = arith.constant 0 : i32
    %dma_start3A_57 = tpu.memref_slice %arg5[%dma_start3A_55, %dma_start3A_56] : memref<1000000x64xf32, #tpu.memory_space<hbm>> -> memref<1000000x64xf32, #tpu.memory_space<hbm>>
    tpu.enqueue_indirect_dma source(%dma_start3A_57 : memref<1000000x64xf32, #tpu.memory_space<hbm>>) target(%dma_start3A_52 : memref<128x64xf32, #tpu.memory_space<vmem>>) offsets(%dma_start3A_54 : memref<128xi32, #tpu.memory_space<vmem>>) semaphore(%arg16 : memref<!tpu.dma_semaphore, #tpu.memory_space<semaphore_mem>>)
    %dma_start3A_58 = arith.constant 256 : i32
    %dma_start3A_59 = arith.constant 0 : i32
    %dma_start3A_60 = tpu.memref_slice %arg12[%dma_start3A_58, %dma_start3A_59] : memref<512x64xf32, #tpu.memory_space<vmem>> -> memref<128x64xf32, #tpu.memory_space<vmem>>
    %dma_start3A_61 = arith.constant 256 : i32
    %dma_start3A_62 = tpu.memref_slice %arg9[%dma_start3A_61] : memref<512xi32, #tpu.memory_space<vmem>> -> memref<128xi32, #tpu.memory_space<vmem>>
    %dma_start3A_63 = arith.constant 0 : i32
    %dma_start3A_64 = arith.constant 0 : i32
    %dma_start3A_65 = tpu.memref_slice %arg6[%dma_start3A_63, %dma_start3A_64] : memref<1000x64xf32, #tpu.memory_space<hbm>> -> memref<1000x64xf32, #tpu.memory_space<hbm>>
    tpu.enqueue_indirect_dma source(%dma_start3A_65 : memref<1000x64xf32, #tpu.memory_space<hbm>>) target(%dma_start3A_60 : memref<128x64xf32, #tpu.memory_space<vmem>>) offsets(%dma_start3A_62 : memref<128xi32, #tpu.memory_space<vmem>>) semaphore(%arg16 : memref<!tpu.dma_semaphore, #tpu.memory_space<semaphore_mem>>)
    %dma_start3A_66 = arith.constant 256 : i32
    %dma_start3A_67 = arith.constant 0 : i32
    %dma_start3A_68 = tpu.memref_slice %arg13[%dma_start3A_66, %dma_start3A_67] : memref<512x64xf32, #tpu.memory_space<vmem>> -> memref<128x64xf32, #tpu.memory_space<vmem>>
    %dma_start3A_69 = arith.constant 256 : i32
    %dma_start3A_70 = tpu.memref_slice %arg10[%dma_start3A_69] : memref<512xi32, #tpu.memory_space<vmem>> -> memref<128xi32, #tpu.memory_space<vmem>>
    %dma_start3A_71 = arith.constant 0 : i32
    %dma_start3A_72 = arith.constant 0 : i32
    %dma_start3A_73 = tpu.memref_slice %arg5[%dma_start3A_71, %dma_start3A_72] : memref<1000000x64xf32, #tpu.memory_space<hbm>> -> memref<1000000x64xf32, #tpu.memory_space<hbm>>
    tpu.enqueue_indirect_dma source(%dma_start3A_73 : memref<1000000x64xf32, #tpu.memory_space<hbm>>) target(%dma_start3A_68 : memref<128x64xf32, #tpu.memory_space<vmem>>) offsets(%dma_start3A_70 : memref<128xi32, #tpu.memory_space<vmem>>) semaphore(%arg16 : memref<!tpu.dma_semaphore, #tpu.memory_space<semaphore_mem>>)
    %dma_start3A_74 = arith.constant 384 : i32
    %dma_start3A_75 = arith.constant 0 : i32
    %dma_start3A_76 = tpu.memref_slice %arg11[%dma_start3A_74, %dma_start3A_75] : memref<512x64xf32, #tpu.memory_space<vmem>> -> memref<128x64xf32, #tpu.memory_space<vmem>>
    %dma_start3A_77 = arith.constant 384 : i32
    %dma_start3A_78 = tpu.memref_slice %arg8[%dma_start3A_77] : memref<512xi32, #tpu.memory_space<vmem>> -> memref<128xi32, #tpu.memory_space<vmem>>
    %dma_start3A_79 = arith.constant 0 : i32
    %dma_start3A_80 = arith.constant 0 : i32
    %dma_start3A_81 = tpu.memref_slice %arg5[%dma_start3A_79, %dma_start3A_80] : memref<1000000x64xf32, #tpu.memory_space<hbm>> -> memref<1000000x64xf32, #tpu.memory_space<hbm>>
    tpu.enqueue_indirect_dma source(%dma_start3A_81 : memref<1000000x64xf32, #tpu.memory_space<hbm>>) target(%dma_start3A_76 : memref<128x64xf32, #tpu.memory_space<vmem>>) offsets(%dma_start3A_78 : memref<128xi32, #tpu.memory_space<vmem>>) semaphore(%arg16 : memref<!tpu.dma_semaphore, #tpu.memory_space<semaphore_mem>>)
    %dma_start3A_82 = arith.constant 384 : i32
    %dma_start3A_83 = arith.constant 0 : i32
    %dma_start3A_84 = tpu.memref_slice %arg12[%dma_start3A_82, %dma_start3A_83] : memref<512x64xf32, #tpu.memory_space<vmem>> -> memref<128x64xf32, #tpu.memory_space<vmem>>
    %dma_start3A_85 = arith.constant 384 : i32
    %dma_start3A_86 = tpu.memref_slice %arg9[%dma_start3A_85] : memref<512xi32, #tpu.memory_space<vmem>> -> memref<128xi32, #tpu.memory_space<vmem>>
    %dma_start3A_87 = arith.constant 0 : i32
    %dma_start3A_88 = arith.constant 0 : i32
    %dma_start3A_89 = tpu.memref_slice %arg6[%dma_start3A_87, %dma_start3A_88] : memref<1000x64xf32, #tpu.memory_space<hbm>> -> memref<1000x64xf32, #tpu.memory_space<hbm>>
    tpu.enqueue_indirect_dma source(%dma_start3A_89 : memref<1000x64xf32, #tpu.memory_space<hbm>>) target(%dma_start3A_84 : memref<128x64xf32, #tpu.memory_space<vmem>>) offsets(%dma_start3A_86 : memref<128xi32, #tpu.memory_space<vmem>>) semaphore(%arg16 : memref<!tpu.dma_semaphore, #tpu.memory_space<semaphore_mem>>)
    %dma_start3A_90 = arith.constant 384 : i32
    %dma_start3A_91 = arith.constant 0 : i32
    %dma_start3A_92 = tpu.memref_slice %arg13[%dma_start3A_90, %dma_start3A_91] : memref<512x64xf32, #tpu.memory_space<vmem>> -> memref<128x64xf32, #tpu.memory_space<vmem>>
    %dma_start3A_93 = arith.constant 384 : i32
    %dma_start3A_94 = tpu.memref_slice %arg10[%dma_start3A_93] : memref<512xi32, #tpu.memory_space<vmem>> -> memref<128xi32, #tpu.memory_space<vmem>>
    %dma_start3A_95 = arith.constant 0 : i32
    %dma_start3A_96 = arith.constant 0 : i32
    %dma_start3A_97 = tpu.memref_slice %arg5[%dma_start3A_95, %dma_start3A_96] : memref<1000000x64xf32, #tpu.memory_space<hbm>> -> memref<1000000x64xf32, #tpu.memory_space<hbm>>
    tpu.enqueue_indirect_dma source(%dma_start3A_97 : memref<1000000x64xf32, #tpu.memory_space<hbm>>) target(%dma_start3A_92 : memref<128x64xf32, #tpu.memory_space<vmem>>) offsets(%dma_start3A_94 : memref<128xi32, #tpu.memory_space<vmem>>) semaphore(%arg16 : memref<!tpu.dma_semaphore, #tpu.memory_space<semaphore_mem>>)
    %dma_wait3A = arith.constant 0 : i32
    %dma_wait3A_98 = arith.constant 0 : i32
    %dma_wait3A_99 = tpu.memref_slice %arg11[%dma_wait3A, %dma_wait3A_98] : memref<512x64xf32, #tpu.memory_space<vmem>> -> memref<128x64xf32, #tpu.memory_space<vmem>>
    %dma_wait3A_100 = arith.constant 0 : i32
    %dma_wait3A_101 = tpu.memref_slice %arg8[%dma_wait3A_100] : memref<512xi32, #tpu.memory_space<vmem>> -> memref<128xi32, #tpu.memory_space<vmem>>
    %dma_wait3A_102 = arith.constant 0 : i32
    %dma_wait3A_103 = arith.constant 0 : i32
    %dma_wait3A_104 = tpu.memref_slice %arg5[%dma_wait3A_102, %dma_wait3A_103] : memref<1000000x64xf32, #tpu.memory_space<hbm>> -> memref<1000000x64xf32, #tpu.memory_space<hbm>>
    tpu.wait_indirect_dma semaphore(%arg16 : memref<!tpu.dma_semaphore, #tpu.memory_space<semaphore_mem>>) src(%dma_wait3A_104 : memref<1000000x64xf32, #tpu.memory_space<hbm>>) dst(%dma_wait3A_99 : memref<128x64xf32, #tpu.memory_space<vmem>>)
    %dma_wait3A_105 = arith.constant 0 : i32
    %dma_wait3A_106 = arith.constant 0 : i32
    %dma_wait3A_107 = tpu.memref_slice %arg12[%dma_wait3A_105, %dma_wait3A_106] : memref<512x64xf32, #tpu.memory_space<vmem>> -> memref<128x64xf32, #tpu.memory_space<vmem>>
    %dma_wait3A_108 = arith.constant 0 : i32
    %dma_wait3A_109 = tpu.memref_slice %arg9[%dma_wait3A_108] : memref<512xi32, #tpu.memory_space<vmem>> -> memref<128xi32, #tpu.memory_space<vmem>>
    %dma_wait3A_110 = arith.constant 0 : i32
    %dma_wait3A_111 = arith.constant 0 : i32
    %dma_wait3A_112 = tpu.memref_slice %arg6[%dma_wait3A_110, %dma_wait3A_111] : memref<1000x64xf32, #tpu.memory_space<hbm>> -> memref<1000x64xf32, #tpu.memory_space<hbm>>
    tpu.wait_indirect_dma semaphore(%arg16 : memref<!tpu.dma_semaphore, #tpu.memory_space<semaphore_mem>>) src(%dma_wait3A_112 : memref<1000x64xf32, #tpu.memory_space<hbm>>) dst(%dma_wait3A_107 : memref<128x64xf32, #tpu.memory_space<vmem>>)
    %dma_wait3A_113 = arith.constant 0 : i32
    %dma_wait3A_114 = arith.constant 0 : i32
    %dma_wait3A_115 = tpu.memref_slice %arg13[%dma_wait3A_113, %dma_wait3A_114] : memref<512x64xf32, #tpu.memory_space<vmem>> -> memref<128x64xf32, #tpu.memory_space<vmem>>
    %dma_wait3A_116 = arith.constant 0 : i32
    %dma_wait3A_117 = tpu.memref_slice %arg10[%dma_wait3A_116] : memref<512xi32, #tpu.memory_space<vmem>> -> memref<128xi32, #tpu.memory_space<vmem>>
    %dma_wait3A_118 = arith.constant 0 : i32
    %dma_wait3A_119 = arith.constant 0 : i32
    %dma_wait3A_120 = tpu.memref_slice %arg5[%dma_wait3A_118, %dma_wait3A_119] : memref<1000000x64xf32, #tpu.memory_space<hbm>> -> memref<1000000x64xf32, #tpu.memory_space<hbm>>
    tpu.wait_indirect_dma semaphore(%arg16 : memref<!tpu.dma_semaphore, #tpu.memory_space<semaphore_mem>>) src(%dma_wait3A_120 : memref<1000000x64xf32, #tpu.memory_space<hbm>>) dst(%dma_wait3A_115 : memref<128x64xf32, #tpu.memory_space<vmem>>)
    %dma_wait3A_121 = arith.constant 128 : i32
    %dma_wait3A_122 = arith.constant 0 : i32
    %dma_wait3A_123 = tpu.memref_slice %arg11[%dma_wait3A_121, %dma_wait3A_122] : memref<512x64xf32, #tpu.memory_space<vmem>> -> memref<128x64xf32, #tpu.memory_space<vmem>>
    %dma_wait3A_124 = arith.constant 128 : i32
    %dma_wait3A_125 = tpu.memref_slice %arg8[%dma_wait3A_124] : memref<512xi32, #tpu.memory_space<vmem>> -> memref<128xi32, #tpu.memory_space<vmem>>
    %dma_wait3A_126 = arith.constant 0 : i32
    %dma_wait3A_127 = arith.constant 0 : i32
    %dma_wait3A_128 = tpu.memref_slice %arg5[%dma_wait3A_126, %dma_wait3A_127] : memref<1000000x64xf32, #tpu.memory_space<hbm>> -> memref<1000000x64xf32, #tpu.memory_space<hbm>>
    tpu.wait_indirect_dma semaphore(%arg16 : memref<!tpu.dma_semaphore, #tpu.memory_space<semaphore_mem>>) src(%dma_wait3A_128 : memref<1000000x64xf32, #tpu.memory_space<hbm>>) dst(%dma_wait3A_123 : memref<128x64xf32, #tpu.memory_space<vmem>>)
    %dma_wait3A_129 = arith.constant 128 : i32
    %dma_wait3A_130 = arith.constant 0 : i32
    %dma_wait3A_131 = tpu.memref_slice %arg12[%dma_wait3A_129, %dma_wait3A_130] : memref<512x64xf32, #tpu.memory_space<vmem>> -> memref<128x64xf32, #tpu.memory_space<vmem>>
    %dma_wait3A_132 = arith.constant 128 : i32
    %dma_wait3A_133 = tpu.memref_slice %arg9[%dma_wait3A_132] : memref<512xi32, #tpu.memory_space<vmem>> -> memref<128xi32, #tpu.memory_space<vmem>>
    %dma_wait3A_134 = arith.constant 0 : i32
    %dma_wait3A_135 = arith.constant 0 : i32
    %dma_wait3A_136 = tpu.memref_slice %arg6[%dma_wait3A_134, %dma_wait3A_135] : memref<1000x64xf32, #tpu.memory_space<hbm>> -> memref<1000x64xf32, #tpu.memory_space<hbm>>
    tpu.wait_indirect_dma semaphore(%arg16 : memref<!tpu.dma_semaphore, #tpu.memory_space<semaphore_mem>>) src(%dma_wait3A_136 : memref<1000x64xf32, #tpu.memory_space<hbm>>) dst(%dma_wait3A_131 : memref<128x64xf32, #tpu.memory_space<vmem>>)
    %dma_wait3A_137 = arith.constant 128 : i32
    %dma_wait3A_138 = arith.constant 0 : i32
    %dma_wait3A_139 = tpu.memref_slice %arg13[%dma_wait3A_137, %dma_wait3A_138] : memref<512x64xf32, #tpu.memory_space<vmem>> -> memref<128x64xf32, #tpu.memory_space<vmem>>
    %dma_wait3A_140 = arith.constant 128 : i32
    %dma_wait3A_141 = tpu.memref_slice %arg10[%dma_wait3A_140] : memref<512xi32, #tpu.memory_space<vmem>> -> memref<128xi32, #tpu.memory_space<vmem>>
    %dma_wait3A_142 = arith.constant 0 : i32
    %dma_wait3A_143 = arith.constant 0 : i32
    %dma_wait3A_144 = tpu.memref_slice %arg5[%dma_wait3A_142, %dma_wait3A_143] : memref<1000000x64xf32, #tpu.memory_space<hbm>> -> memref<1000000x64xf32, #tpu.memory_space<hbm>>
    tpu.wait_indirect_dma semaphore(%arg16 : memref<!tpu.dma_semaphore, #tpu.memory_space<semaphore_mem>>) src(%dma_wait3A_144 : memref<1000000x64xf32, #tpu.memory_space<hbm>>) dst(%dma_wait3A_139 : memref<128x64xf32, #tpu.memory_space<vmem>>)
    %dma_wait3A_145 = arith.constant 256 : i32
    %dma_wait3A_146 = arith.constant 0 : i32
    %dma_wait3A_147 = tpu.memref_slice %arg11[%dma_wait3A_145, %dma_wait3A_146] : memref<512x64xf32, #tpu.memory_space<vmem>> -> memref<128x64xf32, #tpu.memory_space<vmem>>
    %dma_wait3A_148 = arith.constant 256 : i32
    %dma_wait3A_149 = tpu.memref_slice %arg8[%dma_wait3A_148] : memref<512xi32, #tpu.memory_space<vmem>> -> memref<128xi32, #tpu.memory_space<vmem>>
    %dma_wait3A_150 = arith.constant 0 : i32
    %dma_wait3A_151 = arith.constant 0 : i32
    %dma_wait3A_152 = tpu.memref_slice %arg5[%dma_wait3A_150, %dma_wait3A_151] : memref<1000000x64xf32, #tpu.memory_space<hbm>> -> memref<1000000x64xf32, #tpu.memory_space<hbm>>
    tpu.wait_indirect_dma semaphore(%arg16 : memref<!tpu.dma_semaphore, #tpu.memory_space<semaphore_mem>>) src(%dma_wait3A_152 : memref<1000000x64xf32, #tpu.memory_space<hbm>>) dst(%dma_wait3A_147 : memref<128x64xf32, #tpu.memory_space<vmem>>)
    %dma_wait3A_153 = arith.constant 256 : i32
    %dma_wait3A_154 = arith.constant 0 : i32
    %dma_wait3A_155 = tpu.memref_slice %arg12[%dma_wait3A_153, %dma_wait3A_154] : memref<512x64xf32, #tpu.memory_space<vmem>> -> memref<128x64xf32, #tpu.memory_space<vmem>>
    %dma_wait3A_156 = arith.constant 256 : i32
    %dma_wait3A_157 = tpu.memref_slice %arg9[%dma_wait3A_156] : memref<512xi32, #tpu.memory_space<vmem>> -> memref<128xi32, #tpu.memory_space<vmem>>
    %dma_wait3A_158 = arith.constant 0 : i32
    %dma_wait3A_159 = arith.constant 0 : i32
    %dma_wait3A_160 = tpu.memref_slice %arg6[%dma_wait3A_158, %dma_wait3A_159] : memref<1000x64xf32, #tpu.memory_space<hbm>> -> memref<1000x64xf32, #tpu.memory_space<hbm>>
    tpu.wait_indirect_dma semaphore(%arg16 : memref<!tpu.dma_semaphore, #tpu.memory_space<semaphore_mem>>) src(%dma_wait3A_160 : memref<1000x64xf32, #tpu.memory_space<hbm>>) dst(%dma_wait3A_155 : memref<128x64xf32, #tpu.memory_space<vmem>>)
    %dma_wait3A_161 = arith.constant 256 : i32
    %dma_wait3A_162 = arith.constant 0 : i32
    %dma_wait3A_163 = tpu.memref_slice %arg13[%dma_wait3A_161, %dma_wait3A_162] : memref<512x64xf32, #tpu.memory_space<vmem>> -> memref<128x64xf32, #tpu.memory_space<vmem>>
    %dma_wait3A_164 = arith.constant 256 : i32
    %dma_wait3A_165 = tpu.memref_slice %arg10[%dma_wait3A_164] : memref<512xi32, #tpu.memory_space<vmem>> -> memref<128xi32, #tpu.memory_space<vmem>>
    %dma_wait3A_166 = arith.constant 0 : i32
    %dma_wait3A_167 = arith.constant 0 : i32
    %dma_wait3A_168 = tpu.memref_slice %arg5[%dma_wait3A_166, %dma_wait3A_167] : memref<1000000x64xf32, #tpu.memory_space<hbm>> -> memref<1000000x64xf32, #tpu.memory_space<hbm>>
    tpu.wait_indirect_dma semaphore(%arg16 : memref<!tpu.dma_semaphore, #tpu.memory_space<semaphore_mem>>) src(%dma_wait3A_168 : memref<1000000x64xf32, #tpu.memory_space<hbm>>) dst(%dma_wait3A_163 : memref<128x64xf32, #tpu.memory_space<vmem>>)
    %dma_wait3A_169 = arith.constant 384 : i32
    %dma_wait3A_170 = arith.constant 0 : i32
    %dma_wait3A_171 = tpu.memref_slice %arg11[%dma_wait3A_169, %dma_wait3A_170] : memref<512x64xf32, #tpu.memory_space<vmem>> -> memref<128x64xf32, #tpu.memory_space<vmem>>
    %dma_wait3A_172 = arith.constant 384 : i32
    %dma_wait3A_173 = tpu.memref_slice %arg8[%dma_wait3A_172] : memref<512xi32, #tpu.memory_space<vmem>> -> memref<128xi32, #tpu.memory_space<vmem>>
    %dma_wait3A_174 = arith.constant 0 : i32
    %dma_wait3A_175 = arith.constant 0 : i32
    %dma_wait3A_176 = tpu.memref_slice %arg5[%dma_wait3A_174, %dma_wait3A_175] : memref<1000000x64xf32, #tpu.memory_space<hbm>> -> memref<1000000x64xf32, #tpu.memory_space<hbm>>
    tpu.wait_indirect_dma semaphore(%arg16 : memref<!tpu.dma_semaphore, #tpu.memory_space<semaphore_mem>>) src(%dma_wait3A_176 : memref<1000000x64xf32, #tpu.memory_space<hbm>>) dst(%dma_wait3A_171 : memref<128x64xf32, #tpu.memory_space<vmem>>)
    %dma_wait3A_177 = arith.constant 384 : i32
    %dma_wait3A_178 = arith.constant 0 : i32
    %dma_wait3A_179 = tpu.memref_slice %arg12[%dma_wait3A_177, %dma_wait3A_178] : memref<512x64xf32, #tpu.memory_space<vmem>> -> memref<128x64xf32, #tpu.memory_space<vmem>>
    %dma_wait3A_180 = arith.constant 384 : i32
    %dma_wait3A_181 = tpu.memref_slice %arg9[%dma_wait3A_180] : memref<512xi32, #tpu.memory_space<vmem>> -> memref<128xi32, #tpu.memory_space<vmem>>
    %dma_wait3A_182 = arith.constant 0 : i32
    %dma_wait3A_183 = arith.constant 0 : i32
    %dma_wait3A_184 = tpu.memref_slice %arg6[%dma_wait3A_182, %dma_wait3A_183] : memref<1000x64xf32, #tpu.memory_space<hbm>> -> memref<1000x64xf32, #tpu.memory_space<hbm>>
    tpu.wait_indirect_dma semaphore(%arg16 : memref<!tpu.dma_semaphore, #tpu.memory_space<semaphore_mem>>) src(%dma_wait3A_184 : memref<1000x64xf32, #tpu.memory_space<hbm>>) dst(%dma_wait3A_179 : memref<128x64xf32, #tpu.memory_space<vmem>>)
    %dma_wait3A_185 = arith.constant 384 : i32
    %dma_wait3A_186 = arith.constant 0 : i32
    %dma_wait3A_187 = tpu.memref_slice %arg13[%dma_wait3A_185, %dma_wait3A_186] : memref<512x64xf32, #tpu.memory_space<vmem>> -> memref<128x64xf32, #tpu.memory_space<vmem>>
    %dma_wait3A_188 = arith.constant 384 : i32
    %dma_wait3A_189 = tpu.memref_slice %arg10[%dma_wait3A_188] : memref<512xi32, #tpu.memory_space<vmem>> -> memref<128xi32, #tpu.memory_space<vmem>>
    %dma_wait3A_190 = arith.constant 0 : i32
    %dma_wait3A_191 = arith.constant 0 : i32
    %dma_wait3A_192 = tpu.memref_slice %arg5[%dma_wait3A_190, %dma_wait3A_191] : memref<1000000x64xf32, #tpu.memory_space<hbm>> -> memref<1000000x64xf32, #tpu.memory_space<hbm>>
    tpu.wait_indirect_dma semaphore(%arg16 : memref<!tpu.dma_semaphore, #tpu.memory_space<semaphore_mem>>) src(%dma_wait3A_192 : memref<1000000x64xf32, #tpu.memory_space<hbm>>) dst(%dma_wait3A_187 : memref<128x64xf32, #tpu.memory_space<vmem>>)
    %iota3A = tpu.iota {dimensions = array<i32: 0>} : vector<16xi32>
    %scan3A = arith.constant 0 : i32
    %scan3A_193 = arith.constant 0 : i32
    %scan3A_194 = arith.constant 32 : i32
    %scan3A_195 = arith.addi %scan3A_193, %scan3A_194 : i32
    %scan3A_196 = arith.constant 1 : i32
    scf.for %scan3A_198 = %scan3A_193 to %scan3A_195 step %scan3A_196  : i32 {
      %broadcast_in_dim3A = arith.constant 0.000000e+00 : f32
      %broadcast_in_dim3A_199 = vector.broadcast %broadcast_in_dim3A : f32 to vector<16xf32>
      %mul3A_200 = arith.constant 16 : i32
      %mul3A_201 = arith.muli %scan3A_198, %mul3A_200 : i32
      %add3A_202 = arith.constant 0 : i32
      %add3A_203 = arith.addi %mul3A_201, %add3A_202 : i32
      %get3A = arith.index_cast %add3A_203 : i32 to index
      %get3A_204 = arith.constant 0 : index
      %get3A_205 = tpu.vector_load %arg11[%get3A, %get3A_204] {strides = array<i32>} : memref<512x64xf32, #tpu.memory_space<vmem>>, vector<1x16xf32>,
      %get3A_206 = vector.shape_cast %get3A_205 : vector<1x16xf32> to vector<16xf32>
      %get3A_207 = arith.index_cast %add3A_203 : i32 to index
      %get3A_208 = arith.constant 16 : index
      %get3A_209 = tpu.vector_load %arg11[%get3A_207, %get3A_208] {strides = array<i32>} : memref<512x64xf32, #tpu.memory_space<vmem>>, vector<1x16xf32>,
      %get3A_210 = vector.shape_cast %get3A_209 : vector<1x16xf32> to vector<16xf32>
      %get3A_211 = arith.index_cast %add3A_203 : i32 to index
      %get3A_212 = arith.constant 32 : index
      %get3A_213 = tpu.vector_load %arg11[%get3A_211, %get3A_212] {strides = array<i32>} : memref<512x64xf32, #tpu.memory_space<vmem>>, vector<1x16xf32>,
      %get3A_214 = vector.shape_cast %get3A_213 : vector<1x16xf32> to vector<16xf32>
      %get3A_215 = arith.index_cast %add3A_203 : i32 to index
      %get3A_216 = arith.constant 48 : index
      %get3A_217 = tpu.vector_load %arg11[%get3A_215, %get3A_216] {strides = array<i32>} : memref<512x64xf32, #tpu.memory_space<vmem>>, vector<1x16xf32>,
      %get3A_218 = vector.shape_cast %get3A_217 : vector<1x16xf32> to vector<16xf32>
      %get3A_219 = arith.index_cast %add3A_203 : i32 to index
      %get3A_220 = arith.constant 0 : index
      %get3A_221 = tpu.vector_load %arg12[%get3A_219, %get3A_220] {strides = array<i32>} : memref<512x64xf32, #tpu.memory_space<vmem>>, vector<1x16xf32>,
      %get3A_222 = vector.shape_cast %get3A_221 : vector<1x16xf32> to vector<16xf32>
      %get3A_223 = arith.index_cast %add3A_203 : i32 to index
      %get3A_224 = arith.constant 16 : index
      %get3A_225 = tpu.vector_load %arg12[%get3A_223, %get3A_224] {strides = array<i32>} : memref<512x64xf32, #tpu.memory_space<vmem>>, vector<1x16xf32>,
      %get3A_226 = vector.shape_cast %get3A_225 : vector<1x16xf32> to vector<16xf32>
      %get3A_227 = arith.index_cast %add3A_203 : i32 to index
      %get3A_228 = arith.constant 32 : index
      %get3A_229 = tpu.vector_load %arg12[%get3A_227, %get3A_228] {strides = array<i32>} : memref<512x64xf32, #tpu.memory_space<vmem>>, vector<1x16xf32>,
      %get3A_230 = vector.shape_cast %get3A_229 : vector<1x16xf32> to vector<16xf32>
      %get3A_231 = arith.index_cast %add3A_203 : i32 to index
      %get3A_232 = arith.constant 48 : index
      %get3A_233 = tpu.vector_load %arg12[%get3A_231, %get3A_232] {strides = array<i32>} : memref<512x64xf32, #tpu.memory_space<vmem>>, vector<1x16xf32>,
      %get3A_234 = vector.shape_cast %get3A_233 : vector<1x16xf32> to vector<16xf32>
      %get3A_235 = arith.index_cast %add3A_203 : i32 to index
      %get3A_236 = arith.constant 0 : index
      %get3A_237 = tpu.vector_load %arg13[%get3A_235, %get3A_236] {strides = array<i32>} : memref<512x64xf32, #tpu.memory_space<vmem>>, vector<1x16xf32>,
      %get3A_238 = vector.shape_cast %get3A_237 : vector<1x16xf32> to vector<16xf32>
      %get3A_239 = arith.index_cast %add3A_203 : i32 to index
      %get3A_240 = arith.constant 16 : index
      %get3A_241 = tpu.vector_load %arg13[%get3A_239, %get3A_240] {strides = array<i32>} : memref<512x64xf32, #tpu.memory_space<vmem>>, vector<1x16xf32>,
      %get3A_242 = vector.shape_cast %get3A_241 : vector<1x16xf32> to vector<16xf32>
      %get3A_243 = arith.index_cast %add3A_203 : i32 to index
      %get3A_244 = arith.constant 32 : index
      %get3A_245 = tpu.vector_load %arg13[%get3A_243, %get3A_244] {strides = array<i32>} : memref<512x64xf32, #tpu.memory_space<vmem>>, vector<1x16xf32>,
      %get3A_246 = vector.shape_cast %get3A_245 : vector<1x16xf32> to vector<16xf32>
      %get3A_247 = arith.index_cast %add3A_203 : i32 to index
      %get3A_248 = arith.constant 48 : index
      %get3A_249 = tpu.vector_load %arg13[%get3A_247, %get3A_248] {strides = array<i32>} : memref<512x64xf32, #tpu.memory_space<vmem>>, vector<1x16xf32>,
      %get3A_250 = vector.shape_cast %get3A_249 : vector<1x16xf32> to vector<16xf32>
      %mul3A_251 = arith.mulf %get3A_206, %get3A_222 : vector<16xf32>
      %mul3A_252 = arith.mulf %get3A_214, %get3A_230 : vector<16xf32>
      %sub3A = arith.subf %mul3A_251, %mul3A_252 : vector<16xf32>
      %mul3A_253 = arith.mulf %get3A_210, %get3A_226 : vector<16xf32>
      %mul3A_254 = arith.mulf %get3A_218, %get3A_234 : vector<16xf32>
      %sub3A_255 = arith.subf %mul3A_253, %mul3A_254 : vector<16xf32>
      %mul3A_256 = arith.mulf %get3A_206, %get3A_230 : vector<16xf32>
      %mul3A_257 = arith.mulf %get3A_214, %get3A_222 : vector<16xf32>
      %add3A_258 = arith.addf %mul3A_256, %mul3A_257 : vector<16xf32>
      %mul3A_259 = arith.mulf %get3A_210, %get3A_234 : vector<16xf32>
      %mul3A_260 = arith.mulf %get3A_218, %get3A_226 : vector<16xf32>
      %add3A_261 = arith.addf %mul3A_259, %mul3A_260 : vector<16xf32>
      %mul3A_262 = arith.mulf %sub3A, %get3A_238 : vector<16xf32>
      %mul3A_263 = arith.mulf %sub3A_255, %get3A_242 : vector<16xf32>
      %add3A_264 = arith.addf %mul3A_262, %mul3A_263 : vector<16xf32>
      %mul3A_265 = arith.mulf %add3A_258, %get3A_246 : vector<16xf32>
      %add3A_266 = arith.addf %add3A_264, %mul3A_265 : vector<16xf32>
      %mul3A_267 = arith.mulf %add3A_261, %get3A_250 : vector<16xf32>
      %add3A_268 = arith.addf %add3A_266, %mul3A_267 : vector<16xf32>
      %swap3A = arith.constant 0 : i32
      %swap3A_269 = arith.index_cast %swap3A : i32 to index
      %swap3A_270 = arith.constant 16 : index
      %swap3A_271 = tpu.vector_load %arg15[%swap3A_269, %swap3A_270] {strides = array<i32>} : memref<16x48xf32, #tpu.memory_space<vmem>>, vector<1x16xf32>,
      %swap3A_272 = vector.shape_cast %swap3A_271 : vector<1x16xf32> to vector<16xf32>
      %swap3A_273 = vector.shape_cast %add3A_268 : vector<16xf32> to vector<1x16xf32>
      tpu.vector_store %arg15[%swap3A_269, %swap3A_270], %swap3A_273 {strides = array<i32>} : memref<16x48xf32, #tpu.memory_space<vmem>>, vector<1x16xf32>,
      %get3A_274 = arith.constant 0 : i32
      %get3A_275 = arith.index_cast %get3A_274 : i32 to index
      %get3A_276 = arith.constant 24 : index
      %get3A_277 = tpu.vector_load %arg15[%get3A_275, %get3A_276] {strides = array<i32>} : memref<16x48xf32, #tpu.memory_space<vmem>>, vector<1x16xf32>,
      %get3A_278 = vector.shape_cast %get3A_277 : vector<1x16xf32> to vector<16xf32>
      %add3A_279 = arith.addf %add3A_268, %get3A_278 : vector<16xf32>
      %swap3A_280 = arith.constant 0 : i32
      %swap3A_281 = arith.index_cast %swap3A_280 : i32 to index
      %swap3A_282 = arith.constant 16 : index
      %swap3A_283 = tpu.vector_load %arg15[%swap3A_281, %swap3A_282] {strides = array<i32>} : memref<16x48xf32, #tpu.memory_space<vmem>>, vector<1x16xf32>,
      %swap3A_284 = vector.shape_cast %swap3A_283 : vector<1x16xf32> to vector<16xf32>
      %swap3A_285 = vector.shape_cast %add3A_279 : vector<16xf32> to vector<1x16xf32>
      tpu.vector_store %arg15[%swap3A_281, %swap3A_282], %swap3A_285 {strides = array<i32>} : memref<16x48xf32, #tpu.memory_space<vmem>>, vector<1x16xf32>,
      %get3A_286 = arith.constant 0 : i32
      %get3A_287 = arith.index_cast %get3A_286 : i32 to index
      %get3A_288 = arith.constant 20 : index
      %get3A_289 = tpu.vector_load %arg15[%get3A_287, %get3A_288] {strides = array<i32>} : memref<16x48xf32, #tpu.memory_space<vmem>>, vector<1x16xf32>,
      %get3A_290 = vector.shape_cast %get3A_289 : vector<1x16xf32> to vector<16xf32>
      %add3A_291 = arith.addf %add3A_279, %get3A_290 : vector<16xf32>
      %swap3A_292 = arith.constant 0 : i32
      %swap3A_293 = arith.index_cast %swap3A_292 : i32 to index
      %swap3A_294 = arith.constant 16 : index
      %swap3A_295 = tpu.vector_load %arg15[%swap3A_293, %swap3A_294] {strides = array<i32>} : memref<16x48xf32, #tpu.memory_space<vmem>>, vector<1x16xf32>,
      %swap3A_296 = vector.shape_cast %swap3A_295 : vector<1x16xf32> to vector<16xf32>
      %swap3A_297 = vector.shape_cast %add3A_291 : vector<16xf32> to vector<1x16xf32>
      tpu.vector_store %arg15[%swap3A_293, %swap3A_294], %swap3A_297 {strides = array<i32>} : memref<16x48xf32, #tpu.memory_space<vmem>>, vector<1x16xf32>,
      %get3A_298 = arith.constant 0 : i32
      %get3A_299 = arith.index_cast %get3A_298 : i32 to index
      %get3A_300 = arith.constant 18 : index
      %get3A_301 = tpu.vector_load %arg15[%get3A_299, %get3A_300] {strides = array<i32>} : memref<16x48xf32, #tpu.memory_space<vmem>>, vector<1x16xf32>,
      %get3A_302 = vector.shape_cast %get3A_301 : vector<1x16xf32> to vector<16xf32>
      %add3A_303 = arith.addf %add3A_291, %get3A_302 : vector<16xf32>
      %swap3A_304 = arith.constant 0 : i32
      %swap3A_305 = arith.index_cast %swap3A_304 : i32 to index
      %swap3A_306 = arith.constant 16 : index
      %swap3A_307 = tpu.vector_load %arg15[%swap3A_305, %swap3A_306] {strides = array<i32>} : memref<16x48xf32, #tpu.memory_space<vmem>>, vector<1x16xf32>,
      %swap3A_308 = vector.shape_cast %swap3A_307 : vector<1x16xf32> to vector<16xf32>
      %swap3A_309 = vector.shape_cast %add3A_303 : vector<16xf32> to vector<1x16xf32>
      tpu.vector_store %arg15[%swap3A_305, %swap3A_306], %swap3A_309 {strides = array<i32>} : memref<16x48xf32, #tpu.memory_space<vmem>>, vector<1x16xf32>,
      %get3A_310 = arith.constant 0 : i32
      %get3A_311 = arith.index_cast %get3A_310 : i32 to index
      %get3A_312 = arith.constant 17 : index
      %get3A_313 = tpu.vector_load %arg15[%get3A_311, %get3A_312] {strides = array<i32>} : memref<16x48xf32, #tpu.memory_space<vmem>>, vector<1x16xf32>,
      %get3A_314 = vector.shape_cast %get3A_313 : vector<1x16xf32> to vector<16xf32>
      %add3A_315 = arith.addf %add3A_303, %get3A_314 : vector<16xf32>
      %eq3A = arith.constant 0 : i32
      %eq3A_316 = vector.broadcast %eq3A : i32 to vector<16xi32>
      %eq3A_317 = arith.cmpi eq, %iota3A, %eq3A_316 : vector<16xi32>
      %select_n3A = arith.select %eq3A_317, %add3A_315, %broadcast_in_dim3A_199 : vector<16xi1>, vector<16xf32>
      %mul3A_318 = arith.constant 16 : i32
      %mul3A_319 = arith.muli %scan3A_198, %mul3A_318 : i32
      %add3A_320 = arith.constant 1 : i32
      %add3A_321 = arith.addi %mul3A_319, %add3A_320 : i32
      %get3A_322 = arith.index_cast %add3A_321 : i32 to index
      %get3A_323 = arith.constant 0 : index
      %get3A_324 = tpu.vector_load %arg11[%get3A_322, %get3A_323] {strides = array<i32>} : memref<512x64xf32, #tpu.memory_space<vmem>>, vector<1x16xf32>,
      %get3A_325 = vector.shape_cast %get3A_324 : vector<1x16xf32> to vector<16xf32>
      %get3A_326 = arith.index_cast %add3A_321 : i32 to index
      %get3A_327 = arith.constant 16 : index
      %get3A_328 = tpu.vector_load %arg11[%get3A_326, %get3A_327] {strides = array<i32>} : memref<512x64xf32, #tpu.memory_space<vmem>>, vector<1x16xf32>,
      %get3A_329 = vector.shape_cast %get3A_328 : vector<1x16xf32> to vector<16xf32>
      %get3A_330 = arith.index_cast %add3A_321 : i32 to index
      %get3A_331 = arith.constant 32 : index
      %get3A_332 = tpu.vector_load %arg11[%get3A_330, %get3A_331] {strides = array<i32>} : memref<512x64xf32, #tpu.memory_space<vmem>>, vector<1x16xf32>,
      %get3A_333 = vector.shape_cast %get3A_332 : vector<1x16xf32> to vector<16xf32>
      %get3A_334 = arith.index_cast %add3A_321 : i32 to index
      %get3A_335 = arith.constant 48 : index
      %get3A_336 = tpu.vector_load %arg11[%get3A_334, %get3A_335] {strides = array<i32>} : memref<512x64xf32, #tpu.memory_space<vmem>>, vector<1x16xf32>,
      %get3A_337 = vector.shape_cast %get3A_336 : vector<1x16xf32> to vector<16xf32>
      %get3A_338 = arith.index_cast %add3A_321 : i32 to index
      %get3A_339 = arith.constant 0 : index
      %get3A_340 = tpu.vector_load %arg12[%get3A_338, %get3A_339] {strides = array<i32>} : memref<512x64xf32, #tpu.memory_space<vmem>>, vector<1x16xf32>,
      %get3A_341 = vector.shape_cast %get3A_340 : vector<1x16xf32> to vector<16xf32>
      %get3A_342 = arith.index_cast %add3A_321 : i32 to index
      %get3A_343 = arith.constant 16 : index
      %get3A_344 = tpu.vector_load %arg12[%get3A_342, %get3A_343] {strides = array<i32>} : memref<512x64xf32, #tpu.memory_space<vmem>>, vector<1x16xf32>,
      %get3A_345 = vector.shape_cast %get3A_344 : vector<1x16xf32> to vector<16xf32>
      %get3A_346 = arith.index_cast %add3A_321 : i32 to index
      %get3A_347 = arith.constant 32 : index
      %get3A_348 = tpu.vector_load %arg12[%get3A_346, %get3A_347] {strides = array<i32>} : memref<512x64xf32, #tpu.memory_space<vmem>>, vector<1x16xf32>,
      %get3A_349 = vector.shape_cast %get3A_348 : vector<1x16xf32> to vector<16xf32>
      %get3A_350 = arith.index_cast %add3A_321 : i32 to index
      %get3A_351 = arith.constant 48 : index
      %get3A_352 = tpu.vector_load %arg12[%get3A_350, %get3A_351] {strides = array<i32>} : memref<512x64xf32, #tpu.memory_space<vmem>>, vector<1x16xf32>,
      %get3A_353 = vector.shape_cast %get3A_352 : vector<1x16xf32> to vector<16xf32>
      %get3A_354 = arith.index_cast %add3A_321 : i32 to index
      %get3A_355 = arith.constant 0 : index
      %get3A_356 = tpu.vector_load %arg13[%get3A_354, %get3A_355] {strides = array<i32>} : memref<512x64xf32, #tpu.memory_space<vmem>>, vector<1x16xf32>,
      %get3A_357 = vector.shape_cast %get3A_356 : vector<1x16xf32> to vector<16xf32>
      %get3A_358 = arith.index_cast %add3A_321 : i32 to index
      %get3A_359 = arith.constant 16 : index
      %get3A_360 = tpu.vector_load %arg13[%get3A_358, %get3A_359] {strides = array<i32>} : memref<512x64xf32, #tpu.memory_space<vmem>>, vector<1x16xf32>,
      %get3A_361 = vector.shape_cast %get3A_360 : vector<1x16xf32> to vector<16xf32>
      %get3A_362 = arith.index_cast %add3A_321 : i32 to index
      %get3A_363 = arith.constant 32 : index
      %get3A_364 = tpu.vector_load %arg13[%get3A_362, %get3A_363] {strides = array<i32>} : memref<512x64xf32, #tpu.memory_space<vmem>>, vector<1x16xf32>,
      %get3A_365 = vector.shape_cast %get3A_364 : vector<1x16xf32> to vector<16xf32>
      %get3A_366 = arith.index_cast %add3A_321 : i32 to index
      %get3A_367 = arith.constant 48 : index
      %get3A_368 = tpu.vector_load %arg13[%get3A_366, %get3A_367] {strides = array<i32>} : memref<512x64xf32, #tpu.memory_space<vmem>>, vector<1x16xf32>,
      %get3A_369 = vector.shape_cast %get3A_368 : vector<1x16xf32> to vector<16xf32>
      %mul3A_370 = arith.mulf %get3A_325, %get3A_341 : vector<16xf32>
      %mul3A_371 = arith.mulf %get3A_333, %get3A_349 : vector<16xf32>
      %sub3A_372 = arith.subf %mul3A_370, %mul3A_371 : vector<16xf32>
      %mul3A_373 = arith.mulf %get3A_329, %get3A_345 : vector<16xf32>
      %mul3A_374 = arith.mulf %get3A_337, %get3A_353 : vector<16xf32>
      %sub3A_375 = arith.subf %mul3A_373, %mul3A_374 : vector<16xf32>
      %mul3A_376 = arith.mulf %get3A_325, %get3A_349 : vector<16xf32>
      %mul3A_377 = arith.mulf %get3A_333, %get3A_341 : vector<16xf32>
      %add3A_378 = arith.addf %mul3A_376, %mul3A_377 : vector<16xf32>
      %mul3A_379 = arith.mulf %get3A_329, %get3A_353 : vector<16xf32>
      %mul3A_380 = arith.mulf %get3A_337, %get3A_345 : vector<16xf32>
      %add3A_381 = arith.addf %mul3A_379, %mul3A_380 : vector<16xf32>
      %mul3A_382 = arith.mulf %sub3A_372, %get3A_357 : vector<16xf32>
      %mul3A_383 = arith.mulf %sub3A_375, %get3A_361 : vector<16xf32>
      %add3A_384 = arith.addf %mul3A_382, %mul3A_383 : vector<16xf32>
      %mul3A_385 = arith.mulf %add3A_378, %get3A_365 : vector<16xf32>
      %add3A_386 = arith.addf %add3A_384, %mul3A_385 : vector<16xf32>
      %mul3A_387 = arith.mulf %add3A_381, %get3A_369 : vector<16xf32>
      %add3A_388 = arith.addf %add3A_386, %mul3A_387 : vector<16xf32>
      %swap3A_389 = arith.constant 1 : i32
      %swap3A_390 = arith.index_cast %swap3A_389 : i32 to index
      %swap3A_391 = arith.constant 16 : index
      %swap3A_392 = tpu.vector_load %arg15[%swap3A_390, %swap3A_391] {strides = array<i32>} : memref<16x48xf32, #tpu.memory_space<vmem>>, vector<1x16xf32>,
      %swap3A_393 = vector.shape_cast %swap3A_392 : vector<1x16xf32> to vector<16xf32>
      %swap3A_394 = vector.shape_cast %add3A_388 : vector<16xf32> to vector<1x16xf32>
      tpu.vector_store %arg15[%swap3A_390, %swap3A_391], %swap3A_394 {strides = array<i32>} : memref<16x48xf32, #tpu.memory_space<vmem>>, vector<1x16xf32>,
      %get3A_395 = arith.constant 1 : i32
      %get3A_396 = arith.index_cast %get3A_395 : i32 to index
      %get3A_397 = arith.constant 24 : index
      %get3A_398 = tpu.vector_load %arg15[%get3A_396, %get3A_397] {strides = array<i32>} : memref<16x48xf32, #tpu.memory_space<vmem>>, vector<1x16xf32>,
      %get3A_399 = vector.shape_cast %get3A_398 : vector<1x16xf32> to vector<16xf32>
      %add3A_400 = arith.addf %add3A_388, %get3A_399 : vector<16xf32>
      %swap3A_401 = arith.constant 1 : i32
      %swap3A_402 = arith.index_cast %swap3A_401 : i32 to index
      %swap3A_403 = arith.constant 16 : index
      %swap3A_404 = tpu.vector_load %arg15[%swap3A_402, %swap3A_403] {strides = array<i32>} : memref<16x48xf32, #tpu.memory_space<vmem>>, vector<1x16xf32>,
      %swap3A_405 = vector.shape_cast %swap3A_404 : vector<1x16xf32> to vector<16xf32>
      %swap3A_406 = vector.shape_cast %add3A_400 : vector<16xf32> to vector<1x16xf32>
      tpu.vector_store %arg15[%swap3A_402, %swap3A_403], %swap3A_406 {strides = array<i32>} : memref<16x48xf32, #tpu.memory_space<vmem>>, vector<1x16xf32>,
      %get3A_407 = arith.constant 1 : i32
      %get3A_408 = arith.index_cast %get3A_407 : i32 to index
      %get3A_409 = arith.constant 20 : index
      %get3A_410 = tpu.vector_load %arg15[%get3A_408, %get3A_409] {strides = array<i32>} : memref<16x48xf32, #tpu.memory_space<vmem>>, vector<1x16xf32>,
      %get3A_411 = vector.shape_cast %get3A_410 : vector<1x16xf32> to vector<16xf32>
      %add3A_412 = arith.addf %add3A_400, %get3A_411 : vector<16xf32>
      %swap3A_413 = arith.constant 1 : i32
      %swap3A_414 = arith.index_cast %swap3A_413 : i32 to index
      %swap3A_415 = arith.constant 16 : index
      %swap3A_416 = tpu.vector_load %arg15[%swap3A_414, %swap3A_415] {strides = array<i32>} : memref<16x48xf32, #tpu.memory_space<vmem>>, vector<1x16xf32>,
      %swap3A_417 = vector.shape_cast %swap3A_416 : vector<1x16xf32> to vector<16xf32>
      %swap3A_418 = vector.shape_cast %add3A_412 : vector<16xf32> to vector<1x16xf32>
      tpu.vector_store %arg15[%swap3A_414, %swap3A_415], %swap3A_418 {strides = array<i32>} : memref<16x48xf32, #tpu.memory_space<vmem>>, vector<1x16xf32>,
      %get3A_419 = arith.constant 1 : i32
      %get3A_420 = arith.index_cast %get3A_419 : i32 to index
      %get3A_421 = arith.constant 18 : index
      %get3A_422 = tpu.vector_load %arg15[%get3A_420, %get3A_421] {strides = array<i32>} : memref<16x48xf32, #tpu.memory_space<vmem>>, vector<1x16xf32>,
      %get3A_423 = vector.shape_cast %get3A_422 : vector<1x16xf32> to vector<16xf32>
      %add3A_424 = arith.addf %add3A_412, %get3A_423 : vector<16xf32>
      %swap3A_425 = arith.constant 1 : i32
      %swap3A_426 = arith.index_cast %swap3A_425 : i32 to index
      %swap3A_427 = arith.constant 16 : index
      %swap3A_428 = tpu.vector_load %arg15[%swap3A_426, %swap3A_427] {strides = array<i32>} : memref<16x48xf32, #tpu.memory_space<vmem>>, vector<1x16xf32>,
      %swap3A_429 = vector.shape_cast %swap3A_428 : vector<1x16xf32> to vector<16xf32>
      %swap3A_430 = vector.shape_cast %add3A_424 : vector<16xf32> to vector<1x16xf32>
      tpu.vector_store %arg15[%swap3A_426, %swap3A_427], %swap3A_430 {strides = array<i32>} : memref<16x48xf32, #tpu.memory_space<vmem>>, vector<1x16xf32>,
      %get3A_431 = arith.constant 1 : i32
      %get3A_432 = arith.index_cast %get3A_431 : i32 to index
      %get3A_433 = arith.constant 15 : index
      %get3A_434 = tpu.vector_load %arg15[%get3A_432, %get3A_433] {strides = array<i32>} : memref<16x48xf32, #tpu.memory_space<vmem>>, vector<1x16xf32>,
      %get3A_435 = vector.shape_cast %get3A_434 : vector<1x16xf32> to vector<16xf32>
      %add3A_436 = arith.addf %add3A_424, %get3A_435 : vector<16xf32>
      %eq3A_437 = arith.constant 1 : i32
      %eq3A_438 = vector.broadcast %eq3A_437 : i32 to vector<16xi32>
      %eq3A_439 = arith.cmpi eq, %iota3A, %eq3A_438 : vector<16xi32>
      %select_n3A_440 = arith.select %eq3A_439, %add3A_436, %select_n3A : vector<16xi1>, vector<16xf32>
      %mul3A_441 = arith.constant 16 : i32
      %mul3A_442 = arith.muli %scan3A_198, %mul3A_441 : i32
      %add3A_443 = arith.constant 2 : i32
      %add3A_444 = arith.addi %mul3A_442, %add3A_443 : i32
      %get3A_445 = arith.index_cast %add3A_444 : i32 to index
      %get3A_446 = arith.constant 0 : index
      %get3A_447 = tpu.vector_load %arg11[%get3A_445, %get3A_446] {strides = array<i32>} : memref<512x64xf32, #tpu.memory_space<vmem>>, vector<1x16xf32>,
      %get3A_448 = vector.shape_cast %get3A_447 : vector<1x16xf32> to vector<16xf32>
      %get3A_449 = arith.index_cast %add3A_444 : i32 to index
      %get3A_450 = arith.constant 16 : index
      %get3A_451 = tpu.vector_load %arg11[%get3A_449, %get3A_450] {strides = array<i32>} : memref<512x64xf32, #tpu.memory_space<vmem>>, vector<1x16xf32>,
      %get3A_452 = vector.shape_cast %get3A_451 : vector<1x16xf32> to vector<16xf32>
      %get3A_453 = arith.index_cast %add3A_444 : i32 to index
      %get3A_454 = arith.constant 32 : index
      %get3A_455 = tpu.vector_load %arg11[%get3A_453, %get3A_454] {strides = array<i32>} : memref<512x64xf32, #tpu.memory_space<vmem>>, vector<1x16xf32>,
      %get3A_456 = vector.shape_cast %get3A_455 : vector<1x16xf32> to vector<16xf32>
      %get3A_457 = arith.index_cast %add3A_444 : i32 to index
      %get3A_458 = arith.constant 48 : index
      %get3A_459 = tpu.vector_load %arg11[%get3A_457, %get3A_458] {strides = array<i32>} : memref<512x64xf32, #tpu.memory_space<vmem>>, vector<1x16xf32>,
      %get3A_460 = vector.shape_cast %get3A_459 : vector<1x16xf32> to vector<16xf32>
      %get3A_461 = arith.index_cast %add3A_444 : i32 to index
      %get3A_462 = arith.constant 0 : index
      %get3A_463 = tpu.vector_load %arg12[%get3A_461, %get3A_462] {strides = array<i32>} : memref<512x64xf32, #tpu.memory_space<vmem>>, vector<1x16xf32>,
      %get3A_464 = vector.shape_cast %get3A_463 : vector<1x16xf32> to vector<16xf32>
      %get3A_465 = arith.index_cast %add3A_444 : i32 to index
      %get3A_466 = arith.constant 16 : index
      %get3A_467 = tpu.vector_load %arg12[%get3A_465, %get3A_466] {strides = array<i32>} : memref<512x64xf32, #tpu.memory_space<vmem>>, vector<1x16xf32>,
      %get3A_468 = vector.shape_cast %get3A_467 : vector<1x16xf32> to vector<16xf32>
      %get3A_469 = arith.index_cast %add3A_444 : i32 to index
      %get3A_470 = arith.constant 32 : index
      %get3A_471 = tpu.vector_load %arg12[%get3A_469, %get3A_470] {strides = array<i32>} : memref<512x64xf32, #tpu.memory_space<vmem>>, vector<1x16xf32>,
      %get3A_472 = vector.shape_cast %get3A_471 : vector<1x16xf32> to vector<16xf32>
      %get3A_473 = arith.index_cast %add3A_444 : i32 to index
      %get3A_474 = arith.constant 48 : index
      %get3A_475 = tpu.vector_load %arg12[%get3A_473, %get3A_474] {strides = array<i32>} : memref<512x64xf32, #tpu.memory_space<vmem>>, vector<1x16xf32>,
      %get3A_476 = vector.shape_cast %get3A_475 : vector<1x16xf32> to vector<16xf32>
      %get3A_477 = arith.index_cast %add3A_444 : i32 to index
      %get3A_478 = arith.constant 0 : index
      %get3A_479 = tpu.vector_load %arg13[%get3A_477, %get3A_478] {strides = array<i32>} : memref<512x64xf32, #tpu.memory_space<vmem>>, vector<1x16xf32>,
      %get3A_480 = vector.shape_cast %get3A_479 : vector<1x16xf32> to vector<16xf32>
      %get3A_481 = arith.index_cast %add3A_444 : i32 to index
      %get3A_482 = arith.constant 16 : index
      %get3A_483 = tpu.vector_load %arg13[%get3A_481, %get3A_482] {strides = array<i32>} : memref<512x64xf32, #tpu.memory_space<vmem>>, vector<1x16xf32>,
      %get3A_484 = vector.shape_cast %get3A_483 : vector<1x16xf32> to vector<16xf32>
      %get3A_485 = arith.index_cast %add3A_444 : i32 to index
      %get3A_486 = arith.constant 32 : index
      %get3A_487 = tpu.vector_load %arg13[%get3A_485, %get3A_486] {strides = array<i32>} : memref<512x64xf32, #tpu.memory_space<vmem>>, vector<1x16xf32>,
      %get3A_488 = vector.shape_cast %get3A_487 : vector<1x16xf32> to vector<16xf32>
      %get3A_489 = arith.index_cast %add3A_444 : i32 to index
      %get3A_490 = arith.constant 48 : index
      %get3A_491 = tpu.vector_load %arg13[%get3A_489, %get3A_490] {strides = array<i32>} : memref<512x64xf32, #tpu.memory_space<vmem>>, vector<1x16xf32>,
      %get3A_492 = vector.shape_cast %get3A_491 : vector<1x16xf32> to vector<16xf32>
      %mul3A_493 = arith.mulf %get3A_448, %get3A_464 : vector<16xf32>
      %mul3A_494 = arith.mulf %get3A_456, %get3A_472 : vector<16xf32>
      %sub3A_495 = arith.subf %mul3A_493, %mul3A_494 : vector<16xf32>
      %mul3A_496 = arith.mulf %get3A_452, %get3A_468 : vector<16xf32>
      %mul3A_497 = arith.mulf %get3A_460, %get3A_476 : vector<16xf32>
      %sub3A_498 = arith.subf %mul3A_496, %mul3A_497 : vector<16xf32>
      %mul3A_499 = arith.mulf %get3A_448, %get3A_472 : vector<16xf32>
      %mul3A_500 = arith.mulf %get3A_456, %get3A_464 : vector<16xf32>
      %add3A_501 = arith.addf %mul3A_499, %mul3A_500 : vector<16xf32>
      %mul3A_502 = arith.mulf %get3A_452, %get3A_476 : vector<16xf32>
      %mul3A_503 = arith.mulf %get3A_460, %get3A_468 : vector<16xf32>
      %add3A_504 = arith.addf %mul3A_502, %mul3A_503 : vector<16xf32>
      %mul3A_505 = arith.mulf %sub3A_495, %get3A_480 : vector<16xf32>
      %mul3A_506 = arith.mulf %sub3A_498, %get3A_484 : vector<16xf32>
      %add3A_507 = arith.addf %mul3A_505, %mul3A_506 : vector<16xf32>
      %mul3A_508 = arith.mulf %add3A_501, %get3A_488 : vector<16xf32>
      %add3A_509 = arith.addf %add3A_507, %mul3A_508 : vector<16xf32>
      %mul3A_510 = arith.mulf %add3A_504, %get3A_492 : vector<16xf32>
      %add3A_511 = arith.addf %add3A_509, %mul3A_510 : vector<16xf32>
      %swap3A_512 = arith.constant 2 : i32
      %swap3A_513 = arith.index_cast %swap3A_512 : i32 to index
      %swap3A_514 = arith.constant 16 : index
      %swap3A_515 = tpu.vector_load %arg15[%swap3A_513, %swap3A_514] {strides = array<i32>} : memref<16x48xf32, #tpu.memory_space<vmem>>, vector<1x16xf32>,
      %swap3A_516 = vector.shape_cast %swap3A_515 : vector<1x16xf32> to vector<16xf32>
      %swap3A_517 = vector.shape_cast %add3A_511 : vector<16xf32> to vector<1x16xf32>
      tpu.vector_store %arg15[%swap3A_513, %swap3A_514], %swap3A_517 {strides = array<i32>} : memref<16x48xf32, #tpu.memory_space<vmem>>, vector<1x16xf32>,
      %get3A_518 = arith.constant 2 : i32
      %get3A_519 = arith.index_cast %get3A_518 : i32 to index
      %get3A_520 = arith.constant 24 : index
      %get3A_521 = tpu.vector_load %arg15[%get3A_519, %get3A_520] {strides = array<i32>} : memref<16x48xf32, #tpu.memory_space<vmem>>, vector<1x16xf32>,
      %get3A_522 = vector.shape_cast %get3A_521 : vector<1x16xf32> to vector<16xf32>
      %add3A_523 = arith.addf %add3A_511, %get3A_522 : vector<16xf32>
      %swap3A_524 = arith.constant 2 : i32
      %swap3A_525 = arith.index_cast %swap3A_524 : i32 to index
      %swap3A_526 = arith.constant 16 : index
      %swap3A_527 = tpu.vector_load %arg15[%swap3A_525, %swap3A_526] {strides = array<i32>} : memref<16x48xf32, #tpu.memory_space<vmem>>, vector<1x16xf32>,
      %swap3A_528 = vector.shape_cast %swap3A_527 : vector<1x16xf32> to vector<16xf32>
      %swap3A_529 = vector.shape_cast %add3A_523 : vector<16xf32> to vector<1x16xf32>
      tpu.vector_store %arg15[%swap3A_525, %swap3A_526], %swap3A_529 {strides = array<i32>} : memref<16x48xf32, #tpu.memory_space<vmem>>, vector<1x16xf32>,
      %get3A_530 = arith.constant 2 : i32
      %get3A_531 = arith.index_cast %get3A_530 : i32 to index
      %get3A_532 = arith.constant 20 : index
      %get3A_533 = tpu.vector_load %arg15[%get3A_531, %get3A_532] {strides = array<i32>} : memref<16x48xf32, #tpu.memory_space<vmem>>, vector<1x16xf32>,
      %get3A_534 = vector.shape_cast %get3A_533 : vector<1x16xf32> to vector<16xf32>
      %add3A_535 = arith.addf %add3A_523, %get3A_534 : vector<16xf32>
      %swap3A_536 = arith.constant 2 : i32
      %swap3A_537 = arith.index_cast %swap3A_536 : i32 to index
      %swap3A_538 = arith.constant 16 : index
      %swap3A_539 = tpu.vector_load %arg15[%swap3A_537, %swap3A_538] {strides = array<i32>} : memref<16x48xf32, #tpu.memory_space<vmem>>, vector<1x16xf32>,
      %swap3A_540 = vector.shape_cast %swap3A_539 : vector<1x16xf32> to vector<16xf32>
      %swap3A_541 = vector.shape_cast %add3A_535 : vector<16xf32> to vector<1x16xf32>
      tpu.vector_store %arg15[%swap3A_537, %swap3A_538], %swap3A_541 {strides = array<i32>} : memref<16x48xf32, #tpu.memory_space<vmem>>, vector<1x16xf32>,
      %get3A_542 = arith.constant 2 : i32
      %get3A_543 = arith.index_cast %get3A_542 : i32 to index
      %get3A_544 = arith.constant 14 : index
      %get3A_545 = tpu.vector_load %arg15[%get3A_543, %get3A_544] {strides = array<i32>} : memref<16x48xf32, #tpu.memory_space<vmem>>, vector<1x16xf32>,
      %get3A_546 = vector.shape_cast %get3A_545 : vector<1x16xf32> to vector<16xf32>
      %add3A_547 = arith.addf %add3A_535, %get3A_546 : vector<16xf32>
      %swap3A_548 = arith.constant 2 : i32
      %swap3A_549 = arith.index_cast %swap3A_548 : i32 to index
      %swap3A_550 = arith.constant 16 : index
      %swap3A_551 = tpu.vector_load %arg15[%swap3A_549, %swap3A_550] {strides = array<i32>} : memref<16x48xf32, #tpu.memory_space<vmem>>, vector<1x16xf32>,
      %swap3A_552 = vector.shape_cast %swap3A_551 : vector<1x16xf32> to vector<16xf32>
      %swap3A_553 = vector.shape_cast %add3A_547 : vector<16xf32> to vector<1x16xf32>
      tpu.vector_store %arg15[%swap3A_549, %swap3A_550], %swap3A_553 {strides = array<i32>} : memref<16x48xf32, #tpu.memory_space<vmem>>, vector<1x16xf32>,
      %get3A_554 = arith.constant 2 : i32
      %get3A_555 = arith.index_cast %get3A_554 : i32 to index
      %get3A_556 = arith.constant 17 : index
      %get3A_557 = tpu.vector_load %arg15[%get3A_555, %get3A_556] {strides = array<i32>} : memref<16x48xf32, #tpu.memory_space<vmem>>, vector<1x16xf32>,
      %get3A_558 = vector.shape_cast %get3A_557 : vector<1x16xf32> to vector<16xf32>
      %add3A_559 = arith.addf %add3A_547, %get3A_558 : vector<16xf32>
      %eq3A_560 = arith.constant 2 : i32
      %eq3A_561 = vector.broadcast %eq3A_560 : i32 to vector<16xi32>
      %eq3A_562 = arith.cmpi eq, %iota3A, %eq3A_561 : vector<16xi32>
      %select_n3A_563 = arith.select %eq3A_562, %add3A_559, %select_n3A_440 : vector<16xi1>, vector<16xf32>
      %mul3A_564 = arith.constant 16 : i32
      %mul3A_565 = arith.muli %scan3A_198, %mul3A_564 : i32
      %add3A_566 = arith.constant 3 : i32
      %add3A_567 = arith.addi %mul3A_565, %add3A_566 : i32
      %get3A_568 = arith.index_cast %add3A_567 : i32 to index
      %get3A_569 = arith.constant 0 : index
      %get3A_570 = tpu.vector_load %arg11[%get3A_568, %get3A_569] {strides = array<i32>} : memref<512x64xf32, #tpu.memory_space<vmem>>, vector<1x16xf32>,
      %get3A_571 = vector.shape_cast %get3A_570 : vector<1x16xf32> to vector<16xf32>
      %get3A_572 = arith.index_cast %add3A_567 : i32 to index
      %get3A_573 = arith.constant 16 : index
      %get3A_574 = tpu.vector_load %arg11[%get3A_572, %get3A_573] {strides = array<i32>} : memref<512x64xf32, #tpu.memory_space<vmem>>, vector<1x16xf32>,
      %get3A_575 = vector.shape_cast %get3A_574 : vector<1x16xf32> to vector<16xf32>
      %get3A_576 = arith.index_cast %add3A_567 : i32 to index
      %get3A_577 = arith.constant 32 : index
      %get3A_578 = tpu.vector_load %arg11[%get3A_576, %get3A_577] {strides = array<i32>} : memref<512x64xf32, #tpu.memory_space<vmem>>, vector<1x16xf32>,
      %get3A_579 = vector.shape_cast %get3A_578 : vector<1x16xf32> to vector<16xf32>
      %get3A_580 = arith.index_cast %add3A_567 : i32 to index
      %get3A_581 = arith.constant 48 : index
      %get3A_582 = tpu.vector_load %arg11[%get3A_580, %get3A_581] {strides = array<i32>} : memref<512x64xf32, #tpu.memory_space<vmem>>, vector<1x16xf32>,
      %get3A_583 = vector.shape_cast %get3A_582 : vector<1x16xf32> to vector<16xf32>
      %get3A_584 = arith.index_cast %add3A_567 : i32 to index
      %get3A_585 = arith.constant 0 : index
      %get3A_586 = tpu.vector_load %arg12[%get3A_584, %get3A_585] {strides = array<i32>} : memref<512x64xf32, #tpu.memory_space<vmem>>, vector<1x16xf32>,
      %get3A_587 = vector.shape_cast %get3A_586 : vector<1x16xf32> to vector<16xf32>
      %get3A_588 = arith.index_cast %add3A_567 : i32 to index
      %get3A_589 = arith.constant 16 : index
      %get3A_590 = tpu.vector_load %arg12[%get3A_588, %get3A_589] {strides = array<i32>} : memref<512x64xf32, #tpu.memory_space<vmem>>, vector<1x16xf32>,
      %get3A_591 = vector.shape_cast %get3A_590 : vector<1x16xf32> to vector<16xf32>
      %get3A_592 = arith.index_cast %add3A_567 : i32 to index
      %get3A_593 = arith.constant 32 : index
      %get3A_594 = tpu.vector_load %arg12[%get3A_592, %get3A_593] {strides = array<i32>} : memref<512x64xf32, #tpu.memory_space<vmem>>, vector<1x16xf32>,
      %get3A_595 = vector.shape_cast %get3A_594 : vector<1x16xf32> to vector<16xf32>
      %get3A_596 = arith.index_cast %add3A_567 : i32 to index
      %get3A_597 = arith.constant 48 : index
      %get3A_598 = tpu.vector_load %arg12[%get3A_596, %get3A_597] {strides = array<i32>} : memref<512x64xf32, #tpu.memory_space<vmem>>, vector<1x16xf32>,
      %get3A_599 = vector.shape_cast %get3A_598 : vector<1x16xf32> to vector<16xf32>
      %get3A_600 = arith.index_cast %add3A_567 : i32 to index
      %get3A_601 = arith.constant 0 : index
      %get3A_602 = tpu.vector_load %arg13[%get3A_600, %get3A_601] {strides = array<i32>} : memref<512x64xf32, #tpu.memory_space<vmem>>, vector<1x16xf32>,
      %get3A_603 = vector.shape_cast %get3A_602 : vector<1x16xf32> to vector<16xf32>
      %get3A_604 = arith.index_cast %add3A_567 : i32 to index
      %get3A_605 = arith.constant 16 : index
      %get3A_606 = tpu.vector_load %arg13[%get3A_604, %get3A_605] {strides = array<i32>} : memref<512x64xf32, #tpu.memory_space<vmem>>, vector<1x16xf32>,
      %get3A_607 = vector.shape_cast %get3A_606 : vector<1x16xf32> to vector<16xf32>
      %get3A_608 = arith.index_cast %add3A_567 : i32 to index
      %get3A_609 = arith.constant 32 : index
      %get3A_610 = tpu.vector_load %arg13[%get3A_608, %get3A_609] {strides = array<i32>} : memref<512x64xf32, #tpu.memory_space<vmem>>, vector<1x16xf32>,
      %get3A_611 = vector.shape_cast %get3A_610 : vector<1x16xf32> to vector<16xf32>
      %get3A_612 = arith.index_cast %add3A_567 : i32 to index
      %get3A_613 = arith.constant 48 : index
      %get3A_614 = tpu.vector_load %arg13[%get3A_612, %get3A_613] {strides = array<i32>} : memref<512x64xf32, #tpu.memory_space<vmem>>, vector<1x16xf32>,
      %get3A_615 = vector.shape_cast %get3A_614 : vector<1x16xf32> to vector<16xf32>
      %mul3A_616 = arith.mulf %get3A_571, %get3A_587 : vector<16xf32>
      %mul3A_617 = arith.mulf %get3A_579, %get3A_595 : vector<16xf32>
      %sub3A_618 = arith.subf %mul3A_616, %mul3A_617 : vector<16xf32>
      %mul3A_619 = arith.mulf %get3A_575, %get3A_591 : vector<16xf32>
      %mul3A_620 = arith.mulf %get3A_583, %get3A_599 : vector<16xf32>
      %sub3A_621 = arith.subf %mul3A_619, %mul3A_620 : vector<16xf32>
      %mul3A_622 = arith.mulf %get3A_571, %get3A_595 : vector<16xf32>
      %mul3A_623 = arith.mulf %get3A_579, %get3A_587 : vector<16xf32>
      %add3A_624 = arith.addf %mul3A_622, %mul3A_623 : vector<16xf32>
      %mul3A_625 = arith.mulf %get3A_575, %get3A_599 : vector<16xf32>
      %mul3A_626 = arith.mulf %get3A_583, %get3A_591 : vector<16xf32>
      %add3A_627 = arith.addf %mul3A_625, %mul3A_626 : vector<16xf32>
      %mul3A_628 = arith.mulf %sub3A_618, %get3A_603 : vector<16xf32>
      %mul3A_629 = arith.mulf %sub3A_621, %get3A_607 : vector<16xf32>
      %add3A_630 = arith.addf %mul3A_628, %mul3A_629 : vector<16xf32>
      %mul3A_631 = arith.mulf %add3A_624, %get3A_611 : vector<16xf32>
      %add3A_632 = arith.addf %add3A_630, %mul3A_631 : vector<16xf32>
      %mul3A_633 = arith.mulf %add3A_627, %get3A_615 : vector<16xf32>
      %add3A_634 = arith.addf %add3A_632, %mul3A_633 : vector<16xf32>
      %swap3A_635 = arith.constant 3 : i32
      %swap3A_636 = arith.index_cast %swap3A_635 : i32 to index
      %swap3A_637 = arith.constant 16 : index
      %swap3A_638 = tpu.vector_load %arg15[%swap3A_636, %swap3A_637] {strides = array<i32>} : memref<16x48xf32, #tpu.memory_space<vmem>>, vector<1x16xf32>,
      %swap3A_639 = vector.shape_cast %swap3A_638 : vector<1x16xf32> to vector<16xf32>
      %swap3A_640 = vector.shape_cast %add3A_634 : vector<16xf32> to vector<1x16xf32>
      tpu.vector_store %arg15[%swap3A_636, %swap3A_637], %swap3A_640 {strides = array<i32>} : memref<16x48xf32, #tpu.memory_space<vmem>>, vector<1x16xf32>,
      %get3A_641 = arith.constant 3 : i32
      %get3A_642 = arith.index_cast %get3A_641 : i32 to index
      %get3A_643 = arith.constant 24 : index
      %get3A_644 = tpu.vector_load %arg15[%get3A_642, %get3A_643] {strides = array<i32>} : memref<16x48xf32, #tpu.memory_space<vmem>>, vector<1x16xf32>,
      %get3A_645 = vector.shape_cast %get3A_644 : vector<1x16xf32> to vector<16xf32>
      %add3A_646 = arith.addf %add3A_634, %get3A_645 : vector<16xf32>
      %swap3A_647 = arith.constant 3 : i32
      %swap3A_648 = arith.index_cast %swap3A_647 : i32 to index
      %swap3A_649 = arith.constant 16 : index
      %swap3A_650 = tpu.vector_load %arg15[%swap3A_648, %swap3A_649] {strides = array<i32>} : memref<16x48xf32, #tpu.memory_space<vmem>>, vector<1x16xf32>,
      %swap3A_651 = vector.shape_cast %swap3A_650 : vector<1x16xf32> to vector<16xf32>
      %swap3A_652 = vector.shape_cast %add3A_646 : vector<16xf32> to vector<1x16xf32>
      tpu.vector_store %arg15[%swap3A_648, %swap3A_649], %swap3A_652 {strides = array<i32>} : memref<16x48xf32, #tpu.memory_space<vmem>>, vector<1x16xf32>,
      %get3A_653 = arith.constant 3 : i32
      %get3A_654 = arith.index_cast %get3A_653 : i32 to index
      %get3A_655 = arith.constant 20 : index
      %get3A_656 = tpu.vector_load %arg15[%get3A_654, %get3A_655] {strides = array<i32>} : memref<16x48xf32, #tpu.memory_space<vmem>>, vector<1x16xf32>,
      %get3A_657 = vector.shape_cast %get3A_656 : vector<1x16xf32> to vector<16xf32>
      %add3A_658 = arith.addf %add3A_646, %get3A_657 : vector<16xf32>
      %swap3A_659 = arith.constant 3 : i32
      %swap3A_660 = arith.index_cast %swap3A_659 : i32 to index
      %swap3A_661 = arith.constant 16 : index
      %swap3A_662 = tpu.vector_load %arg15[%swap3A_660, %swap3A_661] {strides = array<i32>} : memref<16x48xf32, #tpu.memory_space<vmem>>, vector<1x16xf32>,
      %swap3A_663 = vector.shape_cast %swap3A_662 : vector<1x16xf32> to vector<16xf32>
      %swap3A_664 = vector.shape_cast %add3A_658 : vector<16xf32> to vector<1x16xf32>
      tpu.vector_store %arg15[%swap3A_660, %swap3A_661], %swap3A_664 {strides = array<i32>} : memref<16x48xf32, #tpu.memory_space<vmem>>, vector<1x16xf32>,
      %get3A_665 = arith.constant 3 : i32
      %get3A_666 = arith.index_cast %get3A_665 : i32 to index
      %get3A_667 = arith.constant 14 : index
      %get3A_668 = tpu.vector_load %arg15[%get3A_666, %get3A_667] {strides = array<i32>} : memref<16x48xf32, #tpu.memory_space<vmem>>, vector<1x16xf32>,
      %get3A_669 = vector.shape_cast %get3A_668 : vector<1x16xf32> to vector<16xf32>
      %add3A_670 = arith.addf %add3A_658, %get3A_669 : vector<16xf32>
      %swap3A_671 = arith.constant 3 : i32
      %swap3A_672 = arith.index_cast %swap3A_671 : i32 to index
      %swap3A_673 = arith.constant 16 : index
      %swap3A_674 = tpu.vector_load %arg15[%swap3A_672, %swap3A_673] {strides = array<i32>} : memref<16x48xf32, #tpu.memory_space<vmem>>, vector<1x16xf32>,
      %swap3A_675 = vector.shape_cast %swap3A_674 : vector<1x16xf32> to vector<16xf32>
      %swap3A_676 = vector.shape_cast %add3A_670 : vector<16xf32> to vector<1x16xf32>
      tpu.vector_store %arg15[%swap3A_672, %swap3A_673], %swap3A_676 {strides = array<i32>} : memref<16x48xf32, #tpu.memory_space<vmem>>, vector<1x16xf32>,
      %get3A_677 = arith.constant 3 : i32
      %get3A_678 = arith.index_cast %get3A_677 : i32 to index
      %get3A_679 = arith.constant 15 : index
      %get3A_680 = tpu.vector_load %arg15[%get3A_678, %get3A_679] {strides = array<i32>} : memref<16x48xf32, #tpu.memory_space<vmem>>, vector<1x16xf32>,
      %get3A_681 = vector.shape_cast %get3A_680 : vector<1x16xf32> to vector<16xf32>
      %add3A_682 = arith.addf %add3A_670, %get3A_681 : vector<16xf32>
      %eq3A_683 = arith.constant 3 : i32
      %eq3A_684 = vector.broadcast %eq3A_683 : i32 to vector<16xi32>
      %eq3A_685 = arith.cmpi eq, %iota3A, %eq3A_684 : vector<16xi32>
      %select_n3A_686 = arith.select %eq3A_685, %add3A_682, %select_n3A_563 : vector<16xi1>, vector<16xf32>
      %mul3A_687 = arith.constant 16 : i32
      %mul3A_688 = arith.muli %scan3A_198, %mul3A_687 : i32
      %add3A_689 = arith.constant 4 : i32
      %add3A_690 = arith.addi %mul3A_688, %add3A_689 : i32
      %get3A_691 = arith.index_cast %add3A_690 : i32 to index
      %get3A_692 = arith.constant 0 : index
      %get3A_693 = tpu.vector_load %arg11[%get3A_691, %get3A_692] {strides = array<i32>} : memref<512x64xf32, #tpu.memory_space<vmem>>, vector<1x16xf32>,
      %get3A_694 = vector.shape_cast %get3A_693 : vector<1x16xf32> to vector<16xf32>
      %get3A_695 = arith.index_cast %add3A_690 : i32 to index
      %get3A_696 = arith.constant 16 : index
      %get3A_697 = tpu.vector_load %arg11[%get3A_695, %get3A_696] {strides = array<i32>} : memref<512x64xf32, #tpu.memory_space<vmem>>, vector<1x16xf32>,
      %get3A_698 = vector.shape_cast %get3A_697 : vector<1x16xf32> to vector<16xf32>
      %get3A_699 = arith.index_cast %add3A_690 : i32 to index
      %get3A_700 = arith.constant 32 : index
      %get3A_701 = tpu.vector_load %arg11[%get3A_699, %get3A_700] {strides = array<i32>} : memref<512x64xf32, #tpu.memory_space<vmem>>, vector<1x16xf32>,
      %get3A_702 = vector.shape_cast %get3A_701 : vector<1x16xf32> to vector<16xf32>
      %get3A_703 = arith.index_cast %add3A_690 : i32 to index
      %get3A_704 = arith.constant 48 : index
      %get3A_705 = tpu.vector_load %arg11[%get3A_703, %get3A_704] {strides = array<i32>} : memref<512x64xf32, #tpu.memory_space<vmem>>, vector<1x16xf32>,
      %get3A_706 = vector.shape_cast %get3A_705 : vector<1x16xf32> to vector<16xf32>
      %get3A_707 = arith.index_cast %add3A_690 : i32 to index
      %get3A_708 = arith.constant 0 : index
      %get3A_709 = tpu.vector_load %arg12[%get3A_707, %get3A_708] {strides = array<i32>} : memref<512x64xf32, #tpu.memory_space<vmem>>, vector<1x16xf32>,
      %get3A_710 = vector.shape_cast %get3A_709 : vector<1x16xf32> to vector<16xf32>
      %get3A_711 = arith.index_cast %add3A_690 : i32 to index
      %get3A_712 = arith.constant 16 : index
      %get3A_713 = tpu.vector_load %arg12[%get3A_711, %get3A_712] {strides = array<i32>} : memref<512x64xf32, #tpu.memory_space<vmem>>, vector<1x16xf32>,
      %get3A_714 = vector.shape_cast %get3A_713 : vector<1x16xf32> to vector<16xf32>
      %get3A_715 = arith.index_cast %add3A_690 : i32 to index
      %get3A_716 = arith.constant 32 : index
      %get3A_717 = tpu.vector_load %arg12[%get3A_715, %get3A_716] {strides = array<i32>} : memref<512x64xf32, #tpu.memory_space<vmem>>, vector<1x16xf32>,
      %get3A_718 = vector.shape_cast %get3A_717 : vector<1x16xf32> to vector<16xf32>
      %get3A_719 = arith.index_cast %add3A_690 : i32 to index
      %get3A_720 = arith.constant 48 : index
      %get3A_721 = tpu.vector_load %arg12[%get3A_719, %get3A_720] {strides = array<i32>} : memref<512x64xf32, #tpu.memory_space<vmem>>, vector<1x16xf32>,
      %get3A_722 = vector.shape_cast %get3A_721 : vector<1x16xf32> to vector<16xf32>
      %get3A_723 = arith.index_cast %add3A_690 : i32 to index
      %get3A_724 = arith.constant 0 : index
      %get3A_725 = tpu.vector_load %arg13[%get3A_723, %get3A_724] {strides = array<i32>} : memref<512x64xf32, #tpu.memory_space<vmem>>, vector<1x16xf32>,
      %get3A_726 = vector.shape_cast %get3A_725 : vector<1x16xf32> to vector<16xf32>
      %get3A_727 = arith.index_cast %add3A_690 : i32 to index
      %get3A_728 = arith.constant 16 : index
      %get3A_729 = tpu.vector_load %arg13[%get3A_727, %get3A_728] {strides = array<i32>} : memref<512x64xf32, #tpu.memory_space<vmem>>, vector<1x16xf32>,
      %get3A_730 = vector.shape_cast %get3A_729 : vector<1x16xf32> to vector<16xf32>
      %get3A_731 = arith.index_cast %add3A_690 : i32 to index
      %get3A_732 = arith.constant 32 : index
      %get3A_733 = tpu.vector_load %arg13[%get3A_731, %get3A_732] {strides = array<i32>} : memref<512x64xf32, #tpu.memory_space<vmem>>, vector<1x16xf32>,
      %get3A_734 = vector.shape_cast %get3A_733 : vector<1x16xf32> to vector<16xf32>
      %get3A_735 = arith.index_cast %add3A_690 : i32 to index
      %get3A_736 = arith.constant 48 : index
      %get3A_737 = tpu.vector_load %arg13[%get3A_735, %get3A_736] {strides = array<i32>} : memref<512x64xf32, #tpu.memory_space<vmem>>, vector<1x16xf32>,
      %get3A_738 = vector.shape_cast %get3A_737 : vector<1x16xf32> to vector<16xf32>
      %mul3A_739 = arith.mulf %get3A_694, %get3A_710 : vector<16xf32>
      %mul3A_740 = arith.mulf %get3A_702, %get3A_718 : vector<16xf32>
      %sub3A_741 = arith.subf %mul3A_739, %mul3A_740 : vector<16xf32>
      %mul3A_742 = arith.mulf %get3A_698, %get3A_714 : vector<16xf32>
      %mul3A_743 = arith.mulf %get3A_706, %get3A_722 : vector<16xf32>
      %sub3A_744 = arith.subf %mul3A_742, %mul3A_743 : vector<16xf32>
      %mul3A_745 = arith.mulf %get3A_694, %get3A_718 : vector<16xf32>
      %mul3A_746 = arith.mulf %get3A_702, %get3A_710 : vector<16xf32>
      %add3A_747 = arith.addf %mul3A_745, %mul3A_746 : vector<16xf32>
      %mul3A_748 = arith.mulf %get3A_698, %get3A_722 : vector<16xf32>
      %mul3A_749 = arith.mulf %get3A_706, %get3A_714 : vector<16xf32>
      %add3A_750 = arith.addf %mul3A_748, %mul3A_749 : vector<16xf32>
      %mul3A_751 = arith.mulf %sub3A_741, %get3A_726 : vector<16xf32>
      %mul3A_752 = arith.mulf %sub3A_744, %get3A_730 : vector<16xf32>
      %add3A_753 = arith.addf %mul3A_751, %mul3A_752 : vector<16xf32>
      %mul3A_754 = arith.mulf %add3A_747, %get3A_734 : vector<16xf32>
      %add3A_755 = arith.addf %add3A_753, %mul3A_754 : vector<16xf32>
      %mul3A_756 = arith.mulf %add3A_750, %get3A_738 : vector<16xf32>
      %add3A_757 = arith.addf %add3A_755, %mul3A_756 : vector<16xf32>
      %swap3A_758 = arith.constant 4 : i32
      %swap3A_759 = arith.index_cast %swap3A_758 : i32 to index
      %swap3A_760 = arith.constant 16 : index
      %swap3A_761 = tpu.vector_load %arg15[%swap3A_759, %swap3A_760] {strides = array<i32>} : memref<16x48xf32, #tpu.memory_space<vmem>>, vector<1x16xf32>,
      %swap3A_762 = vector.shape_cast %swap3A_761 : vector<1x16xf32> to vector<16xf32>
      %swap3A_763 = vector.shape_cast %add3A_757 : vector<16xf32> to vector<1x16xf32>
      tpu.vector_store %arg15[%swap3A_759, %swap3A_760], %swap3A_763 {strides = array<i32>} : memref<16x48xf32, #tpu.memory_space<vmem>>, vector<1x16xf32>,
      %get3A_764 = arith.constant 4 : i32
      %get3A_765 = arith.index_cast %get3A_764 : i32 to index
      %get3A_766 = arith.constant 24 : index
      %get3A_767 = tpu.vector_load %arg15[%get3A_765, %get3A_766] {strides = array<i32>} : memref<16x48xf32, #tpu.memory_space<vmem>>, vector<1x16xf32>,
      %get3A_768 = vector.shape_cast %get3A_767 : vector<1x16xf32> to vector<16xf32>
      %add3A_769 = arith.addf %add3A_757, %get3A_768 : vector<16xf32>
      %swap3A_770 = arith.constant 4 : i32
      %swap3A_771 = arith.index_cast %swap3A_770 : i32 to index
      %swap3A_772 = arith.constant 16 : index
      %swap3A_773 = tpu.vector_load %arg15[%swap3A_771, %swap3A_772] {strides = array<i32>} : memref<16x48xf32, #tpu.memory_space<vmem>>, vector<1x16xf32>,
      %swap3A_774 = vector.shape_cast %swap3A_773 : vector<1x16xf32> to vector<16xf32>
      %swap3A_775 = vector.shape_cast %add3A_769 : vector<16xf32> to vector<1x16xf32>
      tpu.vector_store %arg15[%swap3A_771, %swap3A_772], %swap3A_775 {strides = array<i32>} : memref<16x48xf32, #tpu.memory_space<vmem>>, vector<1x16xf32>,
      %get3A_776 = arith.constant 4 : i32
      %get3A_777 = arith.index_cast %get3A_776 : i32 to index
      %get3A_778 = arith.constant 12 : index
      %get3A_779 = tpu.vector_load %arg15[%get3A_777, %get3A_778] {strides = array<i32>} : memref<16x48xf32, #tpu.memory_space<vmem>>, vector<1x16xf32>,
      %get3A_780 = vector.shape_cast %get3A_779 : vector<1x16xf32> to vector<16xf32>
      %add3A_781 = arith.addf %add3A_769, %get3A_780 : vector<16xf32>
      %swap3A_782 = arith.constant 4 : i32
      %swap3A_783 = arith.index_cast %swap3A_782 : i32 to index
      %swap3A_784 = arith.constant 16 : index
      %swap3A_785 = tpu.vector_load %arg15[%swap3A_783, %swap3A_784] {strides = array<i32>} : memref<16x48xf32, #tpu.memory_space<vmem>>, vector<1x16xf32>,
      %swap3A_786 = vector.shape_cast %swap3A_785 : vector<1x16xf32> to vector<16xf32>
      %swap3A_787 = vector.shape_cast %add3A_781 : vector<16xf32> to vector<1x16xf32>
      tpu.vector_store %arg15[%swap3A_783, %swap3A_784], %swap3A_787 {strides = array<i32>} : memref<16x48xf32, #tpu.memory_space<vmem>>, vector<1x16xf32>,
      %get3A_788 = arith.constant 4 : i32
      %get3A_789 = arith.index_cast %get3A_788 : i32 to index
      %get3A_790 = arith.constant 18 : index
      %get3A_791 = tpu.vector_load %arg15[%get3A_789, %get3A_790] {strides = array<i32>} : memref<16x48xf32, #tpu.memory_space<vmem>>, vector<1x16xf32>,
      %get3A_792 = vector.shape_cast %get3A_791 : vector<1x16xf32> to vector<16xf32>
      %add3A_793 = arith.addf %add3A_781, %get3A_792 : vector<16xf32>
      %swap3A_794 = arith.constant 4 : i32
      %swap3A_795 = arith.index_cast %swap3A_794 : i32 to index
      %swap3A_796 = arith.constant 16 : index
      %swap3A_797 = tpu.vector_load %arg15[%swap3A_795, %swap3A_796] {strides = array<i32>} : memref<16x48xf32, #tpu.memory_space<vmem>>, vector<1x16xf32>,
      %swap3A_798 = vector.shape_cast %swap3A_797 : vector<1x16xf32> to vector<16xf32>
      %swap3A_799 = vector.shape_cast %add3A_793 : vector<16xf32> to vector<1x16xf32>
      tpu.vector_store %arg15[%swap3A_795, %swap3A_796], %swap3A_799 {strides = array<i32>} : memref<16x48xf32, #tpu.memory_space<vmem>>, vector<1x16xf32>,
      %get3A_800 = arith.constant 4 : i32
      %get3A_801 = arith.index_cast %get3A_800 : i32 to index
      %get3A_802 = arith.constant 17 : index
      %get3A_803 = tpu.vector_load %arg15[%get3A_801, %get3A_802] {strides = array<i32>} : memref<16x48xf32, #tpu.memory_space<vmem>>, vector<1x16xf32>,
      %get3A_804 = vector.shape_cast %get3A_803 : vector<1x16xf32> to vector<16xf32>
      %add3A_805 = arith.addf %add3A_793, %get3A_804 : vector<16xf32>
      %eq3A_806 = arith.constant 4 : i32
      %eq3A_807 = vector.broadcast %eq3A_806 : i32 to vector<16xi32>
      %eq3A_808 = arith.cmpi eq, %iota3A, %eq3A_807 : vector<16xi32>
      %select_n3A_809 = arith.select %eq3A_808, %add3A_805, %select_n3A_686 : vector<16xi1>, vector<16xf32>
      %mul3A_810 = arith.constant 16 : i32
      %mul3A_811 = arith.muli %scan3A_198, %mul3A_810 : i32
      %add3A_812 = arith.constant 5 : i32
      %add3A_813 = arith.addi %mul3A_811, %add3A_812 : i32
      %get3A_814 = arith.index_cast %add3A_813 : i32 to index
      %get3A_815 = arith.constant 0 : index
      %get3A_816 = tpu.vector_load %arg11[%get3A_814, %get3A_815] {strides = array<i32>} : memref<512x64xf32, #tpu.memory_space<vmem>>, vector<1x16xf32>,
      %get3A_817 = vector.shape_cast %get3A_816 : vector<1x16xf32> to vector<16xf32>
      %get3A_818 = arith.index_cast %add3A_813 : i32 to index
      %get3A_819 = arith.constant 16 : index
      %get3A_820 = tpu.vector_load %arg11[%get3A_818, %get3A_819] {strides = array<i32>} : memref<512x64xf32, #tpu.memory_space<vmem>>, vector<1x16xf32>,
      %get3A_821 = vector.shape_cast %get3A_820 : vector<1x16xf32> to vector<16xf32>
      %get3A_822 = arith.index_cast %add3A_813 : i32 to index
      %get3A_823 = arith.constant 32 : index
      %get3A_824 = tpu.vector_load %arg11[%get3A_822, %get3A_823] {strides = array<i32>} : memref<512x64xf32, #tpu.memory_space<vmem>>, vector<1x16xf32>,
      %get3A_825 = vector.shape_cast %get3A_824 : vector<1x16xf32> to vector<16xf32>
      %get3A_826 = arith.index_cast %add3A_813 : i32 to index
      %get3A_827 = arith.constant 48 : index
      %get3A_828 = tpu.vector_load %arg11[%get3A_826, %get3A_827] {strides = array<i32>} : memref<512x64xf32, #tpu.memory_space<vmem>>, vector<1x16xf32>,
      %get3A_829 = vector.shape_cast %get3A_828 : vector<1x16xf32> to vector<16xf32>
      %get3A_830 = arith.index_cast %add3A_813 : i32 to index
      %get3A_831 = arith.constant 0 : index
      %get3A_832 = tpu.vector_load %arg12[%get3A_830, %get3A_831] {strides = array<i32>} : memref<512x64xf32, #tpu.memory_space<vmem>>, vector<1x16xf32>,
      %get3A_833 = vector.shape_cast %get3A_832 : vector<1x16xf32> to vector<16xf32>
      %get3A_834 = arith.index_cast %add3A_813 : i32 to index
      %get3A_835 = arith.constant 16 : index
      %get3A_836 = tpu.vector_load %arg12[%get3A_834, %get3A_835] {strides = array<i32>} : memref<512x64xf32, #tpu.memory_space<vmem>>, vector<1x16xf32>,
      %get3A_837 = vector.shape_cast %get3A_836 : vector<1x16xf32> to vector<16xf32>
      %get3A_838 = arith.index_cast %add3A_813 : i32 to index
      %get3A_839 = arith.constant 32 : index
      %get3A_840 = tpu.vector_load %arg12[%get3A_838, %get3A_839] {strides = array<i32>} : memref<512x64xf32, #tpu.memory_space<vmem>>, vector<1x16xf32>,
      %get3A_841 = vector.shape_cast %get3A_840 : vector<1x16xf32> to vector<16xf32>
      %get3A_842 = arith.index_cast %add3A_813 : i32 to index
      %get3A_843 = arith.constant 48 : index
      %get3A_844 = tpu.vector_load %arg12[%get3A_842, %get3A_843] {strides = array<i32>} : memref<512x64xf32, #tpu.memory_space<vmem>>, vector<1x16xf32>,
      %get3A_845 = vector.shape_cast %get3A_844 : vector<1x16xf32> to vector<16xf32>
      %get3A_846 = arith.index_cast %add3A_813 : i32 to index
      %get3A_847 = arith.constant 0 : index
      %get3A_848 = tpu.vector_load %arg13[%get3A_846, %get3A_847] {strides = array<i32>} : memref<512x64xf32, #tpu.memory_space<vmem>>, vector<1x16xf32>,
      %get3A_849 = vector.shape_cast %get3A_848 : vector<1x16xf32> to vector<16xf32>
      %get3A_850 = arith.index_cast %add3A_813 : i32 to index
      %get3A_851 = arith.constant 16 : index
      %get3A_852 = tpu.vector_load %arg13[%get3A_850, %get3A_851] {strides = array<i32>} : memref<512x64xf32, #tpu.memory_space<vmem>>, vector<1x16xf32>,
      %get3A_853 = vector.shape_cast %get3A_852 : vector<1x16xf32> to vector<16xf32>
      %get3A_854 = arith.index_cast %add3A_813 : i32 to index
      %get3A_855 = arith.constant 32 : index
      %get3A_856 = tpu.vector_load %arg13[%get3A_854, %get3A_855] {strides = array<i32>} : memref<512x64xf32, #tpu.memory_space<vmem>>, vector<1x16xf32>,
      %get3A_857 = vector.shape_cast %get3A_856 : vector<1x16xf32> to vector<16xf32>
      %get3A_858 = arith.index_cast %add3A_813 : i32 to index
      %get3A_859 = arith.constant 48 : index
      %get3A_860 = tpu.vector_load %arg13[%get3A_858, %get3A_859] {strides = array<i32>} : memref<512x64xf32, #tpu.memory_space<vmem>>, vector<1x16xf32>,
      %get3A_861 = vector.shape_cast %get3A_860 : vector<1x16xf32> to vector<16xf32>
      %mul3A_862 = arith.mulf %get3A_817, %get3A_833 : vector<16xf32>
      %mul3A_863 = arith.mulf %get3A_825, %get3A_841 : vector<16xf32>
      %sub3A_864 = arith.subf %mul3A_862, %mul3A_863 : vector<16xf32>
      %mul3A_865 = arith.mulf %get3A_821, %get3A_837 : vector<16xf32>
      %mul3A_866 = arith.mulf %get3A_829, %get3A_845 : vector<16xf32>
      %sub3A_867 = arith.subf %mul3A_865, %mul3A_866 : vector<16xf32>
      %mul3A_868 = arith.mulf %get3A_817, %get3A_841 : vector<16xf32>
      %mul3A_869 = arith.mulf %get3A_825, %get3A_833 : vector<16xf32>
      %add3A_870 = arith.addf %mul3A_868, %mul3A_869 : vector<16xf32>
      %mul3A_871 = arith.mulf %get3A_821, %get3A_845 : vector<16xf32>
      %mul3A_872 = arith.mulf %get3A_829, %get3A_837 : vector<16xf32>
      %add3A_873 = arith.addf %mul3A_871, %mul3A_872 : vector<16xf32>
      %mul3A_874 = arith.mulf %sub3A_864, %get3A_849 : vector<16xf32>
      %mul3A_875 = arith.mulf %sub3A_867, %get3A_853 : vector<16xf32>
      %add3A_876 = arith.addf %mul3A_874, %mul3A_875 : vector<16xf32>
      %mul3A_877 = arith.mulf %add3A_870, %get3A_857 : vector<16xf32>
      %add3A_878 = arith.addf %add3A_876, %mul3A_877 : vector<16xf32>
      %mul3A_879 = arith.mulf %add3A_873, %get3A_861 : vector<16xf32>
      %add3A_880 = arith.addf %add3A_878, %mul3A_879 : vector<16xf32>
      %swap3A_881 = arith.constant 5 : i32
      %swap3A_882 = arith.index_cast %swap3A_881 : i32 to index
      %swap3A_883 = arith.constant 16 : index
      %swap3A_884 = tpu.vector_load %arg15[%swap3A_882, %swap3A_883] {strides = array<i32>} : memref<16x48xf32, #tpu.memory_space<vmem>>, vector<1x16xf32>,
      %swap3A_885 = vector.shape_cast %swap3A_884 : vector<1x16xf32> to vector<16xf32>
      %swap3A_886 = vector.shape_cast %add3A_880 : vector<16xf32> to vector<1x16xf32>
      tpu.vector_store %arg15[%swap3A_882, %swap3A_883], %swap3A_886 {strides = array<i32>} : memref<16x48xf32, #tpu.memory_space<vmem>>, vector<1x16xf32>,
      %get3A_887 = arith.constant 5 : i32
      %get3A_888 = arith.index_cast %get3A_887 : i32 to index
      %get3A_889 = arith.constant 24 : index
      %get3A_890 = tpu.vector_load %arg15[%get3A_888, %get3A_889] {strides = array<i32>} : memref<16x48xf32, #tpu.memory_space<vmem>>, vector<1x16xf32>,
      %get3A_891 = vector.shape_cast %get3A_890 : vector<1x16xf32> to vector<16xf32>
      %add3A_892 = arith.addf %add3A_880, %get3A_891 : vector<16xf32>
      %swap3A_893 = arith.constant 5 : i32
      %swap3A_894 = arith.index_cast %swap3A_893 : i32 to index
      %swap3A_895 = arith.constant 16 : index
      %swap3A_896 = tpu.vector_load %arg15[%swap3A_894, %swap3A_895] {strides = array<i32>} : memref<16x48xf32, #tpu.memory_space<vmem>>, vector<1x16xf32>,
      %swap3A_897 = vector.shape_cast %swap3A_896 : vector<1x16xf32> to vector<16xf32>
      %swap3A_898 = vector.shape_cast %add3A_892 : vector<16xf32> to vector<1x16xf32>
      tpu.vector_store %arg15[%swap3A_894, %swap3A_895], %swap3A_898 {strides = array<i32>} : memref<16x48xf32, #tpu.memory_space<vmem>>, vector<1x16xf32>,
      %get3A_899 = arith.constant 5 : i32
      %get3A_900 = arith.index_cast %get3A_899 : i32 to index
      %get3A_901 = arith.constant 12 : index
      %get3A_902 = tpu.vector_load %arg15[%get3A_900, %get3A_901] {strides = array<i32>} : memref<16x48xf32, #tpu.memory_space<vmem>>, vector<1x16xf32>,
      %get3A_903 = vector.shape_cast %get3A_902 : vector<1x16xf32> to vector<16xf32>
      %add3A_904 = arith.addf %add3A_892, %get3A_903 : vector<16xf32>
      %swap3A_905 = arith.constant 5 : i32
      %swap3A_906 = arith.index_cast %swap3A_905 : i32 to index
      %swap3A_907 = arith.constant 16 : index
      %swap3A_908 = tpu.vector_load %arg15[%swap3A_906, %swap3A_907] {strides = array<i32>} : memref<16x48xf32, #tpu.memory_space<vmem>>, vector<1x16xf32>,
      %swap3A_909 = vector.shape_cast %swap3A_908 : vector<1x16xf32> to vector<16xf32>
      %swap3A_910 = vector.shape_cast %add3A_904 : vector<16xf32> to vector<1x16xf32>
      tpu.vector_store %arg15[%swap3A_906, %swap3A_907], %swap3A_910 {strides = array<i32>} : memref<16x48xf32, #tpu.memory_space<vmem>>, vector<1x16xf32>,
      %get3A_911 = arith.constant 5 : i32
      %get3A_912 = arith.index_cast %get3A_911 : i32 to index
      %get3A_913 = arith.constant 18 : index
      %get3A_914 = tpu.vector_load %arg15[%get3A_912, %get3A_913] {strides = array<i32>} : memref<16x48xf32, #tpu.memory_space<vmem>>, vector<1x16xf32>,
      %get3A_915 = vector.shape_cast %get3A_914 : vector<1x16xf32> to vector<16xf32>
      %add3A_916 = arith.addf %add3A_904, %get3A_915 : vector<16xf32>
      %swap3A_917 = arith.constant 5 : i32
      %swap3A_918 = arith.index_cast %swap3A_917 : i32 to index
      %swap3A_919 = arith.constant 16 : index
      %swap3A_920 = tpu.vector_load %arg15[%swap3A_918, %swap3A_919] {strides = array<i32>} : memref<16x48xf32, #tpu.memory_space<vmem>>, vector<1x16xf32>,
      %swap3A_921 = vector.shape_cast %swap3A_920 : vector<1x16xf32> to vector<16xf32>
      %swap3A_922 = vector.shape_cast %add3A_916 : vector<16xf32> to vector<1x16xf32>
      tpu.vector_store %arg15[%swap3A_918, %swap3A_919], %swap3A_922 {strides = array<i32>} : memref<16x48xf32, #tpu.memory_space<vmem>>, vector<1x16xf32>,
      %get3A_923 = arith.constant 5 : i32
      %get3A_924 = arith.index_cast %get3A_923 : i32 to index
      %get3A_925 = arith.constant 15 : index
      %get3A_926 = tpu.vector_load %arg15[%get3A_924, %get3A_925] {strides = array<i32>} : memref<16x48xf32, #tpu.memory_space<vmem>>, vector<1x16xf32>,
      %get3A_927 = vector.shape_cast %get3A_926 : vector<1x16xf32> to vector<16xf32>
      %add3A_928 = arith.addf %add3A_916, %get3A_927 : vector<16xf32>
      %eq3A_929 = arith.constant 5 : i32
      %eq3A_930 = vector.broadcast %eq3A_929 : i32 to vector<16xi32>
      %eq3A_931 = arith.cmpi eq, %iota3A, %eq3A_930 : vector<16xi32>
      %select_n3A_932 = arith.select %eq3A_931, %add3A_928, %select_n3A_809 : vector<16xi1>, vector<16xf32>
      %mul3A_933 = arith.constant 16 : i32
      %mul3A_934 = arith.muli %scan3A_198, %mul3A_933 : i32
      %add3A_935 = arith.constant 6 : i32
      %add3A_936 = arith.addi %mul3A_934, %add3A_935 : i32
      %get3A_937 = arith.index_cast %add3A_936 : i32 to index
      %get3A_938 = arith.constant 0 : index
      %get3A_939 = tpu.vector_load %arg11[%get3A_937, %get3A_938] {strides = array<i32>} : memref<512x64xf32, #tpu.memory_space<vmem>>, vector<1x16xf32>,
      %get3A_940 = vector.shape_cast %get3A_939 : vector<1x16xf32> to vector<16xf32>
      %get3A_941 = arith.index_cast %add3A_936 : i32 to index
      %get3A_942 = arith.constant 16 : index
      %get3A_943 = tpu.vector_load %arg11[%get3A_941, %get3A_942] {strides = array<i32>} : memref<512x64xf32, #tpu.memory_space<vmem>>, vector<1x16xf32>,
      %get3A_944 = vector.shape_cast %get3A_943 : vector<1x16xf32> to vector<16xf32>
      %get3A_945 = arith.index_cast %add3A_936 : i32 to index
      %get3A_946 = arith.constant 32 : index
      %get3A_947 = tpu.vector_load %arg11[%get3A_945, %get3A_946] {strides = array<i32>} : memref<512x64xf32, #tpu.memory_space<vmem>>, vector<1x16xf32>,
      %get3A_948 = vector.shape_cast %get3A_947 : vector<1x16xf32> to vector<16xf32>
      %get3A_949 = arith.index_cast %add3A_936 : i32 to index
      %get3A_950 = arith.constant 48 : index
      %get3A_951 = tpu.vector_load %arg11[%get3A_949, %get3A_950] {strides = array<i32>} : memref<512x64xf32, #tpu.memory_space<vmem>>, vector<1x16xf32>,
      %get3A_952 = vector.shape_cast %get3A_951 : vector<1x16xf32> to vector<16xf32>
      %get3A_953 = arith.index_cast %add3A_936 : i32 to index
      %get3A_954 = arith.constant 0 : index
      %get3A_955 = tpu.vector_load %arg12[%get3A_953, %get3A_954] {strides = array<i32>} : memref<512x64xf32, #tpu.memory_space<vmem>>, vector<1x16xf32>,
      %get3A_956 = vector.shape_cast %get3A_955 : vector<1x16xf32> to vector<16xf32>
      %get3A_957 = arith.index_cast %add3A_936 : i32 to index
      %get3A_958 = arith.constant 16 : index
      %get3A_959 = tpu.vector_load %arg12[%get3A_957, %get3A_958] {strides = array<i32>} : memref<512x64xf32, #tpu.memory_space<vmem>>, vector<1x16xf32>,
      %get3A_960 = vector.shape_cast %get3A_959 : vector<1x16xf32> to vector<16xf32>
      %get3A_961 = arith.index_cast %add3A_936 : i32 to index
      %get3A_962 = arith.constant 32 : index
      %get3A_963 = tpu.vector_load %arg12[%get3A_961, %get3A_962] {strides = array<i32>} : memref<512x64xf32, #tpu.memory_space<vmem>>, vector<1x16xf32>,
      %get3A_964 = vector.shape_cast %get3A_963 : vector<1x16xf32> to vector<16xf32>
      %get3A_965 = arith.index_cast %add3A_936 : i32 to index
      %get3A_966 = arith.constant 48 : index
      %get3A_967 = tpu.vector_load %arg12[%get3A_965, %get3A_966] {strides = array<i32>} : memref<512x64xf32, #tpu.memory_space<vmem>>, vector<1x16xf32>,
      %get3A_968 = vector.shape_cast %get3A_967 : vector<1x16xf32> to vector<16xf32>
      %get3A_969 = arith.index_cast %add3A_936 : i32 to index
      %get3A_970 = arith.constant 0 : index
      %get3A_971 = tpu.vector_load %arg13[%get3A_969, %get3A_970] {strides = array<i32>} : memref<512x64xf32, #tpu.memory_space<vmem>>, vector<1x16xf32>,
      %get3A_972 = vector.shape_cast %get3A_971 : vector<1x16xf32> to vector<16xf32>
      %get3A_973 = arith.index_cast %add3A_936 : i32 to index
      %get3A_974 = arith.constant 16 : index
      %get3A_975 = tpu.vector_load %arg13[%get3A_973, %get3A_974] {strides = array<i32>} : memref<512x64xf32, #tpu.memory_space<vmem>>, vector<1x16xf32>,
      %get3A_976 = vector.shape_cast %get3A_975 : vector<1x16xf32> to vector<16xf32>
      %get3A_977 = arith.index_cast %add3A_936 : i32 to index
      %get3A_978 = arith.constant 32 : index
      %get3A_979 = tpu.vector_load %arg13[%get3A_977, %get3A_978] {strides = array<i32>} : memref<512x64xf32, #tpu.memory_space<vmem>>, vector<1x16xf32>,
      %get3A_980 = vector.shape_cast %get3A_979 : vector<1x16xf32> to vector<16xf32>
      %get3A_981 = arith.index_cast %add3A_936 : i32 to index
      %get3A_982 = arith.constant 48 : index
      %get3A_983 = tpu.vector_load %arg13[%get3A_981, %get3A_982] {strides = array<i32>} : memref<512x64xf32, #tpu.memory_space<vmem>>, vector<1x16xf32>,
      %get3A_984 = vector.shape_cast %get3A_983 : vector<1x16xf32> to vector<16xf32>
      %mul3A_985 = arith.mulf %get3A_940, %get3A_956 : vector<16xf32>
      %mul3A_986 = arith.mulf %get3A_948, %get3A_964 : vector<16xf32>
      %sub3A_987 = arith.subf %mul3A_985, %mul3A_986 : vector<16xf32>
      %mul3A_988 = arith.mulf %get3A_944, %get3A_960 : vector<16xf32>
      %mul3A_989 = arith.mulf %get3A_952, %get3A_968 : vector<16xf32>
      %sub3A_990 = arith.subf %mul3A_988, %mul3A_989 : vector<16xf32>
      %mul3A_991 = arith.mulf %get3A_940, %get3A_964 : vector<16xf32>
      %mul3A_992 = arith.mulf %get3A_948, %get3A_956 : vector<16xf32>
      %add3A_993 = arith.addf %mul3A_991, %mul3A_992 : vector<16xf32>
      %mul3A_994 = arith.mulf %get3A_944, %get3A_968 : vector<16xf32>
      %mul3A_995 = arith.mulf %get3A_952, %get3A_960 : vector<16xf32>
      %add3A_996 = arith.addf %mul3A_994, %mul3A_995 : vector<16xf32>
      %mul3A_997 = arith.mulf %sub3A_987, %get3A_972 : vector<16xf32>
      %mul3A_998 = arith.mulf %sub3A_990, %get3A_976 : vector<16xf32>
      %add3A_999 = arith.addf %mul3A_997, %mul3A_998 : vector<16xf32>
      %mul3A_1000 = arith.mulf %add3A_993, %get3A_980 : vector<16xf32>
      %add3A_1001 = arith.addf %add3A_999, %mul3A_1000 : vector<16xf32>
      %mul3A_1002 = arith.mulf %add3A_996, %get3A_984 : vector<16xf32>
      %add3A_1003 = arith.addf %add3A_1001, %mul3A_1002 : vector<16xf32>
      %swap3A_1004 = arith.constant 6 : i32
      %swap3A_1005 = arith.index_cast %swap3A_1004 : i32 to index
      %swap3A_1006 = arith.constant 16 : index
      %swap3A_1007 = tpu.vector_load %arg15[%swap3A_1005, %swap3A_1006] {strides = array<i32>} : memref<16x48xf32, #tpu.memory_space<vmem>>, vector<1x16xf32>,
      %swap3A_1008 = vector.shape_cast %swap3A_1007 : vector<1x16xf32> to vector<16xf32>
      %swap3A_1009 = vector.shape_cast %add3A_1003 : vector<16xf32> to vector<1x16xf32>
      tpu.vector_store %arg15[%swap3A_1005, %swap3A_1006], %swap3A_1009 {strides = array<i32>} : memref<16x48xf32, #tpu.memory_space<vmem>>, vector<1x16xf32>,
      %get3A_1010 = arith.constant 6 : i32
      %get3A_1011 = arith.index_cast %get3A_1010 : i32 to index
      %get3A_1012 = arith.constant 24 : index
      %get3A_1013 = tpu.vector_load %arg15[%get3A_1011, %get3A_1012] {strides = array<i32>} : memref<16x48xf32, #tpu.memory_space<vmem>>, vector<1x16xf32>,
      %get3A_1014 = vector.shape_cast %get3A_1013 : vector<1x16xf32> to vector<16xf32>
      %add3A_1015 = arith.addf %add3A_1003, %get3A_1014 : vector<16xf32>
      %swap3A_1016 = arith.constant 6 : i32
      %swap3A_1017 = arith.index_cast %swap3A_1016 : i32 to index
      %swap3A_1018 = arith.constant 16 : index
      %swap3A_1019 = tpu.vector_load %arg15[%swap3A_1017, %swap3A_1018] {strides = array<i32>} : memref<16x48xf32, #tpu.memory_space<vmem>>, vector<1x16xf32>,
      %swap3A_1020 = vector.shape_cast %swap3A_1019 : vector<1x16xf32> to vector<16xf32>
      %swap3A_1021 = vector.shape_cast %add3A_1015 : vector<16xf32> to vector<1x16xf32>
      tpu.vector_store %arg15[%swap3A_1017, %swap3A_1018], %swap3A_1021 {strides = array<i32>} : memref<16x48xf32, #tpu.memory_space<vmem>>, vector<1x16xf32>,
      %get3A_1022 = arith.constant 6 : i32
      %get3A_1023 = arith.index_cast %get3A_1022 : i32 to index
      %get3A_1024 = arith.constant 12 : index
      %get3A_1025 = tpu.vector_load %arg15[%get3A_1023, %get3A_1024] {strides = array<i32>} : memref<16x48xf32, #tpu.memory_space<vmem>>, vector<1x16xf32>,
      %get3A_1026 = vector.shape_cast %get3A_1025 : vector<1x16xf32> to vector<16xf32>
      %add3A_1027 = arith.addf %add3A_1015, %get3A_1026 : vector<16xf32>
      %swap3A_1028 = arith.constant 6 : i32
      %swap3A_1029 = arith.index_cast %swap3A_1028 : i32 to index
      %swap3A_1030 = arith.constant 16 : index
      %swap3A_1031 = tpu.vector_load %arg15[%swap3A_1029, %swap3A_1030] {strides = array<i32>} : memref<16x48xf32, #tpu.memory_space<vmem>>, vector<1x16xf32>,
      %swap3A_1032 = vector.shape_cast %swap3A_1031 : vector<1x16xf32> to vector<16xf32>
      %swap3A_1033 = vector.shape_cast %add3A_1027 : vector<16xf32> to vector<1x16xf32>
      tpu.vector_store %arg15[%swap3A_1029, %swap3A_1030], %swap3A_1033 {strides = array<i32>} : memref<16x48xf32, #tpu.memory_space<vmem>>, vector<1x16xf32>,
      %get3A_1034 = arith.constant 6 : i32
      %get3A_1035 = arith.index_cast %get3A_1034 : i32 to index
      %get3A_1036 = arith.constant 14 : index
      %get3A_1037 = tpu.vector_load %arg15[%get3A_1035, %get3A_1036] {strides = array<i32>} : memref<16x48xf32, #tpu.memory_space<vmem>>, vector<1x16xf32>,
      %get3A_1038 = vector.shape_cast %get3A_1037 : vector<1x16xf32> to vector<16xf32>
      %add3A_1039 = arith.addf %add3A_1027, %get3A_1038 : vector<16xf32>
      %swap3A_1040 = arith.constant 6 : i32
      %swap3A_1041 = arith.index_cast %swap3A_1040 : i32 to index
      %swap3A_1042 = arith.constant 16 : index
      %swap3A_1043 = tpu.vector_load %arg15[%swap3A_1041, %swap3A_1042] {strides = array<i32>} : memref<16x48xf32, #tpu.memory_space<vmem>>, vector<1x16xf32>,
      %swap3A_1044 = vector.shape_cast %swap3A_1043 : vector<1x16xf32> to vector<16xf32>
      %swap3A_1045 = vector.shape_cast %add3A_1039 : vector<16xf32> to vector<1x16xf32>
      tpu.vector_store %arg15[%swap3A_1041, %swap3A_1042], %swap3A_1045 {strides = array<i32>} : memref<16x48xf32, #tpu.memory_space<vmem>>, vector<1x16xf32>,
      %get3A_1046 = arith.constant 6 : i32
      %get3A_1047 = arith.index_cast %get3A_1046 : i32 to index
      %get3A_1048 = arith.constant 17 : index
      %get3A_1049 = tpu.vector_load %arg15[%get3A_1047, %get3A_1048] {strides = array<i32>} : memref<16x48xf32, #tpu.memory_space<vmem>>, vector<1x16xf32>,
      %get3A_1050 = vector.shape_cast %get3A_1049 : vector<1x16xf32> to vector<16xf32>
      %add3A_1051 = arith.addf %add3A_1039, %get3A_1050 : vector<16xf32>
      %eq3A_1052 = arith.constant 6 : i32
      %eq3A_1053 = vector.broadcast %eq3A_1052 : i32 to vector<16xi32>
      %eq3A_1054 = arith.cmpi eq, %iota3A, %eq3A_1053 : vector<16xi32>
      %select_n3A_1055 = arith.select %eq3A_1054, %add3A_1051, %select_n3A_932 : vector<16xi1>, vector<16xf32>
      %mul3A_1056 = arith.constant 16 : i32
      %mul3A_1057 = arith.muli %scan3A_198, %mul3A_1056 : i32
      %add3A_1058 = arith.constant 7 : i32
      %add3A_1059 = arith.addi %mul3A_1057, %add3A_1058 : i32
      %get3A_1060 = arith.index_cast %add3A_1059 : i32 to index
      %get3A_1061 = arith.constant 0 : index
      %get3A_1062 = tpu.vector_load %arg11[%get3A_1060, %get3A_1061] {strides = array<i32>} : memref<512x64xf32, #tpu.memory_space<vmem>>, vector<1x16xf32>,
      %get3A_1063 = vector.shape_cast %get3A_1062 : vector<1x16xf32> to vector<16xf32>
      %get3A_1064 = arith.index_cast %add3A_1059 : i32 to index
      %get3A_1065 = arith.constant 16 : index
      %get3A_1066 = tpu.vector_load %arg11[%get3A_1064, %get3A_1065] {strides = array<i32>} : memref<512x64xf32, #tpu.memory_space<vmem>>, vector<1x16xf32>,
      %get3A_1067 = vector.shape_cast %get3A_1066 : vector<1x16xf32> to vector<16xf32>
      %get3A_1068 = arith.index_cast %add3A_1059 : i32 to index
      %get3A_1069 = arith.constant 32 : index
      %get3A_1070 = tpu.vector_load %arg11[%get3A_1068, %get3A_1069] {strides = array<i32>} : memref<512x64xf32, #tpu.memory_space<vmem>>, vector<1x16xf32>,
      %get3A_1071 = vector.shape_cast %get3A_1070 : vector<1x16xf32> to vector<16xf32>
      %get3A_1072 = arith.index_cast %add3A_1059 : i32 to index
      %get3A_1073 = arith.constant 48 : index
      %get3A_1074 = tpu.vector_load %arg11[%get3A_1072, %get3A_1073] {strides = array<i32>} : memref<512x64xf32, #tpu.memory_space<vmem>>, vector<1x16xf32>,
      %get3A_1075 = vector.shape_cast %get3A_1074 : vector<1x16xf32> to vector<16xf32>
      %get3A_1076 = arith.index_cast %add3A_1059 : i32 to index
      %get3A_1077 = arith.constant 0 : index
      %get3A_1078 = tpu.vector_load %arg12[%get3A_1076, %get3A_1077] {strides = array<i32>} : memref<512x64xf32, #tpu.memory_space<vmem>>, vector<1x16xf32>,
      %get3A_1079 = vector.shape_cast %get3A_1078 : vector<1x16xf32> to vector<16xf32>
      %get3A_1080 = arith.index_cast %add3A_1059 : i32 to index
      %get3A_1081 = arith.constant 16 : index
      %get3A_1082 = tpu.vector_load %arg12[%get3A_1080, %get3A_1081] {strides = array<i32>} : memref<512x64xf32, #tpu.memory_space<vmem>>, vector<1x16xf32>,
      %get3A_1083 = vector.shape_cast %get3A_1082 : vector<1x16xf32> to vector<16xf32>
      %get3A_1084 = arith.index_cast %add3A_1059 : i32 to index
      %get3A_1085 = arith.constant 32 : index
      %get3A_1086 = tpu.vector_load %arg12[%get3A_1084, %get3A_1085] {strides = array<i32>} : memref<512x64xf32, #tpu.memory_space<vmem>>, vector<1x16xf32>,
      %get3A_1087 = vector.shape_cast %get3A_1086 : vector<1x16xf32> to vector<16xf32>
      %get3A_1088 = arith.index_cast %add3A_1059 : i32 to index
      %get3A_1089 = arith.constant 48 : index
      %get3A_1090 = tpu.vector_load %arg12[%get3A_1088, %get3A_1089] {strides = array<i32>} : memref<512x64xf32, #tpu.memory_space<vmem>>, vector<1x16xf32>,
      %get3A_1091 = vector.shape_cast %get3A_1090 : vector<1x16xf32> to vector<16xf32>
      %get3A_1092 = arith.index_cast %add3A_1059 : i32 to index
      %get3A_1093 = arith.constant 0 : index
      %get3A_1094 = tpu.vector_load %arg13[%get3A_1092, %get3A_1093] {strides = array<i32>} : memref<512x64xf32, #tpu.memory_space<vmem>>, vector<1x16xf32>,
      %get3A_1095 = vector.shape_cast %get3A_1094 : vector<1x16xf32> to vector<16xf32>
      %get3A_1096 = arith.index_cast %add3A_1059 : i32 to index
      %get3A_1097 = arith.constant 16 : index
      %get3A_1098 = tpu.vector_load %arg13[%get3A_1096, %get3A_1097] {strides = array<i32>} : memref<512x64xf32, #tpu.memory_space<vmem>>, vector<1x16xf32>,
      %get3A_1099 = vector.shape_cast %get3A_1098 : vector<1x16xf32> to vector<16xf32>
      %get3A_1100 = arith.index_cast %add3A_1059 : i32 to index
      %get3A_1101 = arith.constant 32 : index
      %get3A_1102 = tpu.vector_load %arg13[%get3A_1100, %get3A_1101] {strides = array<i32>} : memref<512x64xf32, #tpu.memory_space<vmem>>, vector<1x16xf32>,
      %get3A_1103 = vector.shape_cast %get3A_1102 : vector<1x16xf32> to vector<16xf32>
      %get3A_1104 = arith.index_cast %add3A_1059 : i32 to index
      %get3A_1105 = arith.constant 48 : index
      %get3A_1106 = tpu.vector_load %arg13[%get3A_1104, %get3A_1105] {strides = array<i32>} : memref<512x64xf32, #tpu.memory_space<vmem>>, vector<1x16xf32>,
      %get3A_1107 = vector.shape_cast %get3A_1106 : vector<1x16xf32> to vector<16xf32>
      %mul3A_1108 = arith.mulf %get3A_1063, %get3A_1079 : vector<16xf32>
      %mul3A_1109 = arith.mulf %get3A_1071, %get3A_1087 : vector<16xf32>
      %sub3A_1110 = arith.subf %mul3A_1108, %mul3A_1109 : vector<16xf32>
      %mul3A_1111 = arith.mulf %get3A_1067, %get3A_1083 : vector<16xf32>
      %mul3A_1112 = arith.mulf %get3A_1075, %get3A_1091 : vector<16xf32>
      %sub3A_1113 = arith.subf %mul3A_1111, %mul3A_1112 : vector<16xf32>
      %mul3A_1114 = arith.mulf %get3A_1063, %get3A_1087 : vector<16xf32>
      %mul3A_1115 = arith.mulf %get3A_1071, %get3A_1079 : vector<16xf32>
      %add3A_1116 = arith.addf %mul3A_1114, %mul3A_1115 : vector<16xf32>
      %mul3A_1117 = arith.mulf %get3A_1067, %get3A_1091 : vector<16xf32>
      %mul3A_1118 = arith.mulf %get3A_1075, %get3A_1083 : vector<16xf32>
      %add3A_1119 = arith.addf %mul3A_1117, %mul3A_1118 : vector<16xf32>
      %mul3A_1120 = arith.mulf %sub3A_1110, %get3A_1095 : vector<16xf32>
      %mul3A_1121 = arith.mulf %sub3A_1113, %get3A_1099 : vector<16xf32>
      %add3A_1122 = arith.addf %mul3A_1120, %mul3A_1121 : vector<16xf32>
      %mul3A_1123 = arith.mulf %add3A_1116, %get3A_1103 : vector<16xf32>
      %add3A_1124 = arith.addf %add3A_1122, %mul3A_1123 : vector<16xf32>
      %mul3A_1125 = arith.mulf %add3A_1119, %get3A_1107 : vector<16xf32>
      %add3A_1126 = arith.addf %add3A_1124, %mul3A_1125 : vector<16xf32>
      %swap3A_1127 = arith.constant 7 : i32
      %swap3A_1128 = arith.index_cast %swap3A_1127 : i32 to index
      %swap3A_1129 = arith.constant 16 : index
      %swap3A_1130 = tpu.vector_load %arg15[%swap3A_1128, %swap3A_1129] {strides = array<i32>} : memref<16x48xf32, #tpu.memory_space<vmem>>, vector<1x16xf32>,
      %swap3A_1131 = vector.shape_cast %swap3A_1130 : vector<1x16xf32> to vector<16xf32>
      %swap3A_1132 = vector.shape_cast %add3A_1126 : vector<16xf32> to vector<1x16xf32>
      tpu.vector_store %arg15[%swap3A_1128, %swap3A_1129], %swap3A_1132 {strides = array<i32>} : memref<16x48xf32, #tpu.memory_space<vmem>>, vector<1x16xf32>,
      %get3A_1133 = arith.constant 7 : i32
      %get3A_1134 = arith.index_cast %get3A_1133 : i32 to index
      %get3A_1135 = arith.constant 24 : index
      %get3A_1136 = tpu.vector_load %arg15[%get3A_1134, %get3A_1135] {strides = array<i32>} : memref<16x48xf32, #tpu.memory_space<vmem>>, vector<1x16xf32>,
      %get3A_1137 = vector.shape_cast %get3A_1136 : vector<1x16xf32> to vector<16xf32>
      %add3A_1138 = arith.addf %add3A_1126, %get3A_1137 : vector<16xf32>
      %swap3A_1139 = arith.constant 7 : i32
      %swap3A_1140 = arith.index_cast %swap3A_1139 : i32 to index
      %swap3A_1141 = arith.constant 16 : index
      %swap3A_1142 = tpu.vector_load %arg15[%swap3A_1140, %swap3A_1141] {strides = array<i32>} : memref<16x48xf32, #tpu.memory_space<vmem>>, vector<1x16xf32>,
      %swap3A_1143 = vector.shape_cast %swap3A_1142 : vector<1x16xf32> to vector<16xf32>
      %swap3A_1144 = vector.shape_cast %add3A_1138 : vector<16xf32> to vector<1x16xf32>
      tpu.vector_store %arg15[%swap3A_1140, %swap3A_1141], %swap3A_1144 {strides = array<i32>} : memref<16x48xf32, #tpu.memory_space<vmem>>, vector<1x16xf32>,
      %get3A_1145 = arith.constant 7 : i32
      %get3A_1146 = arith.index_cast %get3A_1145 : i32 to index
      %get3A_1147 = arith.constant 12 : index
      %get3A_1148 = tpu.vector_load %arg15[%get3A_1146, %get3A_1147] {strides = array<i32>} : memref<16x48xf32, #tpu.memory_space<vmem>>, vector<1x16xf32>,
      %get3A_1149 = vector.shape_cast %get3A_1148 : vector<1x16xf32> to vector<16xf32>
      %add3A_1150 = arith.addf %add3A_1138, %get3A_1149 : vector<16xf32>
      %swap3A_1151 = arith.constant 7 : i32
      %swap3A_1152 = arith.index_cast %swap3A_1151 : i32 to index
      %swap3A_1153 = arith.constant 16 : index
      %swap3A_1154 = tpu.vector_load %arg15[%swap3A_1152, %swap3A_1153] {strides = array<i32>} : memref<16x48xf32, #tpu.memory_space<vmem>>, vector<1x16xf32>,
      %swap3A_1155 = vector.shape_cast %swap3A_1154 : vector<1x16xf32> to vector<16xf32>
      %swap3A_1156 = vector.shape_cast %add3A_1150 : vector<16xf32> to vector<1x16xf32>
      tpu.vector_store %arg15[%swap3A_1152, %swap3A_1153], %swap3A_1156 {strides = array<i32>} : memref<16x48xf32, #tpu.memory_space<vmem>>, vector<1x16xf32>,
      %get3A_1157 = arith.constant 7 : i32
      %get3A_1158 = arith.index_cast %get3A_1157 : i32 to index
      %get3A_1159 = arith.constant 14 : index
      %get3A_1160 = tpu.vector_load %arg15[%get3A_1158, %get3A_1159] {strides = array<i32>} : memref<16x48xf32, #tpu.memory_space<vmem>>, vector<1x16xf32>,
      %get3A_1161 = vector.shape_cast %get3A_1160 : vector<1x16xf32> to vector<16xf32>
      %add3A_1162 = arith.addf %add3A_1150, %get3A_1161 : vector<16xf32>
      %swap3A_1163 = arith.constant 7 : i32
      %swap3A_1164 = arith.index_cast %swap3A_1163 : i32 to index
      %swap3A_1165 = arith.constant 16 : index
      %swap3A_1166 = tpu.vector_load %arg15[%swap3A_1164, %swap3A_1165] {strides = array<i32>} : memref<16x48xf32, #tpu.memory_space<vmem>>, vector<1x16xf32>,
      %swap3A_1167 = vector.shape_cast %swap3A_1166 : vector<1x16xf32> to vector<16xf32>
      %swap3A_1168 = vector.shape_cast %add3A_1162 : vector<16xf32> to vector<1x16xf32>
      tpu.vector_store %arg15[%swap3A_1164, %swap3A_1165], %swap3A_1168 {strides = array<i32>} : memref<16x48xf32, #tpu.memory_space<vmem>>, vector<1x16xf32>,
      %get3A_1169 = arith.constant 7 : i32
      %get3A_1170 = arith.index_cast %get3A_1169 : i32 to index
      %get3A_1171 = arith.constant 15 : index
      %get3A_1172 = tpu.vector_load %arg15[%get3A_1170, %get3A_1171] {strides = array<i32>} : memref<16x48xf32, #tpu.memory_space<vmem>>, vector<1x16xf32>,
      %get3A_1173 = vector.shape_cast %get3A_1172 : vector<1x16xf32> to vector<16xf32>
      %add3A_1174 = arith.addf %add3A_1162, %get3A_1173 : vector<16xf32>
      %eq3A_1175 = arith.constant 7 : i32
      %eq3A_1176 = vector.broadcast %eq3A_1175 : i32 to vector<16xi32>
      %eq3A_1177 = arith.cmpi eq, %iota3A, %eq3A_1176 : vector<16xi32>
      %select_n3A_1178 = arith.select %eq3A_1177, %add3A_1174, %select_n3A_1055 : vector<16xi1>, vector<16xf32>
      %mul3A_1179 = arith.constant 16 : i32
      %mul3A_1180 = arith.muli %scan3A_198, %mul3A_1179 : i32
      %add3A_1181 = arith.constant 8 : i32
      %add3A_1182 = arith.addi %mul3A_1180, %add3A_1181 : i32
      %get3A_1183 = arith.index_cast %add3A_1182 : i32 to index
      %get3A_1184 = arith.constant 0 : index
      %get3A_1185 = tpu.vector_load %arg11[%get3A_1183, %get3A_1184] {strides = array<i32>} : memref<512x64xf32, #tpu.memory_space<vmem>>, vector<1x16xf32>,
      %get3A_1186 = vector.shape_cast %get3A_1185 : vector<1x16xf32> to vector<16xf32>
      %get3A_1187 = arith.index_cast %add3A_1182 : i32 to index
      %get3A_1188 = arith.constant 16 : index
      %get3A_1189 = tpu.vector_load %arg11[%get3A_1187, %get3A_1188] {strides = array<i32>} : memref<512x64xf32, #tpu.memory_space<vmem>>, vector<1x16xf32>,
      %get3A_1190 = vector.shape_cast %get3A_1189 : vector<1x16xf32> to vector<16xf32>
      %get3A_1191 = arith.index_cast %add3A_1182 : i32 to index
      %get3A_1192 = arith.constant 32 : index
      %get3A_1193 = tpu.vector_load %arg11[%get3A_1191, %get3A_1192] {strides = array<i32>} : memref<512x64xf32, #tpu.memory_space<vmem>>, vector<1x16xf32>,
      %get3A_1194 = vector.shape_cast %get3A_1193 : vector<1x16xf32> to vector<16xf32>
      %get3A_1195 = arith.index_cast %add3A_1182 : i32 to index
      %get3A_1196 = arith.constant 48 : index
      %get3A_1197 = tpu.vector_load %arg11[%get3A_1195, %get3A_1196] {strides = array<i32>} : memref<512x64xf32, #tpu.memory_space<vmem>>, vector<1x16xf32>,
      %get3A_1198 = vector.shape_cast %get3A_1197 : vector<1x16xf32> to vector<16xf32>
      %get3A_1199 = arith.index_cast %add3A_1182 : i32 to index
      %get3A_1200 = arith.constant 0 : index
      %get3A_1201 = tpu.vector_load %arg12[%get3A_1199, %get3A_1200] {strides = array<i32>} : memref<512x64xf32, #tpu.memory_space<vmem>>, vector<1x16xf32>,
      %get3A_1202 = vector.shape_cast %get3A_1201 : vector<1x16xf32> to vector<16xf32>
      %get3A_1203 = arith.index_cast %add3A_1182 : i32 to index
      %get3A_1204 = arith.constant 16 : index
      %get3A_1205 = tpu.vector_load %arg12[%get3A_1203, %get3A_1204] {strides = array<i32>} : memref<512x64xf32, #tpu.memory_space<vmem>>, vector<1x16xf32>,
      %get3A_1206 = vector.shape_cast %get3A_1205 : vector<1x16xf32> to vector<16xf32>
      %get3A_1207 = arith.index_cast %add3A_1182 : i32 to index
      %get3A_1208 = arith.constant 32 : index
      %get3A_1209 = tpu.vector_load %arg12[%get3A_1207, %get3A_1208] {strides = array<i32>} : memref<512x64xf32, #tpu.memory_space<vmem>>, vector<1x16xf32>,
      %get3A_1210 = vector.shape_cast %get3A_1209 : vector<1x16xf32> to vector<16xf32>
      %get3A_1211 = arith.index_cast %add3A_1182 : i32 to index
      %get3A_1212 = arith.constant 48 : index
      %get3A_1213 = tpu.vector_load %arg12[%get3A_1211, %get3A_1212] {strides = array<i32>} : memref<512x64xf32, #tpu.memory_space<vmem>>, vector<1x16xf32>,
      %get3A_1214 = vector.shape_cast %get3A_1213 : vector<1x16xf32> to vector<16xf32>
      %get3A_1215 = arith.index_cast %add3A_1182 : i32 to index
      %get3A_1216 = arith.constant 0 : index
      %get3A_1217 = tpu.vector_load %arg13[%get3A_1215, %get3A_1216] {strides = array<i32>} : memref<512x64xf32, #tpu.memory_space<vmem>>, vector<1x16xf32>,
      %get3A_1218 = vector.shape_cast %get3A_1217 : vector<1x16xf32> to vector<16xf32>
      %get3A_1219 = arith.index_cast %add3A_1182 : i32 to index
      %get3A_1220 = arith.constant 16 : index
      %get3A_1221 = tpu.vector_load %arg13[%get3A_1219, %get3A_1220] {strides = array<i32>} : memref<512x64xf32, #tpu.memory_space<vmem>>, vector<1x16xf32>,
      %get3A_1222 = vector.shape_cast %get3A_1221 : vector<1x16xf32> to vector<16xf32>
      %get3A_1223 = arith.index_cast %add3A_1182 : i32 to index
      %get3A_1224 = arith.constant 32 : index
      %get3A_1225 = tpu.vector_load %arg13[%get3A_1223, %get3A_1224] {strides = array<i32>} : memref<512x64xf32, #tpu.memory_space<vmem>>, vector<1x16xf32>,
      %get3A_1226 = vector.shape_cast %get3A_1225 : vector<1x16xf32> to vector<16xf32>
      %get3A_1227 = arith.index_cast %add3A_1182 : i32 to index
      %get3A_1228 = arith.constant 48 : index
      %get3A_1229 = tpu.vector_load %arg13[%get3A_1227, %get3A_1228] {strides = array<i32>} : memref<512x64xf32, #tpu.memory_space<vmem>>, vector<1x16xf32>,
      %get3A_1230 = vector.shape_cast %get3A_1229 : vector<1x16xf32> to vector<16xf32>
      %mul3A_1231 = arith.mulf %get3A_1186, %get3A_1202 : vector<16xf32>
      %mul3A_1232 = arith.mulf %get3A_1194, %get3A_1210 : vector<16xf32>
      %sub3A_1233 = arith.subf %mul3A_1231, %mul3A_1232 : vector<16xf32>
      %mul3A_1234 = arith.mulf %get3A_1190, %get3A_1206 : vector<16xf32>
      %mul3A_1235 = arith.mulf %get3A_1198, %get3A_1214 : vector<16xf32>
      %sub3A_1236 = arith.subf %mul3A_1234, %mul3A_1235 : vector<16xf32>
      %mul3A_1237 = arith.mulf %get3A_1186, %get3A_1210 : vector<16xf32>
      %mul3A_1238 = arith.mulf %get3A_1194, %get3A_1202 : vector<16xf32>
      %add3A_1239 = arith.addf %mul3A_1237, %mul3A_1238 : vector<16xf32>
      %mul3A_1240 = arith.mulf %get3A_1190, %get3A_1214 : vector<16xf32>
      %mul3A_1241 = arith.mulf %get3A_1198, %get3A_1206 : vector<16xf32>
      %add3A_1242 = arith.addf %mul3A_1240, %mul3A_1241 : vector<16xf32>
      %mul3A_1243 = arith.mulf %sub3A_1233, %get3A_1218 : vector<16xf32>
      %mul3A_1244 = arith.mulf %sub3A_1236, %get3A_1222 : vector<16xf32>
      %add3A_1245 = arith.addf %mul3A_1243, %mul3A_1244 : vector<16xf32>
      %mul3A_1246 = arith.mulf %add3A_1239, %get3A_1226 : vector<16xf32>
      %add3A_1247 = arith.addf %add3A_1245, %mul3A_1246 : vector<16xf32>
      %mul3A_1248 = arith.mulf %add3A_1242, %get3A_1230 : vector<16xf32>
      %add3A_1249 = arith.addf %add3A_1247, %mul3A_1248 : vector<16xf32>
      %swap3A_1250 = arith.constant 8 : i32
      %swap3A_1251 = arith.index_cast %swap3A_1250 : i32 to index
      %swap3A_1252 = arith.constant 16 : index
      %swap3A_1253 = tpu.vector_load %arg15[%swap3A_1251, %swap3A_1252] {strides = array<i32>} : memref<16x48xf32, #tpu.memory_space<vmem>>, vector<1x16xf32>,
      %swap3A_1254 = vector.shape_cast %swap3A_1253 : vector<1x16xf32> to vector<16xf32>
      %swap3A_1255 = vector.shape_cast %add3A_1249 : vector<16xf32> to vector<1x16xf32>
      tpu.vector_store %arg15[%swap3A_1251, %swap3A_1252], %swap3A_1255 {strides = array<i32>} : memref<16x48xf32, #tpu.memory_space<vmem>>, vector<1x16xf32>,
      %get3A_1256 = arith.constant 8 : i32
      %get3A_1257 = arith.index_cast %get3A_1256 : i32 to index
      %get3A_1258 = arith.constant 8 : index
      %get3A_1259 = tpu.vector_load %arg15[%get3A_1257, %get3A_1258] {strides = array<i32>} : memref<16x48xf32, #tpu.memory_space<vmem>>, vector<1x16xf32>,
      %get3A_1260 = vector.shape_cast %get3A_1259 : vector<1x16xf32> to vector<16xf32>
      %add3A_1261 = arith.addf %add3A_1249, %get3A_1260 : vector<16xf32>
      %swap3A_1262 = arith.constant 8 : i32
      %swap3A_1263 = arith.index_cast %swap3A_1262 : i32 to index
      %swap3A_1264 = arith.constant 16 : index
      %swap3A_1265 = tpu.vector_load %arg15[%swap3A_1263, %swap3A_1264] {strides = array<i32>} : memref<16x48xf32, #tpu.memory_space<vmem>>, vector<1x16xf32>,
      %swap3A_1266 = vector.shape_cast %swap3A_1265 : vector<1x16xf32> to vector<16xf32>
      %swap3A_1267 = vector.shape_cast %add3A_1261 : vector<16xf32> to vector<1x16xf32>
      tpu.vector_store %arg15[%swap3A_1263, %swap3A_1264], %swap3A_1267 {strides = array<i32>} : memref<16x48xf32, #tpu.memory_space<vmem>>, vector<1x16xf32>,
      %get3A_1268 = arith.constant 8 : i32
      %get3A_1269 = arith.index_cast %get3A_1268 : i32 to index
      %get3A_1270 = arith.constant 20 : index
      %get3A_1271 = tpu.vector_load %arg15[%get3A_1269, %get3A_1270] {strides = array<i32>} : memref<16x48xf32, #tpu.memory_space<vmem>>, vector<1x16xf32>,
      %get3A_1272 = vector.shape_cast %get3A_1271 : vector<1x16xf32> to vector<16xf32>
      %add3A_1273 = arith.addf %add3A_1261, %get3A_1272 : vector<16xf32>
      %swap3A_1274 = arith.constant 8 : i32
      %swap3A_1275 = arith.index_cast %swap3A_1274 : i32 to index
      %swap3A_1276 = arith.constant 16 : index
      %swap3A_1277 = tpu.vector_load %arg15[%swap3A_1275, %swap3A_1276] {strides = array<i32>} : memref<16x48xf32, #tpu.memory_space<vmem>>, vector<1x16xf32>,
      %swap3A_1278 = vector.shape_cast %swap3A_1277 : vector<1x16xf32> to vector<16xf32>
      %swap3A_1279 = vector.shape_cast %add3A_1273 : vector<16xf32> to vector<1x16xf32>
      tpu.vector_store %arg15[%swap3A_1275, %swap3A_1276], %swap3A_1279 {strides = array<i32>} : memref<16x48xf32, #tpu.memory_space<vmem>>, vector<1x16xf32>,
      %get3A_1280 = arith.constant 8 : i32
      %get3A_1281 = arith.index_cast %get3A_1280 : i32 to index
      %get3A_1282 = arith.constant 18 : index
      %get3A_1283 = tpu.vector_load %arg15[%get3A_1281, %get3A_1282] {strides = array<i32>} : memref<16x48xf32, #tpu.memory_space<vmem>>, vector<1x16xf32>,
      %get3A_1284 = vector.shape_cast %get3A_1283 : vector<1x16xf32> to vector<16xf32>
      %add3A_1285 = arith.addf %add3A_1273, %get3A_1284 : vector<16xf32>
      %swap3A_1286 = arith.constant 8 : i32
      %swap3A_1287 = arith.index_cast %swap3A_1286 : i32 to index
      %swap3A_1288 = arith.constant 16 : index
      %swap3A_1289 = tpu.vector_load %arg15[%swap3A_1287, %swap3A_1288] {strides = array<i32>} : memref<16x48xf32, #tpu.memory_space<vmem>>, vector<1x16xf32>,
      %swap3A_1290 = vector.shape_cast %swap3A_1289 : vector<1x16xf32> to vector<16xf32>
      %swap3A_1291 = vector.shape_cast %add3A_1285 : vector<16xf32> to vector<1x16xf32>
      tpu.vector_store %arg15[%swap3A_1287, %swap3A_1288], %swap3A_1291 {strides = array<i32>} : memref<16x48xf32, #tpu.memory_space<vmem>>, vector<1x16xf32>,
      %get3A_1292 = arith.constant 8 : i32
      %get3A_1293 = arith.index_cast %get3A_1292 : i32 to index
      %get3A_1294 = arith.constant 17 : index
      %get3A_1295 = tpu.vector_load %arg15[%get3A_1293, %get3A_1294] {strides = array<i32>} : memref<16x48xf32, #tpu.memory_space<vmem>>, vector<1x16xf32>,
      %get3A_1296 = vector.shape_cast %get3A_1295 : vector<1x16xf32> to vector<16xf32>
      %add3A_1297 = arith.addf %add3A_1285, %get3A_1296 : vector<16xf32>
      %eq3A_1298 = arith.constant 8 : i32
      %eq3A_1299 = vector.broadcast %eq3A_1298 : i32 to vector<16xi32>
      %eq3A_1300 = arith.cmpi eq, %iota3A, %eq3A_1299 : vector<16xi32>
      %select_n3A_1301 = arith.select %eq3A_1300, %add3A_1297, %select_n3A_1178 : vector<16xi1>, vector<16xf32>
      %mul3A_1302 = arith.constant 16 : i32
      %mul3A_1303 = arith.muli %scan3A_198, %mul3A_1302 : i32
      %add3A_1304 = arith.constant 9 : i32
      %add3A_1305 = arith.addi %mul3A_1303, %add3A_1304 : i32
      %get3A_1306 = arith.index_cast %add3A_1305 : i32 to index
      %get3A_1307 = arith.constant 0 : index
      %get3A_1308 = tpu.vector_load %arg11[%get3A_1306, %get3A_1307] {strides = array<i32>} : memref<512x64xf32, #tpu.memory_space<vmem>>, vector<1x16xf32>,
      %get3A_1309 = vector.shape_cast %get3A_1308 : vector<1x16xf32> to vector<16xf32>
      %get3A_1310 = arith.index_cast %add3A_1305 : i32 to index
      %get3A_1311 = arith.constant 16 : index
      %get3A_1312 = tpu.vector_load %arg11[%get3A_1310, %get3A_1311] {strides = array<i32>} : memref<512x64xf32, #tpu.memory_space<vmem>>, vector<1x16xf32>,
      %get3A_1313 = vector.shape_cast %get3A_1312 : vector<1x16xf32> to vector<16xf32>
      %get3A_1314 = arith.index_cast %add3A_1305 : i32 to index
      %get3A_1315 = arith.constant 32 : index
      %get3A_1316 = tpu.vector_load %arg11[%get3A_1314, %get3A_1315] {strides = array<i32>} : memref<512x64xf32, #tpu.memory_space<vmem>>, vector<1x16xf32>,
      %get3A_1317 = vector.shape_cast %get3A_1316 : vector<1x16xf32> to vector<16xf32>
      %get3A_1318 = arith.index_cast %add3A_1305 : i32 to index
      %get3A_1319 = arith.constant 48 : index
      %get3A_1320 = tpu.vector_load %arg11[%get3A_1318, %get3A_1319] {strides = array<i32>} : memref<512x64xf32, #tpu.memory_space<vmem>>, vector<1x16xf32>,
      %get3A_1321 = vector.shape_cast %get3A_1320 : vector<1x16xf32> to vector<16xf32>
      %get3A_1322 = arith.index_cast %add3A_1305 : i32 to index
      %get3A_1323 = arith.constant 0 : index
      %get3A_1324 = tpu.vector_load %arg12[%get3A_1322, %get3A_1323] {strides = array<i32>} : memref<512x64xf32, #tpu.memory_space<vmem>>, vector<1x16xf32>,
      %get3A_1325 = vector.shape_cast %get3A_1324 : vector<1x16xf32> to vector<16xf32>
      %get3A_1326 = arith.index_cast %add3A_1305 : i32 to index
      %get3A_1327 = arith.constant 16 : index
      %get3A_1328 = tpu.vector_load %arg12[%get3A_1326, %get3A_1327] {strides = array<i32>} : memref<512x64xf32, #tpu.memory_space<vmem>>, vector<1x16xf32>,
      %get3A_1329 = vector.shape_cast %get3A_1328 : vector<1x16xf32> to vector<16xf32>
      %get3A_1330 = arith.index_cast %add3A_1305 : i32 to index
      %get3A_1331 = arith.constant 32 : index
      %get3A_1332 = tpu.vector_load %arg12[%get3A_1330, %get3A_1331] {strides = array<i32>} : memref<512x64xf32, #tpu.memory_space<vmem>>, vector<1x16xf32>,
      %get3A_1333 = vector.shape_cast %get3A_1332 : vector<1x16xf32> to vector<16xf32>
      %get3A_1334 = arith.index_cast %add3A_1305 : i32 to index
      %get3A_1335 = arith.constant 48 : index
      %get3A_1336 = tpu.vector_load %arg12[%get3A_1334, %get3A_1335] {strides = array<i32>} : memref<512x64xf32, #tpu.memory_space<vmem>>, vector<1x16xf32>,
      %get3A_1337 = vector.shape_cast %get3A_1336 : vector<1x16xf32> to vector<16xf32>
      %get3A_1338 = arith.index_cast %add3A_1305 : i32 to index
      %get3A_1339 = arith.constant 0 : index
      %get3A_1340 = tpu.vector_load %arg13[%get3A_1338, %get3A_1339] {strides = array<i32>} : memref<512x64xf32, #tpu.memory_space<vmem>>, vector<1x16xf32>,
      %get3A_1341 = vector.shape_cast %get3A_1340 : vector<1x16xf32> to vector<16xf32>
      %get3A_1342 = arith.index_cast %add3A_1305 : i32 to index
      %get3A_1343 = arith.constant 16 : index
      %get3A_1344 = tpu.vector_load %arg13[%get3A_1342, %get3A_1343] {strides = array<i32>} : memref<512x64xf32, #tpu.memory_space<vmem>>, vector<1x16xf32>,
      %get3A_1345 = vector.shape_cast %get3A_1344 : vector<1x16xf32> to vector<16xf32>
      %get3A_1346 = arith.index_cast %add3A_1305 : i32 to index
      %get3A_1347 = arith.constant 32 : index
      %get3A_1348 = tpu.vector_load %arg13[%get3A_1346, %get3A_1347] {strides = array<i32>} : memref<512x64xf32, #tpu.memory_space<vmem>>, vector<1x16xf32>,
      %get3A_1349 = vector.shape_cast %get3A_1348 : vector<1x16xf32> to vector<16xf32>
      %get3A_1350 = arith.index_cast %add3A_1305 : i32 to index
      %get3A_1351 = arith.constant 48 : index
      %get3A_1352 = tpu.vector_load %arg13[%get3A_1350, %get3A_1351] {strides = array<i32>} : memref<512x64xf32, #tpu.memory_space<vmem>>, vector<1x16xf32>,
      %get3A_1353 = vector.shape_cast %get3A_1352 : vector<1x16xf32> to vector<16xf32>
      %mul3A_1354 = arith.mulf %get3A_1309, %get3A_1325 : vector<16xf32>
      %mul3A_1355 = arith.mulf %get3A_1317, %get3A_1333 : vector<16xf32>
      %sub3A_1356 = arith.subf %mul3A_1354, %mul3A_1355 : vector<16xf32>
      %mul3A_1357 = arith.mulf %get3A_1313, %get3A_1329 : vector<16xf32>
      %mul3A_1358 = arith.mulf %get3A_1321, %get3A_1337 : vector<16xf32>
      %sub3A_1359 = arith.subf %mul3A_1357, %mul3A_1358 : vector<16xf32>
      %mul3A_1360 = arith.mulf %get3A_1309, %get3A_1333 : vector<16xf32>
      %mul3A_1361 = arith.mulf %get3A_1317, %get3A_1325 : vector<16xf32>
      %add3A_1362 = arith.addf %mul3A_1360, %mul3A_1361 : vector<16xf32>
      %mul3A_1363 = arith.mulf %get3A_1313, %get3A_1337 : vector<16xf32>
      %mul3A_1364 = arith.mulf %get3A_1321, %get3A_1329 : vector<16xf32>
      %add3A_1365 = arith.addf %mul3A_1363, %mul3A_1364 : vector<16xf32>
      %mul3A_1366 = arith.mulf %sub3A_1356, %get3A_1341 : vector<16xf32>
      %mul3A_1367 = arith.mulf %sub3A_1359, %get3A_1345 : vector<16xf32>
      %add3A_1368 = arith.addf %mul3A_1366, %mul3A_1367 : vector<16xf32>
      %mul3A_1369 = arith.mulf %add3A_1362, %get3A_1349 : vector<16xf32>
      %add3A_1370 = arith.addf %add3A_1368, %mul3A_1369 : vector<16xf32>
      %mul3A_1371 = arith.mulf %add3A_1365, %get3A_1353 : vector<16xf32>
      %add3A_1372 = arith.addf %add3A_1370, %mul3A_1371 : vector<16xf32>
      %swap3A_1373 = arith.constant 9 : i32
      %swap3A_1374 = arith.index_cast %swap3A_1373 : i32 to index
      %swap3A_1375 = arith.constant 16 : index
      %swap3A_1376 = tpu.vector_load %arg15[%swap3A_1374, %swap3A_1375] {strides = array<i32>} : memref<16x48xf32, #tpu.memory_space<vmem>>, vector<1x16xf32>,
      %swap3A_1377 = vector.shape_cast %swap3A_1376 : vector<1x16xf32> to vector<16xf32>
      %swap3A_1378 = vector.shape_cast %add3A_1372 : vector<16xf32> to vector<1x16xf32>
      tpu.vector_store %arg15[%swap3A_1374, %swap3A_1375], %swap3A_1378 {strides = array<i32>} : memref<16x48xf32, #tpu.memory_space<vmem>>, vector<1x16xf32>,
      %get3A_1379 = arith.constant 9 : i32
      %get3A_1380 = arith.index_cast %get3A_1379 : i32 to index
      %get3A_1381 = arith.constant 8 : index
      %get3A_1382 = tpu.vector_load %arg15[%get3A_1380, %get3A_1381] {strides = array<i32>} : memref<16x48xf32, #tpu.memory_space<vmem>>, vector<1x16xf32>,
      %get3A_1383 = vector.shape_cast %get3A_1382 : vector<1x16xf32> to vector<16xf32>
      %add3A_1384 = arith.addf %add3A_1372, %get3A_1383 : vector<16xf32>
      %swap3A_1385 = arith.constant 9 : i32
      %swap3A_1386 = arith.index_cast %swap3A_1385 : i32 to index
      %swap3A_1387 = arith.constant 16 : index
      %swap3A_1388 = tpu.vector_load %arg15[%swap3A_1386, %swap3A_1387] {strides = array<i32>} : memref<16x48xf32, #tpu.memory_space<vmem>>, vector<1x16xf32>,
      %swap3A_1389 = vector.shape_cast %swap3A_1388 : vector<1x16xf32> to vector<16xf32>
      %swap3A_1390 = vector.shape_cast %add3A_1384 : vector<16xf32> to vector<1x16xf32>
      tpu.vector_store %arg15[%swap3A_1386, %swap3A_1387], %swap3A_1390 {strides = array<i32>} : memref<16x48xf32, #tpu.memory_space<vmem>>, vector<1x16xf32>,
      %get3A_1391 = arith.constant 9 : i32
      %get3A_1392 = arith.index_cast %get3A_1391 : i32 to index
      %get3A_1393 = arith.constant 20 : index
      %get3A_1394 = tpu.vector_load %arg15[%get3A_1392, %get3A_1393] {strides = array<i32>} : memref<16x48xf32, #tpu.memory_space<vmem>>, vector<1x16xf32>,
      %get3A_1395 = vector.shape_cast %get3A_1394 : vector<1x16xf32> to vector<16xf32>
      %add3A_1396 = arith.addf %add3A_1384, %get3A_1395 : vector<16xf32>
      %swap3A_1397 = arith.constant 9 : i32
      %swap3A_1398 = arith.index_cast %swap3A_1397 : i32 to index
      %swap3A_1399 = arith.constant 16 : index
      %swap3A_1400 = tpu.vector_load %arg15[%swap3A_1398, %swap3A_1399] {strides = array<i32>} : memref<16x48xf32, #tpu.memory_space<vmem>>, vector<1x16xf32>,
      %swap3A_1401 = vector.shape_cast %swap3A_1400 : vector<1x16xf32> to vector<16xf32>
      %swap3A_1402 = vector.shape_cast %add3A_1396 : vector<16xf32> to vector<1x16xf32>
      tpu.vector_store %arg15[%swap3A_1398, %swap3A_1399], %swap3A_1402 {strides = array<i32>} : memref<16x48xf32, #tpu.memory_space<vmem>>, vector<1x16xf32>,
      %get3A_1403 = arith.constant 9 : i32
      %get3A_1404 = arith.index_cast %get3A_1403 : i32 to index
      %get3A_1405 = arith.constant 18 : index
      %get3A_1406 = tpu.vector_load %arg15[%get3A_1404, %get3A_1405] {strides = array<i32>} : memref<16x48xf32, #tpu.memory_space<vmem>>, vector<1x16xf32>,
      %get3A_1407 = vector.shape_cast %get3A_1406 : vector<1x16xf32> to vector<16xf32>
      %add3A_1408 = arith.addf %add3A_1396, %get3A_1407 : vector<16xf32>
      %swap3A_1409 = arith.constant 9 : i32
      %swap3A_1410 = arith.index_cast %swap3A_1409 : i32 to index
      %swap3A_1411 = arith.constant 16 : index
      %swap3A_1412 = tpu.vector_load %arg15[%swap3A_1410, %swap3A_1411] {strides = array<i32>} : memref<16x48xf32, #tpu.memory_space<vmem>>, vector<1x16xf32>,
      %swap3A_1413 = vector.shape_cast %swap3A_1412 : vector<1x16xf32> to vector<16xf32>
      %swap3A_1414 = vector.shape_cast %add3A_1408 : vector<16xf32> to vector<1x16xf32>
      tpu.vector_store %arg15[%swap3A_1410, %swap3A_1411], %swap3A_1414 {strides = array<i32>} : memref<16x48xf32, #tpu.memory_space<vmem>>, vector<1x16xf32>,
      %get3A_1415 = arith.constant 9 : i32
      %get3A_1416 = arith.index_cast %get3A_1415 : i32 to index
      %get3A_1417 = arith.constant 15 : index
      %get3A_1418 = tpu.vector_load %arg15[%get3A_1416, %get3A_1417] {strides = array<i32>} : memref<16x48xf32, #tpu.memory_space<vmem>>, vector<1x16xf32>,
      %get3A_1419 = vector.shape_cast %get3A_1418 : vector<1x16xf32> to vector<16xf32>
      %add3A_1420 = arith.addf %add3A_1408, %get3A_1419 : vector<16xf32>
      %eq3A_1421 = arith.constant 9 : i32
      %eq3A_1422 = vector.broadcast %eq3A_1421 : i32 to vector<16xi32>
      %eq3A_1423 = arith.cmpi eq, %iota3A, %eq3A_1422 : vector<16xi32>
      %select_n3A_1424 = arith.select %eq3A_1423, %add3A_1420, %select_n3A_1301 : vector<16xi1>, vector<16xf32>
      %mul3A_1425 = arith.constant 16 : i32
      %mul3A_1426 = arith.muli %scan3A_198, %mul3A_1425 : i32
      %add3A_1427 = arith.constant 10 : i32
      %add3A_1428 = arith.addi %mul3A_1426, %add3A_1427 : i32
      %get3A_1429 = arith.index_cast %add3A_1428 : i32 to index
      %get3A_1430 = arith.constant 0 : index
      %get3A_1431 = tpu.vector_load %arg11[%get3A_1429, %get3A_1430] {strides = array<i32>} : memref<512x64xf32, #tpu.memory_space<vmem>>, vector<1x16xf32>,
      %get3A_1432 = vector.shape_cast %get3A_1431 : vector<1x16xf32> to vector<16xf32>
      %get3A_1433 = arith.index_cast %add3A_1428 : i32 to index
      %get3A_1434 = arith.constant 16 : index
      %get3A_1435 = tpu.vector_load %arg11[%get3A_1433, %get3A_1434] {strides = array<i32>} : memref<512x64xf32, #tpu.memory_space<vmem>>, vector<1x16xf32>,
      %get3A_1436 = vector.shape_cast %get3A_1435 : vector<1x16xf32> to vector<16xf32>
      %get3A_1437 = arith.index_cast %add3A_1428 : i32 to index
      %get3A_1438 = arith.constant 32 : index
      %get3A_1439 = tpu.vector_load %arg11[%get3A_1437, %get3A_1438] {strides = array<i32>} : memref<512x64xf32, #tpu.memory_space<vmem>>, vector<1x16xf32>,
      %get3A_1440 = vector.shape_cast %get3A_1439 : vector<1x16xf32> to vector<16xf32>
      %get3A_1441 = arith.index_cast %add3A_1428 : i32 to index
      %get3A_1442 = arith.constant 48 : index
      %get3A_1443 = tpu.vector_load %arg11[%get3A_1441, %get3A_1442] {strides = array<i32>} : memref<512x64xf32, #tpu.memory_space<vmem>>, vector<1x16xf32>,
      %get3A_1444 = vector.shape_cast %get3A_1443 : vector<1x16xf32> to vector<16xf32>
      %get3A_1445 = arith.index_cast %add3A_1428 : i32 to index
      %get3A_1446 = arith.constant 0 : index
      %get3A_1447 = tpu.vector_load %arg12[%get3A_1445, %get3A_1446] {strides = array<i32>} : memref<512x64xf32, #tpu.memory_space<vmem>>, vector<1x16xf32>,
      %get3A_1448 = vector.shape_cast %get3A_1447 : vector<1x16xf32> to vector<16xf32>
      %get3A_1449 = arith.index_cast %add3A_1428 : i32 to index
      %get3A_1450 = arith.constant 16 : index
      %get3A_1451 = tpu.vector_load %arg12[%get3A_1449, %get3A_1450] {strides = array<i32>} : memref<512x64xf32, #tpu.memory_space<vmem>>, vector<1x16xf32>,
      %get3A_1452 = vector.shape_cast %get3A_1451 : vector<1x16xf32> to vector<16xf32>
      %get3A_1453 = arith.index_cast %add3A_1428 : i32 to index
      %get3A_1454 = arith.constant 32 : index
      %get3A_1455 = tpu.vector_load %arg12[%get3A_1453, %get3A_1454] {strides = array<i32>} : memref<512x64xf32, #tpu.memory_space<vmem>>, vector<1x16xf32>,
      %get3A_1456 = vector.shape_cast %get3A_1455 : vector<1x16xf32> to vector<16xf32>
      %get3A_1457 = arith.index_cast %add3A_1428 : i32 to index
      %get3A_1458 = arith.constant 48 : index
      %get3A_1459 = tpu.vector_load %arg12[%get3A_1457, %get3A_1458] {strides = array<i32>} : memref<512x64xf32, #tpu.memory_space<vmem>>, vector<1x16xf32>,
      %get3A_1460 = vector.shape_cast %get3A_1459 : vector<1x16xf32> to vector<16xf32>
      %get3A_1461 = arith.index_cast %add3A_1428 : i32 to index
      %get3A_1462 = arith.constant 0 : index
      %get3A_1463 = tpu.vector_load %arg13[%get3A_1461, %get3A_1462] {strides = array<i32>} : memref<512x64xf32, #tpu.memory_space<vmem>>, vector<1x16xf32>,
      %get3A_1464 = vector.shape_cast %get3A_1463 : vector<1x16xf32> to vector<16xf32>
      %get3A_1465 = arith.index_cast %add3A_1428 : i32 to index
      %get3A_1466 = arith.constant 16 : index
      %get3A_1467 = tpu.vector_load %arg13[%get3A_1465, %get3A_1466] {strides = array<i32>} : memref<512x64xf32, #tpu.memory_space<vmem>>, vector<1x16xf32>,
      %get3A_1468 = vector.shape_cast %get3A_1467 : vector<1x16xf32> to vector<16xf32>
      %get3A_1469 = arith.index_cast %add3A_1428 : i32 to index
      %get3A_1470 = arith.constant 32 : index
      %get3A_1471 = tpu.vector_load %arg13[%get3A_1469, %get3A_1470] {strides = array<i32>} : memref<512x64xf32, #tpu.memory_space<vmem>>, vector<1x16xf32>,
      %get3A_1472 = vector.shape_cast %get3A_1471 : vector<1x16xf32> to vector<16xf32>
      %get3A_1473 = arith.index_cast %add3A_1428 : i32 to index
      %get3A_1474 = arith.constant 48 : index
      %get3A_1475 = tpu.vector_load %arg13[%get3A_1473, %get3A_1474] {strides = array<i32>} : memref<512x64xf32, #tpu.memory_space<vmem>>, vector<1x16xf32>,
      %get3A_1476 = vector.shape_cast %get3A_1475 : vector<1x16xf32> to vector<16xf32>
      %mul3A_1477 = arith.mulf %get3A_1432, %get3A_1448 : vector<16xf32>
      %mul3A_1478 = arith.mulf %get3A_1440, %get3A_1456 : vector<16xf32>
      %sub3A_1479 = arith.subf %mul3A_1477, %mul3A_1478 : vector<16xf32>
      %mul3A_1480 = arith.mulf %get3A_1436, %get3A_1452 : vector<16xf32>
      %mul3A_1481 = arith.mulf %get3A_1444, %get3A_1460 : vector<16xf32>
      %sub3A_1482 = arith.subf %mul3A_1480, %mul3A_1481 : vector<16xf32>
      %mul3A_1483 = arith.mulf %get3A_1432, %get3A_1456 : vector<16xf32>
      %mul3A_1484 = arith.mulf %get3A_1440, %get3A_1448 : vector<16xf32>
      %add3A_1485 = arith.addf %mul3A_1483, %mul3A_1484 : vector<16xf32>
      %mul3A_1486 = arith.mulf %get3A_1436, %get3A_1460 : vector<16xf32>
      %mul3A_1487 = arith.mulf %get3A_1444, %get3A_1452 : vector<16xf32>
      %add3A_1488 = arith.addf %mul3A_1486, %mul3A_1487 : vector<16xf32>
      %mul3A_1489 = arith.mulf %sub3A_1479, %get3A_1464 : vector<16xf32>
      %mul3A_1490 = arith.mulf %sub3A_1482, %get3A_1468 : vector<16xf32>
      %add3A_1491 = arith.addf %mul3A_1489, %mul3A_1490 : vector<16xf32>
      %mul3A_1492 = arith.mulf %add3A_1485, %get3A_1472 : vector<16xf32>
      %add3A_1493 = arith.addf %add3A_1491, %mul3A_1492 : vector<16xf32>
      %mul3A_1494 = arith.mulf %add3A_1488, %get3A_1476 : vector<16xf32>
      %add3A_1495 = arith.addf %add3A_1493, %mul3A_1494 : vector<16xf32>
      %swap3A_1496 = arith.constant 10 : i32
      %swap3A_1497 = arith.index_cast %swap3A_1496 : i32 to index
      %swap3A_1498 = arith.constant 16 : index
      %swap3A_1499 = tpu.vector_load %arg15[%swap3A_1497, %swap3A_1498] {strides = array<i32>} : memref<16x48xf32, #tpu.memory_space<vmem>>, vector<1x16xf32>,
      %swap3A_1500 = vector.shape_cast %swap3A_1499 : vector<1x16xf32> to vector<16xf32>
      %swap3A_1501 = vector.shape_cast %add3A_1495 : vector<16xf32> to vector<1x16xf32>
      tpu.vector_store %arg15[%swap3A_1497, %swap3A_1498], %swap3A_1501 {strides = array<i32>} : memref<16x48xf32, #tpu.memory_space<vmem>>, vector<1x16xf32>,
      %get3A_1502 = arith.constant 10 : i32
      %get3A_1503 = arith.index_cast %get3A_1502 : i32 to index
      %get3A_1504 = arith.constant 8 : index
      %get3A_1505 = tpu.vector_load %arg15[%get3A_1503, %get3A_1504] {strides = array<i32>} : memref<16x48xf32, #tpu.memory_space<vmem>>, vector<1x16xf32>,
      %get3A_1506 = vector.shape_cast %get3A_1505 : vector<1x16xf32> to vector<16xf32>
      %add3A_1507 = arith.addf %add3A_1495, %get3A_1506 : vector<16xf32>
      %swap3A_1508 = arith.constant 10 : i32
      %swap3A_1509 = arith.index_cast %swap3A_1508 : i32 to index
      %swap3A_1510 = arith.constant 16 : index
      %swap3A_1511 = tpu.vector_load %arg15[%swap3A_1509, %swap3A_1510] {strides = array<i32>} : memref<16x48xf32, #tpu.memory_space<vmem>>, vector<1x16xf32>,
      %swap3A_1512 = vector.shape_cast %swap3A_1511 : vector<1x16xf32> to vector<16xf32>
      %swap3A_1513 = vector.shape_cast %add3A_1507 : vector<16xf32> to vector<1x16xf32>
      tpu.vector_store %arg15[%swap3A_1509, %swap3A_1510], %swap3A_1513 {strides = array<i32>} : memref<16x48xf32, #tpu.memory_space<vmem>>, vector<1x16xf32>,
      %get3A_1514 = arith.constant 10 : i32
      %get3A_1515 = arith.index_cast %get3A_1514 : i32 to index
      %get3A_1516 = arith.constant 20 : index
      %get3A_1517 = tpu.vector_load %arg15[%get3A_1515, %get3A_1516] {strides = array<i32>} : memref<16x48xf32, #tpu.memory_space<vmem>>, vector<1x16xf32>,
      %get3A_1518 = vector.shape_cast %get3A_1517 : vector<1x16xf32> to vector<16xf32>
      %add3A_1519 = arith.addf %add3A_1507, %get3A_1518 : vector<16xf32>
      %swap3A_1520 = arith.constant 10 : i32
      %swap3A_1521 = arith.index_cast %swap3A_1520 : i32 to index
      %swap3A_1522 = arith.constant 16 : index
      %swap3A_1523 = tpu.vector_load %arg15[%swap3A_1521, %swap3A_1522] {strides = array<i32>} : memref<16x48xf32, #tpu.memory_space<vmem>>, vector<1x16xf32>,
      %swap3A_1524 = vector.shape_cast %swap3A_1523 : vector<1x16xf32> to vector<16xf32>
      %swap3A_1525 = vector.shape_cast %add3A_1519 : vector<16xf32> to vector<1x16xf32>
      tpu.vector_store %arg15[%swap3A_1521, %swap3A_1522], %swap3A_1525 {strides = array<i32>} : memref<16x48xf32, #tpu.memory_space<vmem>>, vector<1x16xf32>,
      %get3A_1526 = arith.constant 10 : i32
      %get3A_1527 = arith.index_cast %get3A_1526 : i32 to index
      %get3A_1528 = arith.constant 14 : index
      %get3A_1529 = tpu.vector_load %arg15[%get3A_1527, %get3A_1528] {strides = array<i32>} : memref<16x48xf32, #tpu.memory_space<vmem>>, vector<1x16xf32>,
      %get3A_1530 = vector.shape_cast %get3A_1529 : vector<1x16xf32> to vector<16xf32>
      %add3A_1531 = arith.addf %add3A_1519, %get3A_1530 : vector<16xf32>
      %swap3A_1532 = arith.constant 10 : i32
      %swap3A_1533 = arith.index_cast %swap3A_1532 : i32 to index
      %swap3A_1534 = arith.constant 16 : index
      %swap3A_1535 = tpu.vector_load %arg15[%swap3A_1533, %swap3A_1534] {strides = array<i32>} : memref<16x48xf32, #tpu.memory_space<vmem>>, vector<1x16xf32>,
      %swap3A_1536 = vector.shape_cast %swap3A_1535 : vector<1x16xf32> to vector<16xf32>
      %swap3A_1537 = vector.shape_cast %add3A_1531 : vector<16xf32> to vector<1x16xf32>
      tpu.vector_store %arg15[%swap3A_1533, %swap3A_1534], %swap3A_1537 {strides = array<i32>} : memref<16x48xf32, #tpu.memory_space<vmem>>, vector<1x16xf32>,
      %get3A_1538 = arith.constant 10 : i32
      %get3A_1539 = arith.index_cast %get3A_1538 : i32 to index
      %get3A_1540 = arith.constant 17 : index
      %get3A_1541 = tpu.vector_load %arg15[%get3A_1539, %get3A_1540] {strides = array<i32>} : memref<16x48xf32, #tpu.memory_space<vmem>>, vector<1x16xf32>,
      %get3A_1542 = vector.shape_cast %get3A_1541 : vector<1x16xf32> to vector<16xf32>
      %add3A_1543 = arith.addf %add3A_1531, %get3A_1542 : vector<16xf32>
      %eq3A_1544 = arith.constant 10 : i32
      %eq3A_1545 = vector.broadcast %eq3A_1544 : i32 to vector<16xi32>
      %eq3A_1546 = arith.cmpi eq, %iota3A, %eq3A_1545 : vector<16xi32>
      %select_n3A_1547 = arith.select %eq3A_1546, %add3A_1543, %select_n3A_1424 : vector<16xi1>, vector<16xf32>
      %mul3A_1548 = arith.constant 16 : i32
      %mul3A_1549 = arith.muli %scan3A_198, %mul3A_1548 : i32
      %add3A_1550 = arith.constant 11 : i32
      %add3A_1551 = arith.addi %mul3A_1549, %add3A_1550 : i32
      %get3A_1552 = arith.index_cast %add3A_1551 : i32 to index
      %get3A_1553 = arith.constant 0 : index
      %get3A_1554 = tpu.vector_load %arg11[%get3A_1552, %get3A_1553] {strides = array<i32>} : memref<512x64xf32, #tpu.memory_space<vmem>>, vector<1x16xf32>,
      %get3A_1555 = vector.shape_cast %get3A_1554 : vector<1x16xf32> to vector<16xf32>
      %get3A_1556 = arith.index_cast %add3A_1551 : i32 to index
      %get3A_1557 = arith.constant 16 : index
      %get3A_1558 = tpu.vector_load %arg11[%get3A_1556, %get3A_1557] {strides = array<i32>} : memref<512x64xf32, #tpu.memory_space<vmem>>, vector<1x16xf32>,
      %get3A_1559 = vector.shape_cast %get3A_1558 : vector<1x16xf32> to vector<16xf32>
      %get3A_1560 = arith.index_cast %add3A_1551 : i32 to index
      %get3A_1561 = arith.constant 32 : index
      %get3A_1562 = tpu.vector_load %arg11[%get3A_1560, %get3A_1561] {strides = array<i32>} : memref<512x64xf32, #tpu.memory_space<vmem>>, vector<1x16xf32>,
      %get3A_1563 = vector.shape_cast %get3A_1562 : vector<1x16xf32> to vector<16xf32>
      %get3A_1564 = arith.index_cast %add3A_1551 : i32 to index
      %get3A_1565 = arith.constant 48 : index
      %get3A_1566 = tpu.vector_load %arg11[%get3A_1564, %get3A_1565] {strides = array<i32>} : memref<512x64xf32, #tpu.memory_space<vmem>>, vector<1x16xf32>,
      %get3A_1567 = vector.shape_cast %get3A_1566 : vector<1x16xf32> to vector<16xf32>
      %get3A_1568 = arith.index_cast %add3A_1551 : i32 to index
      %get3A_1569 = arith.constant 0 : index
      %get3A_1570 = tpu.vector_load %arg12[%get3A_1568, %get3A_1569] {strides = array<i32>} : memref<512x64xf32, #tpu.memory_space<vmem>>, vector<1x16xf32>,
      %get3A_1571 = vector.shape_cast %get3A_1570 : vector<1x16xf32> to vector<16xf32>
      %get3A_1572 = arith.index_cast %add3A_1551 : i32 to index
      %get3A_1573 = arith.constant 16 : index
      %get3A_1574 = tpu.vector_load %arg12[%get3A_1572, %get3A_1573] {strides = array<i32>} : memref<512x64xf32, #tpu.memory_space<vmem>>, vector<1x16xf32>,
      %get3A_1575 = vector.shape_cast %get3A_1574 : vector<1x16xf32> to vector<16xf32>
      %get3A_1576 = arith.index_cast %add3A_1551 : i32 to index
      %get3A_1577 = arith.constant 32 : index
      %get3A_1578 = tpu.vector_load %arg12[%get3A_1576, %get3A_1577] {strides = array<i32>} : memref<512x64xf32, #tpu.memory_space<vmem>>, vector<1x16xf32>,
      %get3A_1579 = vector.shape_cast %get3A_1578 : vector<1x16xf32> to vector<16xf32>
      %get3A_1580 = arith.index_cast %add3A_1551 : i32 to index
      %get3A_1581 = arith.constant 48 : index
      %get3A_1582 = tpu.vector_load %arg12[%get3A_1580, %get3A_1581] {strides = array<i32>} : memref<512x64xf32, #tpu.memory_space<vmem>>, vector<1x16xf32>,
      %get3A_1583 = vector.shape_cast %get3A_1582 : vector<1x16xf32> to vector<16xf32>
      %get3A_1584 = arith.index_cast %add3A_1551 : i32 to index
      %get3A_1585 = arith.constant 0 : index
      %get3A_1586 = tpu.vector_load %arg13[%get3A_1584, %get3A_1585] {strides = array<i32>} : memref<512x64xf32, #tpu.memory_space<vmem>>, vector<1x16xf32>,
      %get3A_1587 = vector.shape_cast %get3A_1586 : vector<1x16xf32> to vector<16xf32>
      %get3A_1588 = arith.index_cast %add3A_1551 : i32 to index
      %get3A_1589 = arith.constant 16 : index
      %get3A_1590 = tpu.vector_load %arg13[%get3A_1588, %get3A_1589] {strides = array<i32>} : memref<512x64xf32, #tpu.memory_space<vmem>>, vector<1x16xf32>,
      %get3A_1591 = vector.shape_cast %get3A_1590 : vector<1x16xf32> to vector<16xf32>
      %get3A_1592 = arith.index_cast %add3A_1551 : i32 to index
      %get3A_1593 = arith.constant 32 : index
      %get3A_1594 = tpu.vector_load %arg13[%get3A_1592, %get3A_1593] {strides = array<i32>} : memref<512x64xf32, #tpu.memory_space<vmem>>, vector<1x16xf32>,
      %get3A_1595 = vector.shape_cast %get3A_1594 : vector<1x16xf32> to vector<16xf32>
      %get3A_1596 = arith.index_cast %add3A_1551 : i32 to index
      %get3A_1597 = arith.constant 48 : index
      %get3A_1598 = tpu.vector_load %arg13[%get3A_1596, %get3A_1597] {strides = array<i32>} : memref<512x64xf32, #tpu.memory_space<vmem>>, vector<1x16xf32>,
      %get3A_1599 = vector.shape_cast %get3A_1598 : vector<1x16xf32> to vector<16xf32>
      %mul3A_1600 = arith.mulf %get3A_1555, %get3A_1571 : vector<16xf32>
      %mul3A_1601 = arith.mulf %get3A_1563, %get3A_1579 : vector<16xf32>
      %sub3A_1602 = arith.subf %mul3A_1600, %mul3A_1601 : vector<16xf32>
      %mul3A_1603 = arith.mulf %get3A_1559, %get3A_1575 : vector<16xf32>
      %mul3A_1604 = arith.mulf %get3A_1567, %get3A_1583 : vector<16xf32>
      %sub3A_1605 = arith.subf %mul3A_1603, %mul3A_1604 : vector<16xf32>
      %mul3A_1606 = arith.mulf %get3A_1555, %get3A_1579 : vector<16xf32>
      %mul3A_1607 = arith.mulf %get3A_1563, %get3A_1571 : vector<16xf32>
      %add3A_1608 = arith.addf %mul3A_1606, %mul3A_1607 : vector<16xf32>
      %mul3A_1609 = arith.mulf %get3A_1559, %get3A_1583 : vector<16xf32>
      %mul3A_1610 = arith.mulf %get3A_1567, %get3A_1575 : vector<16xf32>
      %add3A_1611 = arith.addf %mul3A_1609, %mul3A_1610 : vector<16xf32>
      %mul3A_1612 = arith.mulf %sub3A_1602, %get3A_1587 : vector<16xf32>
      %mul3A_1613 = arith.mulf %sub3A_1605, %get3A_1591 : vector<16xf32>
      %add3A_1614 = arith.addf %mul3A_1612, %mul3A_1613 : vector<16xf32>
      %mul3A_1615 = arith.mulf %add3A_1608, %get3A_1595 : vector<16xf32>
      %add3A_1616 = arith.addf %add3A_1614, %mul3A_1615 : vector<16xf32>
      %mul3A_1617 = arith.mulf %add3A_1611, %get3A_1599 : vector<16xf32>
      %add3A_1618 = arith.addf %add3A_1616, %mul3A_1617 : vector<16xf32>
      %swap3A_1619 = arith.constant 11 : i32
      %swap3A_1620 = arith.index_cast %swap3A_1619 : i32 to index
      %swap3A_1621 = arith.constant 16 : index
      %swap3A_1622 = tpu.vector_load %arg15[%swap3A_1620, %swap3A_1621] {strides = array<i32>} : memref<16x48xf32, #tpu.memory_space<vmem>>, vector<1x16xf32>,
      %swap3A_1623 = vector.shape_cast %swap3A_1622 : vector<1x16xf32> to vector<16xf32>
      %swap3A_1624 = vector.shape_cast %add3A_1618 : vector<16xf32> to vector<1x16xf32>
      tpu.vector_store %arg15[%swap3A_1620, %swap3A_1621], %swap3A_1624 {strides = array<i32>} : memref<16x48xf32, #tpu.memory_space<vmem>>, vector<1x16xf32>,
      %get3A_1625 = arith.constant 11 : i32
      %get3A_1626 = arith.index_cast %get3A_1625 : i32 to index
      %get3A_1627 = arith.constant 8 : index
      %get3A_1628 = tpu.vector_load %arg15[%get3A_1626, %get3A_1627] {strides = array<i32>} : memref<16x48xf32, #tpu.memory_space<vmem>>, vector<1x16xf32>,
      %get3A_1629 = vector.shape_cast %get3A_1628 : vector<1x16xf32> to vector<16xf32>
      %add3A_1630 = arith.addf %add3A_1618, %get3A_1629 : vector<16xf32>
      %swap3A_1631 = arith.constant 11 : i32
      %swap3A_1632 = arith.index_cast %swap3A_1631 : i32 to index
      %swap3A_1633 = arith.constant 16 : index
      %swap3A_1634 = tpu.vector_load %arg15[%swap3A_1632, %swap3A_1633] {strides = array<i32>} : memref<16x48xf32, #tpu.memory_space<vmem>>, vector<1x16xf32>,
      %swap3A_1635 = vector.shape_cast %swap3A_1634 : vector<1x16xf32> to vector<16xf32>
      %swap3A_1636 = vector.shape_cast %add3A_1630 : vector<16xf32> to vector<1x16xf32>
      tpu.vector_store %arg15[%swap3A_1632, %swap3A_1633], %swap3A_1636 {strides = array<i32>} : memref<16x48xf32, #tpu.memory_space<vmem>>, vector<1x16xf32>,
      %get3A_1637 = arith.constant 11 : i32
      %get3A_1638 = arith.index_cast %get3A_1637 : i32 to index
      %get3A_1639 = arith.constant 20 : index
      %get3A_1640 = tpu.vector_load %arg15[%get3A_1638, %get3A_1639] {strides = array<i32>} : memref<16x48xf32, #tpu.memory_space<vmem>>, vector<1x16xf32>,
      %get3A_1641 = vector.shape_cast %get3A_1640 : vector<1x16xf32> to vector<16xf32>
      %add3A_1642 = arith.addf %add3A_1630, %get3A_1641 : vector<16xf32>
      %swap3A_1643 = arith.constant 11 : i32
      %swap3A_1644 = arith.index_cast %swap3A_1643 : i32 to index
      %swap3A_1645 = arith.constant 16 : index
      %swap3A_1646 = tpu.vector_load %arg15[%swap3A_1644, %swap3A_1645] {strides = array<i32>} : memref<16x48xf32, #tpu.memory_space<vmem>>, vector<1x16xf32>,
      %swap3A_1647 = vector.shape_cast %swap3A_1646 : vector<1x16xf32> to vector<16xf32>
      %swap3A_1648 = vector.shape_cast %add3A_1642 : vector<16xf32> to vector<1x16xf32>
      tpu.vector_store %arg15[%swap3A_1644, %swap3A_1645], %swap3A_1648 {strides = array<i32>} : memref<16x48xf32, #tpu.memory_space<vmem>>, vector<1x16xf32>,
      %get3A_1649 = arith.constant 11 : i32
      %get3A_1650 = arith.index_cast %get3A_1649 : i32 to index
      %get3A_1651 = arith.constant 14 : index
      %get3A_1652 = tpu.vector_load %arg15[%get3A_1650, %get3A_1651] {strides = array<i32>} : memref<16x48xf32, #tpu.memory_space<vmem>>, vector<1x16xf32>,
      %get3A_1653 = vector.shape_cast %get3A_1652 : vector<1x16xf32> to vector<16xf32>
      %add3A_1654 = arith.addf %add3A_1642, %get3A_1653 : vector<16xf32>
      %swap3A_1655 = arith.constant 11 : i32
      %swap3A_1656 = arith.index_cast %swap3A_1655 : i32 to index
      %swap3A_1657 = arith.constant 16 : index
      %swap3A_1658 = tpu.vector_load %arg15[%swap3A_1656, %swap3A_1657] {strides = array<i32>} : memref<16x48xf32, #tpu.memory_space<vmem>>, vector<1x16xf32>,
      %swap3A_1659 = vector.shape_cast %swap3A_1658 : vector<1x16xf32> to vector<16xf32>
      %swap3A_1660 = vector.shape_cast %add3A_1654 : vector<16xf32> to vector<1x16xf32>
      tpu.vector_store %arg15[%swap3A_1656, %swap3A_1657], %swap3A_1660 {strides = array<i32>} : memref<16x48xf32, #tpu.memory_space<vmem>>, vector<1x16xf32>,
      %get3A_1661 = arith.constant 11 : i32
      %get3A_1662 = arith.index_cast %get3A_1661 : i32 to index
      %get3A_1663 = arith.constant 15 : index
      %get3A_1664 = tpu.vector_load %arg15[%get3A_1662, %get3A_1663] {strides = array<i32>} : memref<16x48xf32, #tpu.memory_space<vmem>>, vector<1x16xf32>,
      %get3A_1665 = vector.shape_cast %get3A_1664 : vector<1x16xf32> to vector<16xf32>
      %add3A_1666 = arith.addf %add3A_1654, %get3A_1665 : vector<16xf32>
      %eq3A_1667 = arith.constant 11 : i32
      %eq3A_1668 = vector.broadcast %eq3A_1667 : i32 to vector<16xi32>
      %eq3A_1669 = arith.cmpi eq, %iota3A, %eq3A_1668 : vector<16xi32>
      %select_n3A_1670 = arith.select %eq3A_1669, %add3A_1666, %select_n3A_1547 : vector<16xi1>, vector<16xf32>
      %mul3A_1671 = arith.constant 16 : i32
      %mul3A_1672 = arith.muli %scan3A_198, %mul3A_1671 : i32
      %add3A_1673 = arith.constant 12 : i32
      %add3A_1674 = arith.addi %mul3A_1672, %add3A_1673 : i32
      %get3A_1675 = arith.index_cast %add3A_1674 : i32 to index
      %get3A_1676 = arith.constant 0 : index
      %get3A_1677 = tpu.vector_load %arg11[%get3A_1675, %get3A_1676] {strides = array<i32>} : memref<512x64xf32, #tpu.memory_space<vmem>>, vector<1x16xf32>,
      %get3A_1678 = vector.shape_cast %get3A_1677 : vector<1x16xf32> to vector<16xf32>
      %get3A_1679 = arith.index_cast %add3A_1674 : i32 to index
      %get3A_1680 = arith.constant 16 : index
      %get3A_1681 = tpu.vector_load %arg11[%get3A_1679, %get3A_1680] {strides = array<i32>} : memref<512x64xf32, #tpu.memory_space<vmem>>, vector<1x16xf32>,
      %get3A_1682 = vector.shape_cast %get3A_1681 : vector<1x16xf32> to vector<16xf32>
      %get3A_1683 = arith.index_cast %add3A_1674 : i32 to index
      %get3A_1684 = arith.constant 32 : index
      %get3A_1685 = tpu.vector_load %arg11[%get3A_1683, %get3A_1684] {strides = array<i32>} : memref<512x64xf32, #tpu.memory_space<vmem>>, vector<1x16xf32>,
      %get3A_1686 = vector.shape_cast %get3A_1685 : vector<1x16xf32> to vector<16xf32>
      %get3A_1687 = arith.index_cast %add3A_1674 : i32 to index
      %get3A_1688 = arith.constant 48 : index
      %get3A_1689 = tpu.vector_load %arg11[%get3A_1687, %get3A_1688] {strides = array<i32>} : memref<512x64xf32, #tpu.memory_space<vmem>>, vector<1x16xf32>,
      %get3A_1690 = vector.shape_cast %get3A_1689 : vector<1x16xf32> to vector<16xf32>
      %get3A_1691 = arith.index_cast %add3A_1674 : i32 to index
      %get3A_1692 = arith.constant 0 : index
      %get3A_1693 = tpu.vector_load %arg12[%get3A_1691, %get3A_1692] {strides = array<i32>} : memref<512x64xf32, #tpu.memory_space<vmem>>, vector<1x16xf32>,
      %get3A_1694 = vector.shape_cast %get3A_1693 : vector<1x16xf32> to vector<16xf32>
      %get3A_1695 = arith.index_cast %add3A_1674 : i32 to index
      %get3A_1696 = arith.constant 16 : index
      %get3A_1697 = tpu.vector_load %arg12[%get3A_1695, %get3A_1696] {strides = array<i32>} : memref<512x64xf32, #tpu.memory_space<vmem>>, vector<1x16xf32>,
      %get3A_1698 = vector.shape_cast %get3A_1697 : vector<1x16xf32> to vector<16xf32>
      %get3A_1699 = arith.index_cast %add3A_1674 : i32 to index
      %get3A_1700 = arith.constant 32 : index
      %get3A_1701 = tpu.vector_load %arg12[%get3A_1699, %get3A_1700] {strides = array<i32>} : memref<512x64xf32, #tpu.memory_space<vmem>>, vector<1x16xf32>,
      %get3A_1702 = vector.shape_cast %get3A_1701 : vector<1x16xf32> to vector<16xf32>
      %get3A_1703 = arith.index_cast %add3A_1674 : i32 to index
      %get3A_1704 = arith.constant 48 : index
      %get3A_1705 = tpu.vector_load %arg12[%get3A_1703, %get3A_1704] {strides = array<i32>} : memref<512x64xf32, #tpu.memory_space<vmem>>, vector<1x16xf32>,
      %get3A_1706 = vector.shape_cast %get3A_1705 : vector<1x16xf32> to vector<16xf32>
      %get3A_1707 = arith.index_cast %add3A_1674 : i32 to index
      %get3A_1708 = arith.constant 0 : index
      %get3A_1709 = tpu.vector_load %arg13[%get3A_1707, %get3A_1708] {strides = array<i32>} : memref<512x64xf32, #tpu.memory_space<vmem>>, vector<1x16xf32>,
      %get3A_1710 = vector.shape_cast %get3A_1709 : vector<1x16xf32> to vector<16xf32>
      %get3A_1711 = arith.index_cast %add3A_1674 : i32 to index
      %get3A_1712 = arith.constant 16 : index
      %get3A_1713 = tpu.vector_load %arg13[%get3A_1711, %get3A_1712] {strides = array<i32>} : memref<512x64xf32, #tpu.memory_space<vmem>>, vector<1x16xf32>,
      %get3A_1714 = vector.shape_cast %get3A_1713 : vector<1x16xf32> to vector<16xf32>
      %get3A_1715 = arith.index_cast %add3A_1674 : i32 to index
      %get3A_1716 = arith.constant 32 : index
      %get3A_1717 = tpu.vector_load %arg13[%get3A_1715, %get3A_1716] {strides = array<i32>} : memref<512x64xf32, #tpu.memory_space<vmem>>, vector<1x16xf32>,
      %get3A_1718 = vector.shape_cast %get3A_1717 : vector<1x16xf32> to vector<16xf32>
      %get3A_1719 = arith.index_cast %add3A_1674 : i32 to index
      %get3A_1720 = arith.constant 48 : index
      %get3A_1721 = tpu.vector_load %arg13[%get3A_1719, %get3A_1720] {strides = array<i32>} : memref<512x64xf32, #tpu.memory_space<vmem>>, vector<1x16xf32>,
      %get3A_1722 = vector.shape_cast %get3A_1721 : vector<1x16xf32> to vector<16xf32>
      %mul3A_1723 = arith.mulf %get3A_1678, %get3A_1694 : vector<16xf32>
      %mul3A_1724 = arith.mulf %get3A_1686, %get3A_1702 : vector<16xf32>
      %sub3A_1725 = arith.subf %mul3A_1723, %mul3A_1724 : vector<16xf32>
      %mul3A_1726 = arith.mulf %get3A_1682, %get3A_1698 : vector<16xf32>
      %mul3A_1727 = arith.mulf %get3A_1690, %get3A_1706 : vector<16xf32>
      %sub3A_1728 = arith.subf %mul3A_1726, %mul3A_1727 : vector<16xf32>
      %mul3A_1729 = arith.mulf %get3A_1678, %get3A_1702 : vector<16xf32>
      %mul3A_1730 = arith.mulf %get3A_1686, %get3A_1694 : vector<16xf32>
      %add3A_1731 = arith.addf %mul3A_1729, %mul3A_1730 : vector<16xf32>
      %mul3A_1732 = arith.mulf %get3A_1682, %get3A_1706 : vector<16xf32>
      %mul3A_1733 = arith.mulf %get3A_1690, %get3A_1698 : vector<16xf32>
      %add3A_1734 = arith.addf %mul3A_1732, %mul3A_1733 : vector<16xf32>
      %mul3A_1735 = arith.mulf %sub3A_1725, %get3A_1710 : vector<16xf32>
      %mul3A_1736 = arith.mulf %sub3A_1728, %get3A_1714 : vector<16xf32>
      %add3A_1737 = arith.addf %mul3A_1735, %mul3A_1736 : vector<16xf32>
      %mul3A_1738 = arith.mulf %add3A_1731, %get3A_1718 : vector<16xf32>
      %add3A_1739 = arith.addf %add3A_1737, %mul3A_1738 : vector<16xf32>
      %mul3A_1740 = arith.mulf %add3A_1734, %get3A_1722 : vector<16xf32>
      %add3A_1741 = arith.addf %add3A_1739, %mul3A_1740 : vector<16xf32>
      %swap3A_1742 = arith.constant 12 : i32
      %swap3A_1743 = arith.index_cast %swap3A_1742 : i32 to index
      %swap3A_1744 = arith.constant 16 : index
      %swap3A_1745 = tpu.vector_load %arg15[%swap3A_1743, %swap3A_1744] {strides = array<i32>} : memref<16x48xf32, #tpu.memory_space<vmem>>, vector<1x16xf32>,
      %swap3A_1746 = vector.shape_cast %swap3A_1745 : vector<1x16xf32> to vector<16xf32>
      %swap3A_1747 = vector.shape_cast %add3A_1741 : vector<16xf32> to vector<1x16xf32>
      tpu.vector_store %arg15[%swap3A_1743, %swap3A_1744], %swap3A_1747 {strides = array<i32>} : memref<16x48xf32, #tpu.memory_space<vmem>>, vector<1x16xf32>,
      %get3A_1748 = arith.constant 12 : i32
      %get3A_1749 = arith.index_cast %get3A_1748 : i32 to index
      %get3A_1750 = arith.constant 8 : index
      %get3A_1751 = tpu.vector_load %arg15[%get3A_1749, %get3A_1750] {strides = array<i32>} : memref<16x48xf32, #tpu.memory_space<vmem>>, vector<1x16xf32>,
      %get3A_1752 = vector.shape_cast %get3A_1751 : vector<1x16xf32> to vector<16xf32>
      %add3A_1753 = arith.addf %add3A_1741, %get3A_1752 : vector<16xf32>
      %swap3A_1754 = arith.constant 12 : i32
      %swap3A_1755 = arith.index_cast %swap3A_1754 : i32 to index
      %swap3A_1756 = arith.constant 16 : index
      %swap3A_1757 = tpu.vector_load %arg15[%swap3A_1755, %swap3A_1756] {strides = array<i32>} : memref<16x48xf32, #tpu.memory_space<vmem>>, vector<1x16xf32>,
      %swap3A_1758 = vector.shape_cast %swap3A_1757 : vector<1x16xf32> to vector<16xf32>
      %swap3A_1759 = vector.shape_cast %add3A_1753 : vector<16xf32> to vector<1x16xf32>
      tpu.vector_store %arg15[%swap3A_1755, %swap3A_1756], %swap3A_1759 {strides = array<i32>} : memref<16x48xf32, #tpu.memory_space<vmem>>, vector<1x16xf32>,
      %get3A_1760 = arith.constant 12 : i32
      %get3A_1761 = arith.index_cast %get3A_1760 : i32 to index
      %get3A_1762 = arith.constant 12 : index
      %get3A_1763 = tpu.vector_load %arg15[%get3A_1761, %get3A_1762] {strides = array<i32>} : memref<16x48xf32, #tpu.memory_space<vmem>>, vector<1x16xf32>,
      %get3A_1764 = vector.shape_cast %get3A_1763 : vector<1x16xf32> to vector<16xf32>
      %add3A_1765 = arith.addf %add3A_1753, %get3A_1764 : vector<16xf32>
      %swap3A_1766 = arith.constant 12 : i32
      %swap3A_1767 = arith.index_cast %swap3A_1766 : i32 to index
      %swap3A_1768 = arith.constant 16 : index
      %swap3A_1769 = tpu.vector_load %arg15[%swap3A_1767, %swap3A_1768] {strides = array<i32>} : memref<16x48xf32, #tpu.memory_space<vmem>>, vector<1x16xf32>,
      %swap3A_1770 = vector.shape_cast %swap3A_1769 : vector<1x16xf32> to vector<16xf32>
      %swap3A_1771 = vector.shape_cast %add3A_1765 : vector<16xf32> to vector<1x16xf32>
      tpu.vector_store %arg15[%swap3A_1767, %swap3A_1768], %swap3A_1771 {strides = array<i32>} : memref<16x48xf32, #tpu.memory_space<vmem>>, vector<1x16xf32>,
      %get3A_1772 = arith.constant 12 : i32
      %get3A_1773 = arith.index_cast %get3A_1772 : i32 to index
      %get3A_1774 = arith.constant 18 : index
      %get3A_1775 = tpu.vector_load %arg15[%get3A_1773, %get3A_1774] {strides = array<i32>} : memref<16x48xf32, #tpu.memory_space<vmem>>, vector<1x16xf32>,
      %get3A_1776 = vector.shape_cast %get3A_1775 : vector<1x16xf32> to vector<16xf32>
      %add3A_1777 = arith.addf %add3A_1765, %get3A_1776 : vector<16xf32>
      %swap3A_1778 = arith.constant 12 : i32
      %swap3A_1779 = arith.index_cast %swap3A_1778 : i32 to index
      %swap3A_1780 = arith.constant 16 : index
      %swap3A_1781 = tpu.vector_load %arg15[%swap3A_1779, %swap3A_1780] {strides = array<i32>} : memref<16x48xf32, #tpu.memory_space<vmem>>, vector<1x16xf32>,
      %swap3A_1782 = vector.shape_cast %swap3A_1781 : vector<1x16xf32> to vector<16xf32>
      %swap3A_1783 = vector.shape_cast %add3A_1777 : vector<16xf32> to vector<1x16xf32>
      tpu.vector_store %arg15[%swap3A_1779, %swap3A_1780], %swap3A_1783 {strides = array<i32>} : memref<16x48xf32, #tpu.memory_space<vmem>>, vector<1x16xf32>,
      %get3A_1784 = arith.constant 12 : i32
      %get3A_1785 = arith.index_cast %get3A_1784 : i32 to index
      %get3A_1786 = arith.constant 17 : index
      %get3A_1787 = tpu.vector_load %arg15[%get3A_1785, %get3A_1786] {strides = array<i32>} : memref<16x48xf32, #tpu.memory_space<vmem>>, vector<1x16xf32>,
      %get3A_1788 = vector.shape_cast %get3A_1787 : vector<1x16xf32> to vector<16xf32>
      %add3A_1789 = arith.addf %add3A_1777, %get3A_1788 : vector<16xf32>
      %eq3A_1790 = arith.constant 12 : i32
      %eq3A_1791 = vector.broadcast %eq3A_1790 : i32 to vector<16xi32>
      %eq3A_1792 = arith.cmpi eq, %iota3A, %eq3A_1791 : vector<16xi32>
      %select_n3A_1793 = arith.select %eq3A_1792, %add3A_1789, %select_n3A_1670 : vector<16xi1>, vector<16xf32>
      %mul3A_1794 = arith.constant 16 : i32
      %mul3A_1795 = arith.muli %scan3A_198, %mul3A_1794 : i32
      %add3A_1796 = arith.constant 13 : i32
      %add3A_1797 = arith.addi %mul3A_1795, %add3A_1796 : i32
      %get3A_1798 = arith.index_cast %add3A_1797 : i32 to index
      %get3A_1799 = arith.constant 0 : index
      %get3A_1800 = tpu.vector_load %arg11[%get3A_1798, %get3A_1799] {strides = array<i32>} : memref<512x64xf32, #tpu.memory_space<vmem>>, vector<1x16xf32>,
      %get3A_1801 = vector.shape_cast %get3A_1800 : vector<1x16xf32> to vector<16xf32>
      %get3A_1802 = arith.index_cast %add3A_1797 : i32 to index
      %get3A_1803 = arith.constant 16 : index
      %get3A_1804 = tpu.vector_load %arg11[%get3A_1802, %get3A_1803] {strides = array<i32>} : memref<512x64xf32, #tpu.memory_space<vmem>>, vector<1x16xf32>,
      %get3A_1805 = vector.shape_cast %get3A_1804 : vector<1x16xf32> to vector<16xf32>
      %get3A_1806 = arith.index_cast %add3A_1797 : i32 to index
      %get3A_1807 = arith.constant 32 : index
      %get3A_1808 = tpu.vector_load %arg11[%get3A_1806, %get3A_1807] {strides = array<i32>} : memref<512x64xf32, #tpu.memory_space<vmem>>, vector<1x16xf32>,
      %get3A_1809 = vector.shape_cast %get3A_1808 : vector<1x16xf32> to vector<16xf32>
      %get3A_1810 = arith.index_cast %add3A_1797 : i32 to index
      %get3A_1811 = arith.constant 48 : index
      %get3A_1812 = tpu.vector_load %arg11[%get3A_1810, %get3A_1811] {strides = array<i32>} : memref<512x64xf32, #tpu.memory_space<vmem>>, vector<1x16xf32>,
      %get3A_1813 = vector.shape_cast %get3A_1812 : vector<1x16xf32> to vector<16xf32>
      %get3A_1814 = arith.index_cast %add3A_1797 : i32 to index
      %get3A_1815 = arith.constant 0 : index
      %get3A_1816 = tpu.vector_load %arg12[%get3A_1814, %get3A_1815] {strides = array<i32>} : memref<512x64xf32, #tpu.memory_space<vmem>>, vector<1x16xf32>,
      %get3A_1817 = vector.shape_cast %get3A_1816 : vector<1x16xf32> to vector<16xf32>
      %get3A_1818 = arith.index_cast %add3A_1797 : i32 to index
      %get3A_1819 = arith.constant 16 : index
      %get3A_1820 = tpu.vector_load %arg12[%get3A_1818, %get3A_1819] {strides = array<i32>} : memref<512x64xf32, #tpu.memory_space<vmem>>, vector<1x16xf32>,
      %get3A_1821 = vector.shape_cast %get3A_1820 : vector<1x16xf32> to vector<16xf32>
      %get3A_1822 = arith.index_cast %add3A_1797 : i32 to index
      %get3A_1823 = arith.constant 32 : index
      %get3A_1824 = tpu.vector_load %arg12[%get3A_1822, %get3A_1823] {strides = array<i32>} : memref<512x64xf32, #tpu.memory_space<vmem>>, vector<1x16xf32>,
      %get3A_1825 = vector.shape_cast %get3A_1824 : vector<1x16xf32> to vector<16xf32>
      %get3A_1826 = arith.index_cast %add3A_1797 : i32 to index
      %get3A_1827 = arith.constant 48 : index
      %get3A_1828 = tpu.vector_load %arg12[%get3A_1826, %get3A_1827] {strides = array<i32>} : memref<512x64xf32, #tpu.memory_space<vmem>>, vector<1x16xf32>,
      %get3A_1829 = vector.shape_cast %get3A_1828 : vector<1x16xf32> to vector<16xf32>
      %get3A_1830 = arith.index_cast %add3A_1797 : i32 to index
      %get3A_1831 = arith.constant 0 : index
      %get3A_1832 = tpu.vector_load %arg13[%get3A_1830, %get3A_1831] {strides = array<i32>} : memref<512x64xf32, #tpu.memory_space<vmem>>, vector<1x16xf32>,
      %get3A_1833 = vector.shape_cast %get3A_1832 : vector<1x16xf32> to vector<16xf32>
      %get3A_1834 = arith.index_cast %add3A_1797 : i32 to index
      %get3A_1835 = arith.constant 16 : index
      %get3A_1836 = tpu.vector_load %arg13[%get3A_1834, %get3A_1835] {strides = array<i32>} : memref<512x64xf32, #tpu.memory_space<vmem>>, vector<1x16xf32>,
      %get3A_1837 = vector.shape_cast %get3A_1836 : vector<1x16xf32> to vector<16xf32>
      %get3A_1838 = arith.index_cast %add3A_1797 : i32 to index
      %get3A_1839 = arith.constant 32 : index
      %get3A_1840 = tpu.vector_load %arg13[%get3A_1838, %get3A_1839] {strides = array<i32>} : memref<512x64xf32, #tpu.memory_space<vmem>>, vector<1x16xf32>,
      %get3A_1841 = vector.shape_cast %get3A_1840 : vector<1x16xf32> to vector<16xf32>
      %get3A_1842 = arith.index_cast %add3A_1797 : i32 to index
      %get3A_1843 = arith.constant 48 : index
      %get3A_1844 = tpu.vector_load %arg13[%get3A_1842, %get3A_1843] {strides = array<i32>} : memref<512x64xf32, #tpu.memory_space<vmem>>, vector<1x16xf32>,
      %get3A_1845 = vector.shape_cast %get3A_1844 : vector<1x16xf32> to vector<16xf32>
      %mul3A_1846 = arith.mulf %get3A_1801, %get3A_1817 : vector<16xf32>
      %mul3A_1847 = arith.mulf %get3A_1809, %get3A_1825 : vector<16xf32>
      %sub3A_1848 = arith.subf %mul3A_1846, %mul3A_1847 : vector<16xf32>
      %mul3A_1849 = arith.mulf %get3A_1805, %get3A_1821 : vector<16xf32>
      %mul3A_1850 = arith.mulf %get3A_1813, %get3A_1829 : vector<16xf32>
      %sub3A_1851 = arith.subf %mul3A_1849, %mul3A_1850 : vector<16xf32>
      %mul3A_1852 = arith.mulf %get3A_1801, %get3A_1825 : vector<16xf32>
      %mul3A_1853 = arith.mulf %get3A_1809, %get3A_1817 : vector<16xf32>
      %add3A_1854 = arith.addf %mul3A_1852, %mul3A_1853 : vector<16xf32>
      %mul3A_1855 = arith.mulf %get3A_1805, %get3A_1829 : vector<16xf32>
      %mul3A_1856 = arith.mulf %get3A_1813, %get3A_1821 : vector<16xf32>
      %add3A_1857 = arith.addf %mul3A_1855, %mul3A_1856 : vector<16xf32>
      %mul3A_1858 = arith.mulf %sub3A_1848, %get3A_1833 : vector<16xf32>
      %mul3A_1859 = arith.mulf %sub3A_1851, %get3A_1837 : vector<16xf32>
      %add3A_1860 = arith.addf %mul3A_1858, %mul3A_1859 : vector<16xf32>
      %mul3A_1861 = arith.mulf %add3A_1854, %get3A_1841 : vector<16xf32>
      %add3A_1862 = arith.addf %add3A_1860, %mul3A_1861 : vector<16xf32>
      %mul3A_1863 = arith.mulf %add3A_1857, %get3A_1845 : vector<16xf32>
      %add3A_1864 = arith.addf %add3A_1862, %mul3A_1863 : vector<16xf32>
      %swap3A_1865 = arith.constant 13 : i32
      %swap3A_1866 = arith.index_cast %swap3A_1865 : i32 to index
      %swap3A_1867 = arith.constant 16 : index
      %swap3A_1868 = tpu.vector_load %arg15[%swap3A_1866, %swap3A_1867] {strides = array<i32>} : memref<16x48xf32, #tpu.memory_space<vmem>>, vector<1x16xf32>,
      %swap3A_1869 = vector.shape_cast %swap3A_1868 : vector<1x16xf32> to vector<16xf32>
      %swap3A_1870 = vector.shape_cast %add3A_1864 : vector<16xf32> to vector<1x16xf32>
      tpu.vector_store %arg15[%swap3A_1866, %swap3A_1867], %swap3A_1870 {strides = array<i32>} : memref<16x48xf32, #tpu.memory_space<vmem>>, vector<1x16xf32>,
      %get3A_1871 = arith.constant 13 : i32
      %get3A_1872 = arith.index_cast %get3A_1871 : i32 to index
      %get3A_1873 = arith.constant 8 : index
      %get3A_1874 = tpu.vector_load %arg15[%get3A_1872, %get3A_1873] {strides = array<i32>} : memref<16x48xf32, #tpu.memory_space<vmem>>, vector<1x16xf32>,
      %get3A_1875 = vector.shape_cast %get3A_1874 : vector<1x16xf32> to vector<16xf32>
      %add3A_1876 = arith.addf %add3A_1864, %get3A_1875 : vector<16xf32>
      %swap3A_1877 = arith.constant 13 : i32
      %swap3A_1878 = arith.index_cast %swap3A_1877 : i32 to index
      %swap3A_1879 = arith.constant 16 : index
      %swap3A_1880 = tpu.vector_load %arg15[%swap3A_1878, %swap3A_1879] {strides = array<i32>} : memref<16x48xf32, #tpu.memory_space<vmem>>, vector<1x16xf32>,
      %swap3A_1881 = vector.shape_cast %swap3A_1880 : vector<1x16xf32> to vector<16xf32>
      %swap3A_1882 = vector.shape_cast %add3A_1876 : vector<16xf32> to vector<1x16xf32>
      tpu.vector_store %arg15[%swap3A_1878, %swap3A_1879], %swap3A_1882 {strides = array<i32>} : memref<16x48xf32, #tpu.memory_space<vmem>>, vector<1x16xf32>,
      %get3A_1883 = arith.constant 13 : i32
      %get3A_1884 = arith.index_cast %get3A_1883 : i32 to index
      %get3A_1885 = arith.constant 12 : index
      %get3A_1886 = tpu.vector_load %arg15[%get3A_1884, %get3A_1885] {strides = array<i32>} : memref<16x48xf32, #tpu.memory_space<vmem>>, vector<1x16xf32>,
      %get3A_1887 = vector.shape_cast %get3A_1886 : vector<1x16xf32> to vector<16xf32>
      %add3A_1888 = arith.addf %add3A_1876, %get3A_1887 : vector<16xf32>
      %swap3A_1889 = arith.constant 13 : i32
      %swap3A_1890 = arith.index_cast %swap3A_1889 : i32 to index
      %swap3A_1891 = arith.constant 16 : index
      %swap3A_1892 = tpu.vector_load %arg15[%swap3A_1890, %swap3A_1891] {strides = array<i32>} : memref<16x48xf32, #tpu.memory_space<vmem>>, vector<1x16xf32>,
      %swap3A_1893 = vector.shape_cast %swap3A_1892 : vector<1x16xf32> to vector<16xf32>
      %swap3A_1894 = vector.shape_cast %add3A_1888 : vector<16xf32> to vector<1x16xf32>
      tpu.vector_store %arg15[%swap3A_1890, %swap3A_1891], %swap3A_1894 {strides = array<i32>} : memref<16x48xf32, #tpu.memory_space<vmem>>, vector<1x16xf32>,
      %get3A_1895 = arith.constant 13 : i32
      %get3A_1896 = arith.index_cast %get3A_1895 : i32 to index
      %get3A_1897 = arith.constant 18 : index
      %get3A_1898 = tpu.vector_load %arg15[%get3A_1896, %get3A_1897] {strides = array<i32>} : memref<16x48xf32, #tpu.memory_space<vmem>>, vector<1x16xf32>,
      %get3A_1899 = vector.shape_cast %get3A_1898 : vector<1x16xf32> to vector<16xf32>
      %add3A_1900 = arith.addf %add3A_1888, %get3A_1899 : vector<16xf32>
      %swap3A_1901 = arith.constant 13 : i32
      %swap3A_1902 = arith.index_cast %swap3A_1901 : i32 to index
      %swap3A_1903 = arith.constant 16 : index
      %swap3A_1904 = tpu.vector_load %arg15[%swap3A_1902, %swap3A_1903] {strides = array<i32>} : memref<16x48xf32, #tpu.memory_space<vmem>>, vector<1x16xf32>,
      %swap3A_1905 = vector.shape_cast %swap3A_1904 : vector<1x16xf32> to vector<16xf32>
      %swap3A_1906 = vector.shape_cast %add3A_1900 : vector<16xf32> to vector<1x16xf32>
      tpu.vector_store %arg15[%swap3A_1902, %swap3A_1903], %swap3A_1906 {strides = array<i32>} : memref<16x48xf32, #tpu.memory_space<vmem>>, vector<1x16xf32>,
      %get3A_1907 = arith.constant 13 : i32
      %get3A_1908 = arith.index_cast %get3A_1907 : i32 to index
      %get3A_1909 = arith.constant 15 : index
      %get3A_1910 = tpu.vector_load %arg15[%get3A_1908, %get3A_1909] {strides = array<i32>} : memref<16x48xf32, #tpu.memory_space<vmem>>, vector<1x16xf32>,
      %get3A_1911 = vector.shape_cast %get3A_1910 : vector<1x16xf32> to vector<16xf32>
      %add3A_1912 = arith.addf %add3A_1900, %get3A_1911 : vector<16xf32>
      %eq3A_1913 = arith.constant 13 : i32
      %eq3A_1914 = vector.broadcast %eq3A_1913 : i32 to vector<16xi32>
      %eq3A_1915 = arith.cmpi eq, %iota3A, %eq3A_1914 : vector<16xi32>
      %select_n3A_1916 = arith.select %eq3A_1915, %add3A_1912, %select_n3A_1793 : vector<16xi1>, vector<16xf32>
      %mul3A_1917 = arith.constant 16 : i32
      %mul3A_1918 = arith.muli %scan3A_198, %mul3A_1917 : i32
      %add3A_1919 = arith.constant 14 : i32
      %add3A_1920 = arith.addi %mul3A_1918, %add3A_1919 : i32
      %get3A_1921 = arith.index_cast %add3A_1920 : i32 to index
      %get3A_1922 = arith.constant 0 : index
      %get3A_1923 = tpu.vector_load %arg11[%get3A_1921, %get3A_1922] {strides = array<i32>} : memref<512x64xf32, #tpu.memory_space<vmem>>, vector<1x16xf32>,
      %get3A_1924 = vector.shape_cast %get3A_1923 : vector<1x16xf32> to vector<16xf32>
      %get3A_1925 = arith.index_cast %add3A_1920 : i32 to index
      %get3A_1926 = arith.constant 16 : index
      %get3A_1927 = tpu.vector_load %arg11[%get3A_1925, %get3A_1926] {strides = array<i32>} : memref<512x64xf32, #tpu.memory_space<vmem>>, vector<1x16xf32>,
      %get3A_1928 = vector.shape_cast %get3A_1927 : vector<1x16xf32> to vector<16xf32>
      %get3A_1929 = arith.index_cast %add3A_1920 : i32 to index
      %get3A_1930 = arith.constant 32 : index
      %get3A_1931 = tpu.vector_load %arg11[%get3A_1929, %get3A_1930] {strides = array<i32>} : memref<512x64xf32, #tpu.memory_space<vmem>>, vector<1x16xf32>,
      %get3A_1932 = vector.shape_cast %get3A_1931 : vector<1x16xf32> to vector<16xf32>
      %get3A_1933 = arith.index_cast %add3A_1920 : i32 to index
      %get3A_1934 = arith.constant 48 : index
      %get3A_1935 = tpu.vector_load %arg11[%get3A_1933, %get3A_1934] {strides = array<i32>} : memref<512x64xf32, #tpu.memory_space<vmem>>, vector<1x16xf32>,
      %get3A_1936 = vector.shape_cast %get3A_1935 : vector<1x16xf32> to vector<16xf32>
      %get3A_1937 = arith.index_cast %add3A_1920 : i32 to index
      %get3A_1938 = arith.constant 0 : index
      %get3A_1939 = tpu.vector_load %arg12[%get3A_1937, %get3A_1938] {strides = array<i32>} : memref<512x64xf32, #tpu.memory_space<vmem>>, vector<1x16xf32>,
      %get3A_1940 = vector.shape_cast %get3A_1939 : vector<1x16xf32> to vector<16xf32>
      %get3A_1941 = arith.index_cast %add3A_1920 : i32 to index
      %get3A_1942 = arith.constant 16 : index
      %get3A_1943 = tpu.vector_load %arg12[%get3A_1941, %get3A_1942] {strides = array<i32>} : memref<512x64xf32, #tpu.memory_space<vmem>>, vector<1x16xf32>,
      %get3A_1944 = vector.shape_cast %get3A_1943 : vector<1x16xf32> to vector<16xf32>
      %get3A_1945 = arith.index_cast %add3A_1920 : i32 to index
      %get3A_1946 = arith.constant 32 : index
      %get3A_1947 = tpu.vector_load %arg12[%get3A_1945, %get3A_1946] {strides = array<i32>} : memref<512x64xf32, #tpu.memory_space<vmem>>, vector<1x16xf32>,
      %get3A_1948 = vector.shape_cast %get3A_1947 : vector<1x16xf32> to vector<16xf32>
      %get3A_1949 = arith.index_cast %add3A_1920 : i32 to index
      %get3A_1950 = arith.constant 48 : index
      %get3A_1951 = tpu.vector_load %arg12[%get3A_1949, %get3A_1950] {strides = array<i32>} : memref<512x64xf32, #tpu.memory_space<vmem>>, vector<1x16xf32>,
      %get3A_1952 = vector.shape_cast %get3A_1951 : vector<1x16xf32> to vector<16xf32>
      %get3A_1953 = arith.index_cast %add3A_1920 : i32 to index
      %get3A_1954 = arith.constant 0 : index
      %get3A_1955 = tpu.vector_load %arg13[%get3A_1953, %get3A_1954] {strides = array<i32>} : memref<512x64xf32, #tpu.memory_space<vmem>>, vector<1x16xf32>,
      %get3A_1956 = vector.shape_cast %get3A_1955 : vector<1x16xf32> to vector<16xf32>
      %get3A_1957 = arith.index_cast %add3A_1920 : i32 to index
      %get3A_1958 = arith.constant 16 : index
      %get3A_1959 = tpu.vector_load %arg13[%get3A_1957, %get3A_1958] {strides = array<i32>} : memref<512x64xf32, #tpu.memory_space<vmem>>, vector<1x16xf32>,
      %get3A_1960 = vector.shape_cast %get3A_1959 : vector<1x16xf32> to vector<16xf32>
      %get3A_1961 = arith.index_cast %add3A_1920 : i32 to index
      %get3A_1962 = arith.constant 32 : index
      %get3A_1963 = tpu.vector_load %arg13[%get3A_1961, %get3A_1962] {strides = array<i32>} : memref<512x64xf32, #tpu.memory_space<vmem>>, vector<1x16xf32>,
      %get3A_1964 = vector.shape_cast %get3A_1963 : vector<1x16xf32> to vector<16xf32>
      %get3A_1965 = arith.index_cast %add3A_1920 : i32 to index
      %get3A_1966 = arith.constant 48 : index
      %get3A_1967 = tpu.vector_load %arg13[%get3A_1965, %get3A_1966] {strides = array<i32>} : memref<512x64xf32, #tpu.memory_space<vmem>>, vector<1x16xf32>,
      %get3A_1968 = vector.shape_cast %get3A_1967 : vector<1x16xf32> to vector<16xf32>
      %mul3A_1969 = arith.mulf %get3A_1924, %get3A_1940 : vector<16xf32>
      %mul3A_1970 = arith.mulf %get3A_1932, %get3A_1948 : vector<16xf32>
      %sub3A_1971 = arith.subf %mul3A_1969, %mul3A_1970 : vector<16xf32>
      %mul3A_1972 = arith.mulf %get3A_1928, %get3A_1944 : vector<16xf32>
      %mul3A_1973 = arith.mulf %get3A_1936, %get3A_1952 : vector<16xf32>
      %sub3A_1974 = arith.subf %mul3A_1972, %mul3A_1973 : vector<16xf32>
      %mul3A_1975 = arith.mulf %get3A_1924, %get3A_1948 : vector<16xf32>
      %mul3A_1976 = arith.mulf %get3A_1932, %get3A_1940 : vector<16xf32>
      %add3A_1977 = arith.addf %mul3A_1975, %mul3A_1976 : vector<16xf32>
      %mul3A_1978 = arith.mulf %get3A_1928, %get3A_1952 : vector<16xf32>
      %mul3A_1979 = arith.mulf %get3A_1936, %get3A_1944 : vector<16xf32>
      %add3A_1980 = arith.addf %mul3A_1978, %mul3A_1979 : vector<16xf32>
      %mul3A_1981 = arith.mulf %sub3A_1971, %get3A_1956 : vector<16xf32>
      %mul3A_1982 = arith.mulf %sub3A_1974, %get3A_1960 : vector<16xf32>
      %add3A_1983 = arith.addf %mul3A_1981, %mul3A_1982 : vector<16xf32>
      %mul3A_1984 = arith.mulf %add3A_1977, %get3A_1964 : vector<16xf32>
      %add3A_1985 = arith.addf %add3A_1983, %mul3A_1984 : vector<16xf32>
      %mul3A_1986 = arith.mulf %add3A_1980, %get3A_1968 : vector<16xf32>
      %add3A_1987 = arith.addf %add3A_1985, %mul3A_1986 : vector<16xf32>
      %swap3A_1988 = arith.constant 14 : i32
      %swap3A_1989 = arith.index_cast %swap3A_1988 : i32 to index
      %swap3A_1990 = arith.constant 16 : index
      %swap3A_1991 = tpu.vector_load %arg15[%swap3A_1989, %swap3A_1990] {strides = array<i32>} : memref<16x48xf32, #tpu.memory_space<vmem>>, vector<1x16xf32>,
      %swap3A_1992 = vector.shape_cast %swap3A_1991 : vector<1x16xf32> to vector<16xf32>
      %swap3A_1993 = vector.shape_cast %add3A_1987 : vector<16xf32> to vector<1x16xf32>
      tpu.vector_store %arg15[%swap3A_1989, %swap3A_1990], %swap3A_1993 {strides = array<i32>} : memref<16x48xf32, #tpu.memory_space<vmem>>, vector<1x16xf32>,
      %get3A_1994 = arith.constant 14 : i32
      %get3A_1995 = arith.index_cast %get3A_1994 : i32 to index
      %get3A_1996 = arith.constant 8 : index
      %get3A_1997 = tpu.vector_load %arg15[%get3A_1995, %get3A_1996] {strides = array<i32>} : memref<16x48xf32, #tpu.memory_space<vmem>>, vector<1x16xf32>,
      %get3A_1998 = vector.shape_cast %get3A_1997 : vector<1x16xf32> to vector<16xf32>
      %add3A_1999 = arith.addf %add3A_1987, %get3A_1998 : vector<16xf32>
      %swap3A_2000 = arith.constant 14 : i32
      %swap3A_2001 = arith.index_cast %swap3A_2000 : i32 to index
      %swap3A_2002 = arith.constant 16 : index
      %swap3A_2003 = tpu.vector_load %arg15[%swap3A_2001, %swap3A_2002] {strides = array<i32>} : memref<16x48xf32, #tpu.memory_space<vmem>>, vector<1x16xf32>,
      %swap3A_2004 = vector.shape_cast %swap3A_2003 : vector<1x16xf32> to vector<16xf32>
      %swap3A_2005 = vector.shape_cast %add3A_1999 : vector<16xf32> to vector<1x16xf32>
      tpu.vector_store %arg15[%swap3A_2001, %swap3A_2002], %swap3A_2005 {strides = array<i32>} : memref<16x48xf32, #tpu.memory_space<vmem>>, vector<1x16xf32>,
      %get3A_2006 = arith.constant 14 : i32
      %get3A_2007 = arith.index_cast %get3A_2006 : i32 to index
      %get3A_2008 = arith.constant 12 : index
      %get3A_2009 = tpu.vector_load %arg15[%get3A_2007, %get3A_2008] {strides = array<i32>} : memref<16x48xf32, #tpu.memory_space<vmem>>, vector<1x16xf32>,
      %get3A_2010 = vector.shape_cast %get3A_2009 : vector<1x16xf32> to vector<16xf32>
      %add3A_2011 = arith.addf %add3A_1999, %get3A_2010 : vector<16xf32>
      %swap3A_2012 = arith.constant 14 : i32
      %swap3A_2013 = arith.index_cast %swap3A_2012 : i32 to index
      %swap3A_2014 = arith.constant 16 : index
      %swap3A_2015 = tpu.vector_load %arg15[%swap3A_2013, %swap3A_2014] {strides = array<i32>} : memref<16x48xf32, #tpu.memory_space<vmem>>, vector<1x16xf32>,
      %swap3A_2016 = vector.shape_cast %swap3A_2015 : vector<1x16xf32> to vector<16xf32>
      %swap3A_2017 = vector.shape_cast %add3A_2011 : vector<16xf32> to vector<1x16xf32>
      tpu.vector_store %arg15[%swap3A_2013, %swap3A_2014], %swap3A_2017 {strides = array<i32>} : memref<16x48xf32, #tpu.memory_space<vmem>>, vector<1x16xf32>,
      %get3A_2018 = arith.constant 14 : i32
      %get3A_2019 = arith.index_cast %get3A_2018 : i32 to index
      %get3A_2020 = arith.constant 14 : index
      %get3A_2021 = tpu.vector_load %arg15[%get3A_2019, %get3A_2020] {strides = array<i32>} : memref<16x48xf32, #tpu.memory_space<vmem>>, vector<1x16xf32>,
      %get3A_2022 = vector.shape_cast %get3A_2021 : vector<1x16xf32> to vector<16xf32>
      %add3A_2023 = arith.addf %add3A_2011, %get3A_2022 : vector<16xf32>
      %swap3A_2024 = arith.constant 14 : i32
      %swap3A_2025 = arith.index_cast %swap3A_2024 : i32 to index
      %swap3A_2026 = arith.constant 16 : index
      %swap3A_2027 = tpu.vector_load %arg15[%swap3A_2025, %swap3A_2026] {strides = array<i32>} : memref<16x48xf32, #tpu.memory_space<vmem>>, vector<1x16xf32>,
      %swap3A_2028 = vector.shape_cast %swap3A_2027 : vector<1x16xf32> to vector<16xf32>
      %swap3A_2029 = vector.shape_cast %add3A_2023 : vector<16xf32> to vector<1x16xf32>
      tpu.vector_store %arg15[%swap3A_2025, %swap3A_2026], %swap3A_2029 {strides = array<i32>} : memref<16x48xf32, #tpu.memory_space<vmem>>, vector<1x16xf32>,
      %get3A_2030 = arith.constant 14 : i32
      %get3A_2031 = arith.index_cast %get3A_2030 : i32 to index
      %get3A_2032 = arith.constant 17 : index
      %get3A_2033 = tpu.vector_load %arg15[%get3A_2031, %get3A_2032] {strides = array<i32>} : memref<16x48xf32, #tpu.memory_space<vmem>>, vector<1x16xf32>,
      %get3A_2034 = vector.shape_cast %get3A_2033 : vector<1x16xf32> to vector<16xf32>
      %add3A_2035 = arith.addf %add3A_2023, %get3A_2034 : vector<16xf32>
      %eq3A_2036 = arith.constant 14 : i32
      %eq3A_2037 = vector.broadcast %eq3A_2036 : i32 to vector<16xi32>
      %eq3A_2038 = arith.cmpi eq, %iota3A, %eq3A_2037 : vector<16xi32>
      %select_n3A_2039 = arith.select %eq3A_2038, %add3A_2035, %select_n3A_1916 : vector<16xi1>, vector<16xf32>
      %mul3A_2040 = arith.constant 16 : i32
      %mul3A_2041 = arith.muli %scan3A_198, %mul3A_2040 : i32
      %add3A_2042 = arith.constant 15 : i32
      %add3A_2043 = arith.addi %mul3A_2041, %add3A_2042 : i32
      %get3A_2044 = arith.index_cast %add3A_2043 : i32 to index
      %get3A_2045 = arith.constant 0 : index
      %get3A_2046 = tpu.vector_load %arg11[%get3A_2044, %get3A_2045] {strides = array<i32>} : memref<512x64xf32, #tpu.memory_space<vmem>>, vector<1x16xf32>,
      %get3A_2047 = vector.shape_cast %get3A_2046 : vector<1x16xf32> to vector<16xf32>
      %get3A_2048 = arith.index_cast %add3A_2043 : i32 to index
      %get3A_2049 = arith.constant 16 : index
      %get3A_2050 = tpu.vector_load %arg11[%get3A_2048, %get3A_2049] {strides = array<i32>} : memref<512x64xf32, #tpu.memory_space<vmem>>, vector<1x16xf32>,
      %get3A_2051 = vector.shape_cast %get3A_2050 : vector<1x16xf32> to vector<16xf32>
      %get3A_2052 = arith.index_cast %add3A_2043 : i32 to index
      %get3A_2053 = arith.constant 32 : index
      %get3A_2054 = tpu.vector_load %arg11[%get3A_2052, %get3A_2053] {strides = array<i32>} : memref<512x64xf32, #tpu.memory_space<vmem>>, vector<1x16xf32>,
      %get3A_2055 = vector.shape_cast %get3A_2054 : vector<1x16xf32> to vector<16xf32>
      %get3A_2056 = arith.index_cast %add3A_2043 : i32 to index
      %get3A_2057 = arith.constant 48 : index
      %get3A_2058 = tpu.vector_load %arg11[%get3A_2056, %get3A_2057] {strides = array<i32>} : memref<512x64xf32, #tpu.memory_space<vmem>>, vector<1x16xf32>,
      %get3A_2059 = vector.shape_cast %get3A_2058 : vector<1x16xf32> to vector<16xf32>
      %get3A_2060 = arith.index_cast %add3A_2043 : i32 to index
      %get3A_2061 = arith.constant 0 : index
      %get3A_2062 = tpu.vector_load %arg12[%get3A_2060, %get3A_2061] {strides = array<i32>} : memref<512x64xf32, #tpu.memory_space<vmem>>, vector<1x16xf32>,
      %get3A_2063 = vector.shape_cast %get3A_2062 : vector<1x16xf32> to vector<16xf32>
      %get3A_2064 = arith.index_cast %add3A_2043 : i32 to index
      %get3A_2065 = arith.constant 16 : index
      %get3A_2066 = tpu.vector_load %arg12[%get3A_2064, %get3A_2065] {strides = array<i32>} : memref<512x64xf32, #tpu.memory_space<vmem>>, vector<1x16xf32>,
      %get3A_2067 = vector.shape_cast %get3A_2066 : vector<1x16xf32> to vector<16xf32>
      %get3A_2068 = arith.index_cast %add3A_2043 : i32 to index
      %get3A_2069 = arith.constant 32 : index
      %get3A_2070 = tpu.vector_load %arg12[%get3A_2068, %get3A_2069] {strides = array<i32>} : memref<512x64xf32, #tpu.memory_space<vmem>>, vector<1x16xf32>,
      %get3A_2071 = vector.shape_cast %get3A_2070 : vector<1x16xf32> to vector<16xf32>
      %get3A_2072 = arith.index_cast %add3A_2043 : i32 to index
      %get3A_2073 = arith.constant 48 : index
      %get3A_2074 = tpu.vector_load %arg12[%get3A_2072, %get3A_2073] {strides = array<i32>} : memref<512x64xf32, #tpu.memory_space<vmem>>, vector<1x16xf32>,
      %get3A_2075 = vector.shape_cast %get3A_2074 : vector<1x16xf32> to vector<16xf32>
      %get3A_2076 = arith.index_cast %add3A_2043 : i32 to index
      %get3A_2077 = arith.constant 0 : index
      %get3A_2078 = tpu.vector_load %arg13[%get3A_2076, %get3A_2077] {strides = array<i32>} : memref<512x64xf32, #tpu.memory_space<vmem>>, vector<1x16xf32>,
      %get3A_2079 = vector.shape_cast %get3A_2078 : vector<1x16xf32> to vector<16xf32>
      %get3A_2080 = arith.index_cast %add3A_2043 : i32 to index
      %get3A_2081 = arith.constant 16 : index
      %get3A_2082 = tpu.vector_load %arg13[%get3A_2080, %get3A_2081] {strides = array<i32>} : memref<512x64xf32, #tpu.memory_space<vmem>>, vector<1x16xf32>,
      %get3A_2083 = vector.shape_cast %get3A_2082 : vector<1x16xf32> to vector<16xf32>
      %get3A_2084 = arith.index_cast %add3A_2043 : i32 to index
      %get3A_2085 = arith.constant 32 : index
      %get3A_2086 = tpu.vector_load %arg13[%get3A_2084, %get3A_2085] {strides = array<i32>} : memref<512x64xf32, #tpu.memory_space<vmem>>, vector<1x16xf32>,
      %get3A_2087 = vector.shape_cast %get3A_2086 : vector<1x16xf32> to vector<16xf32>
      %get3A_2088 = arith.index_cast %add3A_2043 : i32 to index
      %get3A_2089 = arith.constant 48 : index
      %get3A_2090 = tpu.vector_load %arg13[%get3A_2088, %get3A_2089] {strides = array<i32>} : memref<512x64xf32, #tpu.memory_space<vmem>>, vector<1x16xf32>,
      %get3A_2091 = vector.shape_cast %get3A_2090 : vector<1x16xf32> to vector<16xf32>
      %mul3A_2092 = arith.mulf %get3A_2047, %get3A_2063 : vector<16xf32>
      %mul3A_2093 = arith.mulf %get3A_2055, %get3A_2071 : vector<16xf32>
      %sub3A_2094 = arith.subf %mul3A_2092, %mul3A_2093 : vector<16xf32>
      %mul3A_2095 = arith.mulf %get3A_2051, %get3A_2067 : vector<16xf32>
      %mul3A_2096 = arith.mulf %get3A_2059, %get3A_2075 : vector<16xf32>
      %sub3A_2097 = arith.subf %mul3A_2095, %mul3A_2096 : vector<16xf32>
      %mul3A_2098 = arith.mulf %get3A_2047, %get3A_2071 : vector<16xf32>
      %mul3A_2099 = arith.mulf %get3A_2055, %get3A_2063 : vector<16xf32>
      %add3A_2100 = arith.addf %mul3A_2098, %mul3A_2099 : vector<16xf32>
      %mul3A_2101 = arith.mulf %get3A_2051, %get3A_2075 : vector<16xf32>
      %mul3A_2102 = arith.mulf %get3A_2059, %get3A_2067 : vector<16xf32>
      %add3A_2103 = arith.addf %mul3A_2101, %mul3A_2102 : vector<16xf32>
      %mul3A_2104 = arith.mulf %sub3A_2094, %get3A_2079 : vector<16xf32>
      %mul3A_2105 = arith.mulf %sub3A_2097, %get3A_2083 : vector<16xf32>
      %add3A_2106 = arith.addf %mul3A_2104, %mul3A_2105 : vector<16xf32>
      %mul3A_2107 = arith.mulf %add3A_2100, %get3A_2087 : vector<16xf32>
      %add3A_2108 = arith.addf %add3A_2106, %mul3A_2107 : vector<16xf32>
      %mul3A_2109 = arith.mulf %add3A_2103, %get3A_2091 : vector<16xf32>
      %add3A_2110 = arith.addf %add3A_2108, %mul3A_2109 : vector<16xf32>
      %swap3A_2111 = arith.constant 15 : i32
      %swap3A_2112 = arith.index_cast %swap3A_2111 : i32 to index
      %swap3A_2113 = arith.constant 16 : index
      %swap3A_2114 = tpu.vector_load %arg15[%swap3A_2112, %swap3A_2113] {strides = array<i32>} : memref<16x48xf32, #tpu.memory_space<vmem>>, vector<1x16xf32>,
      %swap3A_2115 = vector.shape_cast %swap3A_2114 : vector<1x16xf32> to vector<16xf32>
      %swap3A_2116 = vector.shape_cast %add3A_2110 : vector<16xf32> to vector<1x16xf32>
      tpu.vector_store %arg15[%swap3A_2112, %swap3A_2113], %swap3A_2116 {strides = array<i32>} : memref<16x48xf32, #tpu.memory_space<vmem>>, vector<1x16xf32>,
      %get3A_2117 = arith.constant 15 : i32
      %get3A_2118 = arith.index_cast %get3A_2117 : i32 to index
      %get3A_2119 = arith.constant 8 : index
      %get3A_2120 = tpu.vector_load %arg15[%get3A_2118, %get3A_2119] {strides = array<i32>} : memref<16x48xf32, #tpu.memory_space<vmem>>, vector<1x16xf32>,
      %get3A_2121 = vector.shape_cast %get3A_2120 : vector<1x16xf32> to vector<16xf32>
      %add3A_2122 = arith.addf %add3A_2110, %get3A_2121 : vector<16xf32>
      %swap3A_2123 = arith.constant 15 : i32
      %swap3A_2124 = arith.index_cast %swap3A_2123 : i32 to index
      %swap3A_2125 = arith.constant 16 : index
      %swap3A_2126 = tpu.vector_load %arg15[%swap3A_2124, %swap3A_2125] {strides = array<i32>} : memref<16x48xf32, #tpu.memory_space<vmem>>, vector<1x16xf32>,
      %swap3A_2127 = vector.shape_cast %swap3A_2126 : vector<1x16xf32> to vector<16xf32>
      %swap3A_2128 = vector.shape_cast %add3A_2122 : vector<16xf32> to vector<1x16xf32>
      tpu.vector_store %arg15[%swap3A_2124, %swap3A_2125], %swap3A_2128 {strides = array<i32>} : memref<16x48xf32, #tpu.memory_space<vmem>>, vector<1x16xf32>,
      %get3A_2129 = arith.constant 15 : i32
      %get3A_2130 = arith.index_cast %get3A_2129 : i32 to index
      %get3A_2131 = arith.constant 12 : index
      %get3A_2132 = tpu.vector_load %arg15[%get3A_2130, %get3A_2131] {strides = array<i32>} : memref<16x48xf32, #tpu.memory_space<vmem>>, vector<1x16xf32>,
      %get3A_2133 = vector.shape_cast %get3A_2132 : vector<1x16xf32> to vector<16xf32>
      %add3A_2134 = arith.addf %add3A_2122, %get3A_2133 : vector<16xf32>
      %swap3A_2135 = arith.constant 15 : i32
      %swap3A_2136 = arith.index_cast %swap3A_2135 : i32 to index
      %swap3A_2137 = arith.constant 16 : index
      %swap3A_2138 = tpu.vector_load %arg15[%swap3A_2136, %swap3A_2137] {strides = array<i32>} : memref<16x48xf32, #tpu.memory_space<vmem>>, vector<1x16xf32>,
      %swap3A_2139 = vector.shape_cast %swap3A_2138 : vector<1x16xf32> to vector<16xf32>
      %swap3A_2140 = vector.shape_cast %add3A_2134 : vector<16xf32> to vector<1x16xf32>
      tpu.vector_store %arg15[%swap3A_2136, %swap3A_2137], %swap3A_2140 {strides = array<i32>} : memref<16x48xf32, #tpu.memory_space<vmem>>, vector<1x16xf32>,
      %get3A_2141 = arith.constant 15 : i32
      %get3A_2142 = arith.index_cast %get3A_2141 : i32 to index
      %get3A_2143 = arith.constant 14 : index
      %get3A_2144 = tpu.vector_load %arg15[%get3A_2142, %get3A_2143] {strides = array<i32>} : memref<16x48xf32, #tpu.memory_space<vmem>>, vector<1x16xf32>,
      %get3A_2145 = vector.shape_cast %get3A_2144 : vector<1x16xf32> to vector<16xf32>
      %add3A_2146 = arith.addf %add3A_2134, %get3A_2145 : vector<16xf32>
      %swap3A_2147 = arith.constant 15 : i32
      %swap3A_2148 = arith.index_cast %swap3A_2147 : i32 to index
      %swap3A_2149 = arith.constant 16 : index
      %swap3A_2150 = tpu.vector_load %arg15[%swap3A_2148, %swap3A_2149] {strides = array<i32>} : memref<16x48xf32, #tpu.memory_space<vmem>>, vector<1x16xf32>,
      %swap3A_2151 = vector.shape_cast %swap3A_2150 : vector<1x16xf32> to vector<16xf32>
      %swap3A_2152 = vector.shape_cast %add3A_2146 : vector<16xf32> to vector<1x16xf32>
      tpu.vector_store %arg15[%swap3A_2148, %swap3A_2149], %swap3A_2152 {strides = array<i32>} : memref<16x48xf32, #tpu.memory_space<vmem>>, vector<1x16xf32>,
      %get3A_2153 = arith.constant 15 : i32
      %get3A_2154 = arith.index_cast %get3A_2153 : i32 to index
      %get3A_2155 = arith.constant 15 : index
      %get3A_2156 = tpu.vector_load %arg15[%get3A_2154, %get3A_2155] {strides = array<i32>} : memref<16x48xf32, #tpu.memory_space<vmem>>, vector<1x16xf32>,
      %get3A_2157 = vector.shape_cast %get3A_2156 : vector<1x16xf32> to vector<16xf32>
      %add3A_2158 = arith.addf %add3A_2146, %get3A_2157 : vector<16xf32>
      %eq3A_2159 = arith.constant 15 : i32
      %eq3A_2160 = vector.broadcast %eq3A_2159 : i32 to vector<16xi32>
      %eq3A_2161 = arith.cmpi eq, %iota3A, %eq3A_2160 : vector<16xi32>
      %select_n3A_2162 = arith.select %eq3A_2161, %add3A_2158, %select_n3A_2039 : vector<16xi1>, vector<16xf32>
      %mul3A_2163 = arith.constant 16 : i32
      %mul3A_2164 = arith.muli %scan3A_198, %mul3A_2163 : i32
      %swap3A_2165 = arith.index_cast %mul3A_2164 : i32 to index
      %swap3A_2166 = tpu.vector_load %arg14[%swap3A_2165] {strides = array<i32>} : memref<512xf32, #tpu.memory_space<vmem>>, vector<16xf32>,
      %swap3A_2167 = vector.shape_cast %swap3A_2166 : vector<16xf32> to vector<16xf32>
      %swap3A_2168 = vector.shape_cast %select_n3A_2162 : vector<16xf32> to vector<16xf32>
      tpu.vector_store %arg14[%swap3A_2165], %swap3A_2168 {strides = array<i32>} : memref<512xf32, #tpu.memory_space<vmem>>, vector<16xf32>,
    }
    %scan3A_197 = arith.constant 32 : i32
    "tpu.region"() ({
      %run_scoped3A = tpu.sem_alloc : memref<!tpu.dma_semaphore, #tpu.memory_space<semaphore_mem>>
      %dma_start3A_198 = tpu.memref_slice %arg7[%mul3A_2] : memref<16384xf32, #tpu.memory_space<hbm>> -> memref<512xf32, #tpu.memory_space<hbm>>
      %dma_start3A_199 = tpu.memref_slice %arg7[%mul3A_2] : memref<16384xf32, #tpu.memory_space<hbm>> -> memref<512xf32, #tpu.memory_space<hbm>>
      tpu.enqueue_dma source(%arg14 : memref<512xf32, #tpu.memory_space<vmem>>) target(%dma_start3A_199 : memref<512xf32, #tpu.memory_space<hbm>>) target_semaphore(%run_scoped3A : memref<!tpu.dma_semaphore, #tpu.memory_space<semaphore_mem>>)
      %dma_wait3A_200 = tpu.memref_slice %arg7[%mul3A_2] : memref<16384xf32, #tpu.memory_space<hbm>> -> memref<512xf32, #tpu.memory_space<hbm>>
      %dma_wait3A_201 = tpu.memref_slice %arg7[%mul3A_2] : memref<16384xf32, #tpu.memory_space<hbm>> -> memref<512xf32, #tpu.memory_space<hbm>>
      tpu.wait_dma2 semaphore(%run_scoped3A : memref<!tpu.dma_semaphore, #tpu.memory_space<semaphore_mem>>) src(%arg14 : memref<512xf32, #tpu.memory_space<vmem>>) dst(%dma_wait3A_201 : memref<512xf32, #tpu.memory_space<hbm>>)
      tpu.yield
    }) : () -> ()
    return
  }
}

</mosaic_0001>

<sc_bundles>
// kernel: kernel.3.cloned.1.call-start
scs
__scs_entry_jumppad:
0x0: {  	(pc) =	sbr.rel $0x88, $3  }
0x1: {  	(tag) =	ssettag $0x0;
	lr =	simm.s32 $0x1  }
0x2: {  	[smem:$0x3F9C] =	sst lr;
	_ =	strace $0xD0000000  }
0x3: {  	_ = 	snop  }
0x4: {  	_ = 	snop  }
0x5: {  	_ = 	snop  }
0x6: {  	_ = 	snop  }
0x7: {  	_ = 	snop  }
__scs_overlays_trampoline_lowered:
0x8: {  	[smem:$0x3FAB] =	sst s0  }
0x9: {  	[smem:$0x3FAC] =	sst s1  }
0xa: {  	[smem:$0x3FAD] =	sst s2  }
0xb: {  	[smem:$0x3FAE] =	sst s3  }
0xc: {  	[smem:$0x3FAF] =	sst s4  }
0xd: {  	[smem:$0x3FB0] =	sst s5  }
0xe: {  	[smem:$0x3FB1] =	sst s6  }
0xf: {  	[smem:$0x3FB2] =	sst s7  }
0x10: {  	[smem:$0x3FB3] =	sst s8  }
0x11: {  	[smem:$0x3FB4] =	sst s9;
	s0 =	simm.s32 @!p0 $0x0  }
0x12: {  	s1 =	sld [smem:$0x3F9A];
	s0 =	simm.s32 @p0 $0x1  }
0x13: {  	[smem:$0x3FB5] =	sst s0;
	s0 =	simm.s32 @!p1 $0x0  }
0x14: {  	s2 =	sld [smem:$0x3F99];
	s0 =	simm.s32 @p1 $0x1  }
0x15: {  	[smem:$0x3FB6] =	sst s0;
	s0 =	simm.s32 @!p2 $0x0  }
0x16: {  	s3 =	sld [smem:$0x3FDB];
	s0 =	simm.s32 @p2 $0x1  }
0x17: {  	s4 =	simm.s32 $0x1BF5;
	[smem:$0x3FB8] =	sst s0  }
0x18: {  	s0 =	sld [smem:$0x3F9B];
	_ =	swait.ge [sflag:s4], $0x0  }
0x19: {  	s7 =	sld [smem:$0x3F9C]  }
0x1a: {  	s8 =	sadd.s32 $0xFFFFE003, lr  }
0x1b: {  	s9 =	sadd.s32 $0xFFFFFEF7, lr;
	s5 =	simm.s32 $0xFFFFFFFF;
	p2 =	slt.u32 s8, $0xFFFFF086  }
0x1c: {  	p1 =	slt.u32 s9, $0xF7A;
	s5 =	simm.s32 @!p2 $0x0  }
0x1d: {  	s5 =	simm.s32 @p1 $0x1;
	p0 =	seq.s32 s7, s2  }
0x1e: {  	s7 =	smul.u32 @!p0 $0xF7A, s2;
	p2 =	seq.s32 @!p0 s5, $0x0  }
0x1f: {  	s9 =	smul.u32 $0xF7A, s1;
	s8 =	simm.s32 @!p0 $0x1BF5;
	p2 =	por !p2, p0  }
0x20: {  	[sflag:s8] =	ssyncset.s32 @!p0 $0xFFFFF086;
	s6 =	sadd.s32 @!p0 s3, s7;
	s7 =	simm.s32 @!p0 $0x108  }
0x21: {  	s3 =	sadd.s32 s3, s9;
	s6 =	sadd.s32 @!p0 $0x88, s6;
	s7 =	simm.s32 @p2 $0x1082  }
0x22: {  	[simem:s7], [sflag:s8] =	dma.local @!p0 [hbm:s6], $0xF7A  }
0x23: {  	s9 =	sor.u32 $0xD0000000, s2;
	s6 =	simm.s32 $0x108;
	_ =	swait.ge @!p0 [sflag:s8], $0x0  }
0x24: {  	s3 =	sadd.s32 $0x88, s3;
	s6 =	simm.s32 @!p1 $0x1082;
	[sflag:s4] =	ssyncset.s32 $0xFFFFF086  }
0x25: {  	[simem:s6], [sflag:s4] =	dma.local [hbm:s3], $0xF7A  }
0x26: {  	[smem:$0x3F9C] =	sst s1;
	(tag) =	ssettag s2;
	_ =	strace s9  }
0x27: {  	s1 =	sld [smem:$0x3FAC]  }
0x28: {  	s2 =	sld [smem:$0x3FAD]  }
0x29: {  	s4 =	sld [smem:$0x3FAF]  }
0x2a: {  	p0 =	seq.s32 s5, $0x0;
	s5 =	sld [smem:$0x3FB0]  }
0x2b: {  	s6 =	sld [smem:$0x3FB1]  }
0x2c: {  	s7 =	sld [smem:$0x3FB2]  }
0x2d: {  	s3 =	simm.s32 $0x108;
	s8 =	sld [smem:$0x3FB3]  }
0x2e: {  	s3 =	simm.s32 @!p0 $0x1082;
	s9 =	sld [smem:$0x3FB4]  }
0x2f: {  	lr =	sadd.s32 s0, s3;
	s0 =	sld [smem:$0x3FAB]  }
0x30: {  	s3 =	sld [smem:$0x3FAE]  }
0x31: {  	[smem:$0x3FB7] =	sst s10  }
0x32: {  	s10 =	sld [smem:$0x3FB5];
	_ =	sdelay $0x3  }
0x33: {  	p0 =	seq.s32 s10, $0x1;
	s10 =	sld [smem:$0x3FB7];
	_ =	sdelay $0x3  }
0x34: {  	[smem:$0x3FB7] =	sst s10  }
0x35: {  	s10 =	sld [smem:$0x3FB6];
	_ =	sdelay $0x3  }
0x36: {  	p1 =	seq.s32 s10, $0x1;
	s10 =	sld [smem:$0x3FB7];
	_ =	sdelay $0x3  }
0x37: {  	[smem:$0x3FB7] =	sst s10  }
0x38: {  	s10 =	sld [smem:$0x3FB8]  }
0x39: {  	_ = 	snop;
	(pc) =	sbr.ind lr, $3  }
0x3a: {  	_ = 	snop  }
0x3b: {  	_ = 	snop  }
0x3c: {  	p2 =	seq.s32 s10, $0x1;
	s10 =	sld [smem:$0x3FB7]  }
0x3d: {  	_ =	shalt  }
0x3e: {  	_ =	shalt  }
0x3f: {  	_ =	shalt  }
0x40: {  	_ =	shalt  }
0x41: {  	_ =	shalt  }
0x42: {  	_ =	shalt  }
0x43: {  	_ =	shalt  }
0x44: {  	_ =	shalt  }
0x45: {  	_ =	shalt  }
0x46: {  	_ =	shalt  }
0x47: {  	_ =	shalt  }
0x48: {  	_ =	shalt  }
0x49: {  	_ =	shalt  }
0x4a: {  	_ =	shalt  }
0x4b: {  	_ =	shalt  }
0x4c: {  	_ =	shalt  }
0x4d: {  	_ =	shalt  }
0x4e: {  	_ =	shalt  }
0x4f: {  	_ =	shalt  }
0x50: {  	_ =	shalt  }
0x51: {  	_ =	shalt  }
0x52: {  	_ =	shalt  }
0x53: {  	_ =	shalt  }
0x54: {  	_ =	shalt  }
0x55: {  	_ =	shalt  }
0x56: {  	_ =	shalt  }
0x57: {  	_ =	shalt  }
0x58: {  	_ =	shalt  }
0x59: {  	_ =	shalt  }
0x5a: {  	_ =	shalt  }
0x5b: {  	_ =	shalt  }
0x5c: {  	_ =	shalt  }
0x5d: {  	_ =	shalt  }
0x5e: {  	_ =	shalt  }
0x5f: {  	_ =	shalt  }
0x60: {  	_ =	shalt  }
0x61: {  	_ =	shalt  }
0x62: {  	_ =	shalt  }
0x63: {  	_ =	shalt  }
0x64: {  	_ =	shalt  }
0x65: {  	_ =	shalt  }
0x66: {  	_ =	shalt  }
0x67: {  	_ =	shalt  }
0x68: {  	_ =	shalt  }
0x69: {  	_ =	shalt  }
0x6a: {  	_ =	shalt  }
0x6b: {  	_ =	shalt  }
0x6c: {  	_ =	shalt  }
0x6d: {  	_ =	shalt  }
0x6e: {  	_ =	shalt  }
0x6f: {  	_ =	shalt  }
0x70: {  	_ =	shalt  }
0x71: {  	_ =	shalt  }
0x72: {  	_ =	shalt  }
0x73: {  	_ =	shalt  }
0x74: {  	_ =	shalt  }
0x75: {  	_ =	shalt  }
0x76: {  	_ =	shalt  }
0x77: {  	_ =	shalt  }
0x78: {  	_ =	shalt  }
0x79: {  	_ =	shalt  }
0x7a: {  	_ =	shalt  }
0x7b: {  	_ =	shalt  }
0x7c: {  	_ =	shalt  }
0x7d: {  	_ =	shalt  }
0x7e: {  	_ =	shalt  }
0x7f: {  	_ =	shalt  }
0x80: {  	_ =	shalt  }
0x81: {  	_ =	shalt  }
0x82: {  	_ =	shalt  }
0x83: {  	_ =	shalt  }
0x84: {  	_ =	shalt  }
0x85: {  	_ =	shalt  }
0x86: {  	_ =	shalt  }
0x87: {  	_ =	shalt  }
.Lfunc_end0:
.L_simem_size_0:
called_computation_lowered:
.L_overlay_start_0:
0x88: {  	s2 =	sld [smem:$0x3FD9]  }
0x89: {  	s3 =	sld [smem:$0x3FFE];
	_ =	sdelay $0x1  }
0x8a: {  	s1 =	srdreg.scid  }
0x8b: {  	s0 =	sand.u32 $0x1, s1  }
0x8c: {  	s17 =	sshll.u32 s0, $0xA;
	s2 =	sadd.s32 s3, s2  }
0x8d: {  	s2 =	sadd.s32 s2, s17  }
0x8e: {  	[smem:$0x3FC3] =	sst s2  }
0x8f: {  	_ = 	snop  }
0x90: {  	s2 =	sld [smem:$0x3FC9]  }
0x91: {  	s18 =	sld [smem:$0x3FC8]  }
0x92: {  	s4 =	sld [smem:$0x3FC7]  }
0x93: {  	s5 =	sld [smem:$0x3FD0];
	(tm) =	ssettm $0x1  }
0x94: {  	s6 =	sld [smem:$0x3FFB];
	_ =	sdelay $0x3  }
0x95: {  	_ =	strace s6  }
0x96: {  	s6 =	sld [smem:$0x3FFC];
	_ =	sdelay $0x3  }
0x97: {  	_ =	strace s6  }
0x98: {  	s6 =	sld [smem:$0x3FFD];
	_ =	sdelay $0x3  }
0x99: {  	_ =	strace s6  }
0x9a: {  	_ =	strace $0x8FFFFFFF  }
0x9b: {  	s19 =	sld [smem:$0x3FDB];
	_ =	sdelay $0x1  }
0x9c: {  	s7 =	simm.s32 $_scs_section_size  }
0x9d: {  	s8 =	simm.s32 $_size__tile_overlayer_lowered;
	s9 =	simm.s32 $_tile_overlayer_lowered  }
0x9e: {  	s22 =	simm.s32 $0x1BFF;
	s21 =	sshll.u32 s9, $0x1;
	s6 =	sadd.s32 s7, s19  }
0x9f: {  	s10 =	simm.s32 $0x0;
	s20 =	sshll.u32 s8, $0x1;
	s8 =	sadd.s32 s21, s6  }
0xa0: {  	[timem:s10], [sflag:s22] =	dma.local [hbm:s8], s20  }
0xa1: {  	_ =	swait.ge [sflag:s22], s20  }
0xa2: {  	s7 =	ssub.s32 $0x0, s20;
	[sflag:s22] =	ssyncset.done $0x0  }
0xa3: {  	[sflag:s22] =	ssyncadd.s32 s7;
	_ =	sdelay $0x1  }
0xa4: {  	s23 =	simm.s32 $0x1B8B  }
0xa5: {  	_ =	swait.ge [sflag:s23], $0x1  }
0xa6: {  	[sflag:s23] =	ssyncset.done $0x0  }
0xa7: {  	s25 =	simm.s32 $0x1B8E;
	s24 =	sld [smem:$0x3FFE];
	[sflag:s23] =	ssyncadd.s32 $0xFFFFFFFF  }
0xa8: {  	s26 =	simm.s32 $execute0_lowered;
	[smem:$0x3FD2] =	sst s25  }
0xa9: {  	s8 =	sshll.u32 s26, $0x1;
	_ =	strace $0x80000046;
	[dreg:$0x1] =	wrdreg $0xFFFFFFFF  }
0xaa: {  	s28 =	simm.s32 $_size_execute0_lowered;
	s6 =	sadd.s32 s6, s8;
	[dreg:$0x0] =	wrdreg $0x0  }
0xab: {  	s8 =	sshll.u32 s28, $0x1;
	[dreg:$0x2] =	wrdreg s6  }
0xac: {  	[dreg:$0x3] =	wrdreg s8  }
0xad: {  	[dreg:$0x4] =	wrdreg $0xC0  }
0xae: {  	_ =	task [dreg:s10], $0x5FFFF  }
0xaf: {  	[dreg:$0x1] =	wrdreg $0xFFFFFFFF  }
0xb0: {  	[dreg:$0x0] =	wrdreg $0x60  }
0xb1: {  	[dreg:$0x2] =	wrdreg s2  }
0xb2: {  	[dreg:$0x3] =	wrdreg s18  }
0xb3: {  	[dreg:$0x4] =	wrdreg s4  }
0xb4: {  	[dreg:$0x5] =	wrdreg s24  }
0xb5: {  	[dreg:$0x6] =	wrdreg s5  }
0xb6: {  	[dreg:$0x7] =	wrdreg $0x9  }
0xb7: {  	_ =	task.clear_ibuf [dreg:s10], $0x8FFFF;
	_ =	strace $0x90000046  }
0xb8: {  	s29 =	simm.s32 $0x9;
	_ =	strace $0x80000048  }
0xb9: {  	_ =	swait.ge [sflag:s29], $0x1  }
0xba: {  	[sflag:s29] =	ssyncadd.s32 $0xFFFFFFFF  }
0xbb: {  	_ =	strace $0x90000048  }
0xbc: {  	_ =	sfence  }
0xbd: {  	s30 =	sld [smem:$0x0];
	_ =	sdelay $0x2  }
0xbe: {  	s31 =	sshll.u32 s1, $0xD;
	s1 =	sshrl.u32 s1, $0x2  }
0xbf: {  	s3 =	sand.u32 $0x4000, s31;
	s1 =	sadd.s32 s1, s30  }
0xc0: {  	s0 =	sor.u32 s3, s0;
	s1 =	sshll.u32 s1, $0x11  }
0xc1: {  	s0 =	sor.u32 s1, s0  }
0xc2: {  	s0 =	sadd.s32 $0x8F2B, s0  }
0xc3: {  	[sflag:s0] =	ssyncadd.remote.s32 $0x1  }
0xc4: {  	_ =	sfence.sel $0xFFFF  }
0xc5: {  	[dreg:$0x0] =	wrdreg $0xFFFFFFFF;
	(pc) =	sbr.abs _section_cstart, $3  }
0xc6: {  	[dreg:$0x1] =	wrdreg $0xFFFFFFFF  }
0xc7: {  	_ =	task.clear_ibuf [dreg:s10], $0x2FFFF;
	_ =	strace $0x9FFFFFFF  }
0xc8: {  	(tm) =	ssettm $0x7FFFFFFF  }
0xc9: {  	_ =	shalt  }
tec
execute0_lowered:
.L_overlay_start_1:
0x0: {  	(tag) =	ssettag $0x1  }
0x1: {  	s0 =	rddreg [dreg:$0x0]  }
0x2: {  	s2 =	rddreg [dreg:$0x1]  }
0x3: {  	s7 =	rddreg [dreg:$0x2]  }
0x4: {  	s4 =	rddreg [dreg:$0x3]  }
0x5: {  	s8 =	rddreg [dreg:$0x4]  }
0x6: {  	s1 =	simm.s32 $0x0;
	s5 =	srdreg.scid;
	s9 =	stileid.u32  }
0x7: {  	s11 =	simm.s32 $0x200;
	s12 =	simm.s32 $0x400;
	s13 =	simm.s32 $0x80  }
0x8: {  	s21 =	simm.s32 $0x12600;
	s22 =	simm.s32 $0x100;
	s23 =	simm.s32 $0x4600  }
0x9: {  	s24 =	simm.s32 $0x300;
	s25 =	simm.s32 $0xC600;
	s26 =	simm.s32 $0x500  }
0xa: {  	s28 =	simm.s32 $0x14600;
	s29 =	simm.s32 $0x180;
	s30 =	simm.s32 $0x6600  }
0xb: {  	s31 =	simm.s32 $0x380;
	s14 =	simm.s32 $0x16600;
	s15 =	simm.s32 $0x1  }
0xc: {  	s16 =	simm.s32 $0x18600;
	s17 =	simm.s32 $0x0;
	[smem:$0x7FF] =	sst s1  }
0xd: {  	s3 =	sadd.s32 $0xF42A00, s4;
	s5 =	sand.u32 $0x1, s5;
	s9 =	sshll.u32 s9, $0x7  }
0xe: {  	vm0 =	vmmov $0x1;
	vm1 =	vmmov $0x3;
	vm2 =	vmmov $0x7;
	s4 =	sadd.s32 $0x600, s4;
	s6 =	ssub.s32 $0x2, s5;
	s5 =	sshll.u32 s5, $0x6  }
0xf: {  	vm3 =	vmmov $0xf;
	vm4 =	vmmov $0x1f;
	vm5 =	vmmov $0x3f;
	_ =	strace $0x80000047;
	s10 =	sshrl.u32 s6, $0x1;
	s9 =	sor.u32 s5, s9  }
0x10: {  	vm6 =	vmmov $0x7f;
	vm7 =	vmmov $0xff;
	vm8 =	vmmov $0x1ff;
	s10 =	ssub.s32 s6, s10;
	s5 =	sadd.s32 s0, s9;
	s6 =	sadd.s32 s2, s9  }
0x11: {  	vm9 =	vmmov $0x3ff;
	vm10 =	vmmov $0x7ff;
	vm11 =	vmmov $0xfff;
	s7 =	sadd.s32 s7, s9;
	s8 =	sadd.s32 s8, s9;
	s0 =	simm.s32 $0xE600  }
0x12: {  	vm12 =	vmmov $0x1fff;
	vm13 =	vmmov $0x3fff;
	vm14 =	vmmov $0x7fff;
	s2 =	simm.s32 $0x580;
	s9 =	smax.u32 s10, $0x1;
	s10 =	simm.s32 $0x2  }
.LBB2_1:
0x13: {  	[tilespmem:s1], [sflag:$0x2] =	stream.linear.gather [hbm4b:s5+s1], $0x200, $0x38;
	[tilespmem:$0x18B00] =	vst v63  }
0x14: {  	_ =	swait.ge [sflag:s10], $0x200  }
0x15: {  	[sflag:s10] =	ssyncset.done $0x0  }
0x16: {  	[sflag:s10] =	ssyncadd.s32 $0xFFFFFE00  }
0x17: {  	[tilespmem:s11], [sflag:$0x2] =	stream.linear.gather [hbm4b:s6+s1], $0x200, $0x38;
	[tilespmem:$0x18B00] =	vst v63  }
0x18: {  	_ =	swait.ge [sflag:s10], $0x200  }
0x19: {  	[sflag:s10] =	ssyncset.done $0x0  }
0x1a: {  	[sflag:s10] =	ssyncadd.s32 $0xFFFFFE00  }
0x1b: {  	[tilespmem:s12], [sflag:$0x2] =	stream.linear.gather [hbm4b:s7+s1], $0x200, $0x38;
	[tilespmem:$0x18B00] =	vst v63  }
0x1c: {  	_ =	swait.ge [sflag:s10], $0x200  }
0x1d: {  	[sflag:s10] =	ssyncset.done $0x0  }
0x1e: {  	s18 =	simm.s32 $0x600;
	[sflag:s10] =	ssyncadd.s32 $0xFFFFFE00  }
0x1f: {  	[tilespmem:s18], [sflag:$0x1] =	stream.indirect.gather [hbm4b:s3+s13], $0x40, s1, s13, $0xb8;
	[tilespmem:$0x18B00] =	vst v63  }
0x20: {  	s19 =	simm.s32 $0x8600  }
0x21: {  	[tilespmem:s19], [sflag:$0x1] =	stream.indirect.gather [hbm4b:s4+s13], $0x40, s11, s13, $0xb8;
	[tilespmem:$0x18B00] =	vst v63  }
0x22: {  	s20 =	simm.s32 $0x10600  }
0x23: {  	[tilespmem:s20], [sflag:$0x1] =	stream.indirect.gather [hbm4b:s3+s13], $0x40, s12, s13, $0xb8;
	[tilespmem:$0x18B00] =	vst v63  }
0x24: {  	s19 =	simm.s32 $0x2600  }
0x25: {  	[tilespmem:s19], [sflag:$0x1] =	stream.indirect.gather [hbm4b:s3+s13], $0x40, s13, s13, $0xb8;
	[tilespmem:$0x18B00] =	vst v63  }
0x26: {  	s20 =	simm.s32 $0x280;
	s19 =	simm.s32 $0xA600  }
0x27: {  	[tilespmem:s19], [sflag:$0x1] =	stream.indirect.gather [hbm4b:s4+s13], $0x40, s20, s13, $0xb8;
	[tilespmem:$0x18B00] =	vst v63  }
0x28: {  	s20 =	simm.s32 $0x480  }
0x29: {  	[tilespmem:s21], [sflag:$0x1] =	stream.indirect.gather [hbm4b:s3+s13], $0x40, s20, s13, $0xb8;
	[tilespmem:$0x18B00] =	vst v63  }
0x2a: {  	_ = 	snop  }
0x2b: {  	[tilespmem:s23], [sflag:$0x1] =	stream.indirect.gather [hbm4b:s3+s13], $0x40, s22, s13, $0xb8;
	[tilespmem:$0x18B00] =	vst v63  }
0x2c: {  	_ = 	snop  }
0x2d: {  	[tilespmem:s25], [sflag:$0x1] =	stream.indirect.gather [hbm4b:s4+s13], $0x40, s24, s13, $0xb8;
	[tilespmem:$0x18B00] =	vst v63  }
0x2e: {  	_ = 	snop  }
0x2f: {  	[tilespmem:s28], [sflag:$0x1] =	stream.indirect.gather [hbm4b:s3+s13], $0x40, s26, s13, $0xb8;
	[tilespmem:$0x18B00] =	vst v63  }
0x30: {  	_ = 	snop  }
0x31: {  	[tilespmem:s30], [sflag:$0x1] =	stream.indirect.gather [hbm4b:s3+s13], $0x40, s29, s13, $0xb8;
	[tilespmem:$0x18B00] =	vst v63  }
0x32: {  	_ = 	snop  }
0x33: {  	[tilespmem:s0], [sflag:$0x1] =	stream.indirect.gather [hbm4b:s4+s13], $0x40, s31, s13, $0xb8;
	[tilespmem:$0x18B00] =	vst v63  }
0x34: {  	_ = 	snop  }
0x35: {  	[tilespmem:s14], [sflag:$0x1] =	stream.indirect.gather [hbm4b:s3+s13], $0x40, s2, s13, $0xb8;
	[tilespmem:$0x18B00] =	vst v63  }
0x36: {  	_ =	swait.ge [sflag:s15], $0x2000  }
0x37: {  	[sflag:s15] =	ssyncset.done $0x0  }
0x38: {  	[sflag:s15] =	ssyncadd.s32 $0xFFFFE000  }
0x39: {  	_ =	swait.ge [sflag:s15], $0x2000  }
0x3a: {  	[sflag:s15] =	ssyncset.done $0x0  }
0x3b: {  	[sflag:s15] =	ssyncadd.s32 $0xFFFFE000  }
0x3c: {  	_ =	swait.ge [sflag:s15], $0x2000  }
0x3d: {  	[sflag:s15] =	ssyncset.done $0x0  }
0x3e: {  	[sflag:s15] =	ssyncadd.s32 $0xFFFFE000  }
0x3f: {  	_ =	swait.ge [sflag:s15], $0x2000  }
0x40: {  	[sflag:s15] =	ssyncset.done $0x0  }
0x41: {  	[sflag:s15] =	ssyncadd.s32 $0xFFFFE000  }
0x42: {  	_ =	swait.ge [sflag:s15], $0x2000  }
0x43: {  	[sflag:s15] =	ssyncset.done $0x0  }
0x44: {  	[sflag:s15] =	ssyncadd.s32 $0xFFFFE000  }
0x45: {  	_ =	swait.ge [sflag:s15], $0x2000  }
0x46: {  	[sflag:s15] =	ssyncset.done $0x0  }
0x47: {  	[sflag:s15] =	ssyncadd.s32 $0xFFFFE000  }
0x48: {  	_ =	swait.ge [sflag:s15], $0x2000  }
0x49: {  	[sflag:s15] =	ssyncset.done $0x0  }
0x4a: {  	[sflag:s15] =	ssyncadd.s32 $0xFFFFE000  }
0x4b: {  	_ =	swait.ge [sflag:s15], $0x2000  }
0x4c: {  	[sflag:s15] =	ssyncset.done $0x0  }
0x4d: {  	[sflag:s15] =	ssyncadd.s32 $0xFFFFE000  }
0x4e: {  	_ =	swait.ge [sflag:s15], $0x2000  }
0x4f: {  	[sflag:s15] =	ssyncset.done $0x0  }
0x50: {  	[sflag:s15] =	ssyncadd.s32 $0xFFFFE000  }
0x51: {  	_ =	swait.ge [sflag:s15], $0x2000  }
0x52: {  	[sflag:s15] =	ssyncset.done $0x0  }
0x53: {  	[sflag:s15] =	ssyncadd.s32 $0xFFFFE000  }
0x54: {  	_ =	swait.ge [sflag:s15], $0x2000  }
0x55: {  	[sflag:s15] =	ssyncset.done $0x0  }
0x56: {  	[sflag:s15] =	ssyncadd.s32 $0xFFFFE000  }
0x57: {  	_ =	swait.ge [sflag:s15], $0x2000  }
0x58: {  	[sflag:s15] =	ssyncset.done $0x0  }
0x59: {  	s18 =	simm.s32 $0x18600;
	s19 =	simm.s32 $0x0;
	[sflag:s15] =	ssyncadd.s32 $0xFFFFE000  }
.LBB2_2:
0x5a: {  	s20 =	sshra.s32 s19, $0x2  }
0x5b: {  	v0 =	vld [tilespmem:s20+$0x600]  }
0x5c: {  	v1 =	vld [tilespmem:s20+$0x610]  }
0x5d: {  	v2 =	vld [tilespmem:s20+$0x620]  }
0x5e: {  	v3 =	vld [tilespmem:s20+$0x630]  }
0x5f: {  	v4 =	vld [tilespmem:s20+$0x8600]  }
0x60: {  	v5 =	vld [tilespmem:s20+$0x8610]  }
0x61: {  	v6 =	vld [tilespmem:s20+$0x8620]  }
0x62: {  	v7 =	vld [tilespmem:s20+$0x8630];
	_ =	sdelay $0x2  }
0x63: {  	v8 =	vld [tilespmem:s20+$0x10600]  }
0x64: {  	v9 =	vld [tilespmem:s20+$0x10610];
	v10 =	vmul.f32 v4, v0;
	v11 =	vmul.f32 v6, v2  }
0x65: {  	v12 =	vmul.f32 v5, v1;
	v13 =	vmul.f32 v7, v3  }
0x66: {  	v14 =	vld [tilespmem:s20+$0x10620];
	v0 =	vmul.f32 v6, v0  }
0x67: {  	v2 =	vmul.f32 v4, v2;
	v10 =	vsub.f32 v10, v11;
	v25 =	vsub.f32 v12, v13  }
0x68: {  	v26 =	vld [tilespmem:s20+$0x10630];
	v1 =	vmul.f32 v7, v1;
	v3 =	vmul.f32 v5, v3  }
0x69: {  	v0 =	vadd.f32 v0, v2;
	v27 =	vmul.f32 v8, v10;
	v28 =	vmul.f32 v9, v25;
	_ =	sdelay $0x1  }
0x6a: {  	v1 =	vadd.f32 v1, v3;
	v0 =	vmul.f32 v14, v0;
	v2 =	vadd.f32 v28, v27;
	_ =	sdelay $0x1  }
0x6b: {  	v1 =	vmul.f32 v26, v1;
	v0 =	vadd.f32 v0, v2;
	_ =	sdelay $0x1  }
0x6c: {  	v0 =	vadd.f32 v1, v0;
	_ =	sdelay $0x1  }
0x6d: {  	[tilespmem:$0x18810] =	vst v0  }
0x6e: {  	v29 =	vld [tilespmem:$0x18818];
	_ =	sdelay $0x4  }
0x6f: {  	v0 =	vadd.f32 v29, v0;
	_ =	sdelay $0x1  }
0x70: {  	[tilespmem:$0x18810] =	vst v0  }
0x71: {  	v30 =	vld [tilespmem:$0x18814];
	_ =	sdelay $0x4  }
0x72: {  	v0 =	vadd.f32 v30, v0;
	_ =	sdelay $0x1  }
0x73: {  	[tilespmem:$0x18810] =	vst v0  }
0x74: {  	v31 =	vld [tilespmem:$0x18812];
	_ =	sdelay $0x4  }
0x75: {  	v0 =	vadd.f32 v31, v0;
	_ =	sdelay $0x1  }
0x76: {  	[tilespmem:$0x18810] =	vst v0  }
0x77: {  	v32 =	vld [tilespmem:s20+$0x640]  }
0x78: {  	v33 =	vld [tilespmem:s20+$0x650]  }
0x79: {  	v34 =	vld [tilespmem:s20+$0x660]  }
0x7a: {  	v35 =	vld [tilespmem:s20+$0x670]  }
0x7b: {  	v36 =	vld [tilespmem:s20+$0x8640]  }
0x7c: {  	v37 =	vld [tilespmem:s20+$0x8650]  }
0x7d: {  	v38 =	vld [tilespmem:s20+$0x8660]  }
0x7e: {  	v39 =	vld [tilespmem:s20+$0x8670];
	_ =	sdelay $0x2  }
0x7f: {  	v40 =	vld [tilespmem:s20+$0x10640]  }
0x80: {  	v41 =	vld [tilespmem:s20+$0x10650];
	v42 =	vmul.f32 v36, v32;
	v43 =	vmul.f32 v38, v34  }
0x81: {  	v44 =	vmul.f32 v37, v33;
	v45 =	vmul.f32 v39, v35  }
0x82: {  	v15 =	vld [tilespmem:s20+$0x10660];
	v1 =	vmul.f32 v38, v32  }
0x83: {  	v3 =	vmul.f32 v36, v34;
	v11 =	vsub.f32 v42, v43;
	v46 =	vsub.f32 v44, v45  }
0x84: {  	v47 =	vld [tilespmem:s20+$0x10670];
	v2 =	vmul.f32 v39, v33;
	v4 =	vmul.f32 v37, v35  }
0x85: {  	v1 =	vadd.f32 v1, v3;
	v48 =	vmul.f32 v40, v11;
	v49 =	vmul.f32 v41, v46;
	_ =	sdelay $0x1  }
0x86: {  	v2 =	vadd.f32 v2, v4;
	v1 =	vmul.f32 v15, v1;
	v3 =	vadd.f32 v49, v48;
	_ =	sdelay $0x1  }
0x87: {  	v2 =	vmul.f32 v47, v2;
	v1 =	vadd.f32 v1, v3;
	_ =	sdelay $0x1  }
0x88: {  	v1 =	vadd.f32 v2, v1;
	_ =	sdelay $0x1  }
0x89: {  	[tilespmem:$0x18840] =	vst v1  }
0x8a: {  	v50 =	vld [tilespmem:$0x18848];
	_ =	sdelay $0x4  }
0x8b: {  	v1 =	vadd.f32 v50, v1;
	_ =	sdelay $0x1  }
0x8c: {  	[tilespmem:$0x18840] =	vst v1  }
0x8d: {  	v51 =	vld [tilespmem:$0x18844];
	_ =	sdelay $0x4  }
0x8e: {  	v1 =	vadd.f32 v51, v1;
	_ =	sdelay $0x1  }
0x8f: {  	[tilespmem:$0x18840] =	vst v1  }
0x90: {  	v52 =	vld [tilespmem:$0x18842];
	_ =	sdelay $0x4  }
0x91: {  	v1 =	vadd.f32 v52, v1;
	_ =	sdelay $0x1  }
0x92: {  	[tilespmem:$0x18840] =	vst v1  }
0x93: {  	v53 =	vld [tilespmem:s20+$0x680]  }
0x94: {  	v54 =	vld [tilespmem:s20+$0x690]  }
0x95: {  	v55 =	vld [tilespmem:s20+$0x6A0]  }
0x96: {  	v56 =	vld [tilespmem:s20+$0x6B0]  }
0x97: {  	v57 =	vld [tilespmem:s20+$0x8680]  }
0x98: {  	v58 =	vld [tilespmem:s20+$0x8690]  }
0x99: {  	v59 =	vld [tilespmem:s20+$0x86A0]  }
0x9a: {  	v60 =	vld [tilespmem:s20+$0x86B0];
	_ =	sdelay $0x2  }
0x9b: {  	v61 =	vld [tilespmem:s20+$0x10680]  }
0x9c: {  	v62 =	vld [tilespmem:s20+$0x10690];
	v63 =	vmul.f32 v57, v53;
	v20 =	vmul.f32 v59, v55  }
0x9d: {  	v21 =	vmul.f32 v58, v54;
	v22 =	vmul.f32 v60, v56  }
0x9e: {  	v16 =	vld [tilespmem:s20+$0x106A0];
	v2 =	vmul.f32 v59, v53  }
0x9f: {  	v4 =	vmul.f32 v57, v55;
	v12 =	vsub.f32 v63, v20;
	v23 =	vsub.f32 v21, v22  }
0xa0: {  	v24 =	vld [tilespmem:s20+$0x106B0];
	v3 =	vmul.f32 v60, v54;
	v5 =	vmul.f32 v58, v56  }
0xa1: {  	v2 =	vadd.f32 v2, v4;
	v25 =	vmul.f32 v61, v12;
	v26 =	vmul.f32 v62, v23;
	_ =	sdelay $0x1  }
0xa2: {  	v3 =	vadd.f32 v3, v5;
	v2 =	vmul.f32 v16, v2;
	v4 =	vadd.f32 v26, v25;
	_ =	sdelay $0x1  }
0xa3: {  	v3 =	vmul.f32 v24, v3;
	v2 =	vadd.f32 v2, v4;
	_ =	sdelay $0x1  }
0xa4: {  	v2 =	vadd.f32 v3, v2;
	_ =	sdelay $0x1  }
0xa5: {  	[tilespmem:$0x18870] =	vst v2  }
0xa6: {  	v27 =	vld [tilespmem:$0x18878];
	_ =	sdelay $0x4  }
0xa7: {  	v2 =	vadd.f32 v27, v2;
	_ =	sdelay $0x1  }
0xa8: {  	[tilespmem:$0x18870] =	vst v2  }
0xa9: {  	v28 =	vld [tilespmem:$0x18874];
	_ =	sdelay $0x4  }
0xaa: {  	v2 =	vadd.f32 v28, v2;
	_ =	sdelay $0x1  }
0xab: {  	[tilespmem:$0x18870] =	vst v2  }
0xac: {  	v29 =	vld [tilespmem:$0x1886E];
	_ =	sdelay $0x4  }
0xad: {  	v2 =	vadd.f32 v29, v2;
	_ =	sdelay $0x1  }
0xae: {  	[tilespmem:$0x18870] =	vst v2  }
0xaf: {  	v30 =	vld [tilespmem:s20+$0x6C0]  }
0xb0: {  	v31 =	vld [tilespmem:s20+$0x6D0]  }
0xb1: {  	v32 =	vld [tilespmem:s20+$0x6E0]  }
0xb2: {  	v33 =	vld [tilespmem:s20+$0x6F0]  }
0xb3: {  	v34 =	vld [tilespmem:s20+$0x86C0]  }
0xb4: {  	v35 =	vld [tilespmem:s20+$0x86D0]  }
0xb5: {  	v36 =	vld [tilespmem:s20+$0x86E0]  }
0xb6: {  	v37 =	vld [tilespmem:s20+$0x86F0];
	_ =	sdelay $0x2  }
0xb7: {  	v38 =	vld [tilespmem:s20+$0x106C0]  }
0xb8: {  	v39 =	vld [tilespmem:s20+$0x106D0];
	v40 =	vmul.f32 v34, v30;
	v41 =	vmul.f32 v36, v32  }
0xb9: {  	v42 =	vmul.f32 v35, v31;
	v43 =	vmul.f32 v37, v33  }
0xba: {  	v17 =	vld [tilespmem:s20+$0x106E0];
	v3 =	vmul.f32 v36, v30  }
0xbb: {  	v5 =	vmul.f32 v34, v32;
	v13 =	vsub.f32 v40, v41;
	v44 =	vsub.f32 v42, v43  }
0xbc: {  	v45 =	vld [tilespmem:s20+$0x106F0];
	v4 =	vmul.f32 v37, v31;
	v6 =	vmul.f32 v35, v33  }
0xbd: {  	v3 =	vadd.f32 v3, v5;
	v46 =	vmul.f32 v38, v13;
	v47 =	vmul.f32 v39, v44;
	_ =	sdelay $0x1  }
0xbe: {  	v4 =	vadd.f32 v4, v6;
	v3 =	vmul.f32 v17, v3;
	v5 =	vadd.f32 v47, v46;
	_ =	sdelay $0x1  }
0xbf: {  	v4 =	vmul.f32 v45, v4;
	v3 =	vadd.f32 v3, v5;
	_ =	sdelay $0x1  }
0xc0: {  	v3 =	vadd.f32 v4, v3;
	_ =	sdelay $0x1  }
0xc1: {  	[tilespmem:$0x188A0] =	vst v3  }
0xc2: {  	v48 =	vld [tilespmem:$0x188A8];
	_ =	sdelay $0x4  }
0xc3: {  	v3 =	vadd.f32 v48, v3;
	_ =	sdelay $0x1  }
0xc4: {  	[tilespmem:$0x188A0] =	vst v3  }
0xc5: {  	v49 =	vld [tilespmem:$0x188A4];
	_ =	sdelay $0x4  }
0xc6: {  	v3 =	vadd.f32 v49, v3;
	_ =	sdelay $0x1  }
0xc7: {  	[tilespmem:$0x188A0] =	vst v3  }
0xc8: {  	v50 =	vld [tilespmem:$0x1889E];
	_ =	sdelay $0x4  }
0xc9: {  	v3 =	vadd.f32 v50, v3;
	_ =	sdelay $0x1  }
0xca: {  	[tilespmem:$0x188A0] =	vst v3  }
0xcb: {  	v51 =	vld [tilespmem:s20+$0x700]  }
0xcc: {  	v52 =	vld [tilespmem:s20+$0x710]  }
0xcd: {  	v53 =	vld [tilespmem:s20+$0x720]  }
0xce: {  	v54 =	vld [tilespmem:s20+$0x730]  }
0xcf: {  	v55 =	vld [tilespmem:s20+$0x8700]  }
0xd0: {  	v56 =	vld [tilespmem:s20+$0x8710]  }
0xd1: {  	v57 =	vld [tilespmem:s20+$0x8720]  }
0xd2: {  	v58 =	vld [tilespmem:s20+$0x8730];
	_ =	sdelay $0x2  }
0xd3: {  	v59 =	vld [tilespmem:s20+$0x10700]  }
0xd4: {  	v60 =	vld [tilespmem:s20+$0x10710];
	v61 =	vmul.f32 v55, v51;
	v62 =	vmul.f32 v57, v53  }
0xd5: {  	v63 =	vmul.f32 v56, v52;
	v21 =	vmul.f32 v58, v54  }
0xd6: {  	v18 =	vld [tilespmem:s20+$0x10720];
	v4 =	vmul.f32 v57, v51  }
0xd7: {  	v6 =	vmul.f32 v55, v53;
	v14 =	vsub.f32 v61, v62;
	v22 =	vsub.f32 v63, v21  }
0xd8: {  	v23 =	vld [tilespmem:s20+$0x10730];
	v5 =	vmul.f32 v58, v52;
	v7 =	vmul.f32 v56, v54  }
0xd9: {  	v4 =	vadd.f32 v4, v6;
	v24 =	vmul.f32 v59, v14;
	v25 =	vmul.f32 v60, v22;
	_ =	sdelay $0x1  }
0xda: {  	v5 =	vadd.f32 v5, v7;
	v4 =	vmul.f32 v18, v4;
	v6 =	vadd.f32 v25, v24;
	_ =	sdelay $0x1  }
0xdb: {  	v5 =	vmul.f32 v23, v5;
	v4 =	vadd.f32 v4, v6;
	_ =	sdelay $0x1  }
0xdc: {  	v4 =	vadd.f32 v5, v4;
	_ =	sdelay $0x1  }
0xdd: {  	[tilespmem:$0x188D0] =	vst v4  }
0xde: {  	v26 =	vld [tilespmem:$0x188D8];
	_ =	sdelay $0x4  }
0xdf: {  	v4 =	vadd.f32 v26, v4;
	_ =	sdelay $0x1  }
0xe0: {  	[tilespmem:$0x188D0] =	vst v4  }
0xe1: {  	v27 =	vld [tilespmem:$0x188CC];
	_ =	sdelay $0x4  }
0xe2: {  	v4 =	vadd.f32 v27, v4;
	_ =	sdelay $0x1  }
0xe3: {  	[tilespmem:$0x188D0] =	vst v4  }
0xe4: {  	v28 =	vld [tilespmem:$0x188D2];
	_ =	sdelay $0x4  }
0xe5: {  	v4 =	vadd.f32 v28, v4;
	_ =	sdelay $0x1  }
0xe6: {  	[tilespmem:$0x188D0] =	vst v4  }
0xe7: {  	v29 =	vld [tilespmem:s20+$0x740]  }
0xe8: {  	v30 =	vld [tilespmem:s20+$0x750]  }
0xe9: {  	v31 =	vld [tilespmem:s20+$0x760]  }
0xea: {  	v32 =	vld [tilespmem:s20+$0x770]  }
0xeb: {  	v33 =	vld [tilespmem:s20+$0x8740]  }
0xec: {  	v34 =	vld [tilespmem:s20+$0x8750]  }
0xed: {  	v35 =	vld [tilespmem:s20+$0x8760]  }
0xee: {  	v36 =	vld [tilespmem:s20+$0x8770];
	_ =	sdelay $0x2  }
0xef: {  	v37 =	vld [tilespmem:s20+$0x10740]  }
0xf0: {  	v38 =	vld [tilespmem:s20+$0x10750];
	v39 =	vmul.f32 v33, v29;
	v40 =	vmul.f32 v35, v31  }
0xf1: {  	v41 =	vmul.f32 v34, v30;
	v42 =	vmul.f32 v36, v32  }
0xf2: {  	v19 =	vld [tilespmem:s20+$0x10760];
	v5 =	vmul.f32 v35, v29  }
0xf3: {  	v7 =	vmul.f32 v33, v31;
	v15 =	vsub.f32 v39, v40;
	v43 =	vsub.f32 v41, v42  }
0xf4: {  	v44 =	vld [tilespmem:s20+$0x10770];
	v6 =	vmul.f32 v36, v30;
	v8 =	vmul.f32 v34, v32  }
0xf5: {  	v5 =	vadd.f32 v5, v7;
	v45 =	vmul.f32 v37, v15;
	v46 =	vmul.f32 v38, v43;
	_ =	sdelay $0x1  }
0xf6: {  	v6 =	vadd.f32 v6, v8;
	v5 =	vmul.f32 v19, v5;
	v7 =	vadd.f32 v46, v45;
	_ =	sdelay $0x1  }
0xf7: {  	v6 =	vmul.f32 v44, v6;
	v5 =	vadd.f32 v5, v7;
	_ =	sdelay $0x1  }
0xf8: {  	v5 =	vadd.f32 v6, v5;
	_ =	sdelay $0x1  }
0xf9: {  	[tilespmem:$0x18900] =	vst v5  }
0xfa: {  	v47 =	vld [tilespmem:$0x18908];
	_ =	sdelay $0x4  }
0xfb: {  	v5 =	vadd.f32 v47, v5;
	_ =	sdelay $0x1  }
0xfc: {  	[tilespmem:$0x18900] =	vst v5  }
0xfd: {  	v48 =	vld [tilespmem:$0x188FC];
	_ =	sdelay $0x4  }
0xfe: {  	v5 =	vadd.f32 v48, v5;
	_ =	sdelay $0x1  }
0xff: {  	[tilespmem:$0x18900] =	vst v5  }
0x100: {  	v49 =	vld [tilespmem:$0x18902];
	_ =	sdelay $0x4  }
0x101: {  	v5 =	vadd.f32 v49, v5;
	_ =	sdelay $0x1  }
0x102: {  	[tilespmem:$0x18900] =	vst v5  }
0x103: {  	v50 =	vld [tilespmem:s20+$0x780]  }
0x104: {  	v51 =	vld [tilespmem:s20+$0x790]  }
0x105: {  	v52 =	vld [tilespmem:s20+$0x7A0]  }
0x106: {  	v53 =	vld [tilespmem:s20+$0x7B0]  }
0x107: {  	v54 =	vld [tilespmem:s20+$0x8780]  }
0x108: {  	v55 =	vld [tilespmem:s20+$0x8790]  }
0x109: {  	v56 =	vld [tilespmem:s20+$0x87A0]  }
0x10a: {  	v57 =	vld [tilespmem:s20+$0x87B0];
	_ =	sdelay $0x2  }
0x10b: {  	v58 =	vld [tilespmem:s20+$0x10780]  }
0x10c: {  	v59 =	vld [tilespmem:s20+$0x10790];
	v60 =	vmul.f32 v54, v50;
	v61 =	vmul.f32 v56, v52  }
0x10d: {  	v62 =	vmul.f32 v55, v51;
	v63 =	vmul.f32 v57, v53  }
0x10e: {  	v20 =	vld [tilespmem:s20+$0x107A0];
	v6 =	vmul.f32 v56, v50  }
0x10f: {  	v8 =	vmul.f32 v54, v52;
	v16 =	vsub.f32 v60, v61;
	v22 =	vsub.f32 v62, v63  }
0x110: {  	v23 =	vld [tilespmem:s20+$0x107B0];
	v7 =	vmul.f32 v57, v51;
	v9 =	vmul.f32 v55, v53  }
0x111: {  	v6 =	vadd.f32 v6, v8;
	v24 =	vmul.f32 v58, v16;
	v25 =	vmul.f32 v59, v22;
	_ =	sdelay $0x1  }
0x112: {  	v7 =	vadd.f32 v7, v9;
	v6 =	vmul.f32 v20, v6;
	v8 =	vadd.f32 v25, v24;
	_ =	sdelay $0x1  }
0x113: {  	v7 =	vmul.f32 v23, v7;
	v6 =	vadd.f32 v6, v8;
	_ =	sdelay $0x1  }
0x114: {  	v6 =	vadd.f32 v7, v6;
	_ =	sdelay $0x1  }
0x115: {  	[tilespmem:$0x18930] =	vst v6  }
0x116: {  	v26 =	vld [tilespmem:$0x18938];
	_ =	sdelay $0x4  }
0x117: {  	v6 =	vadd.f32 v26, v6;
	_ =	sdelay $0x1  }
0x118: {  	[tilespmem:$0x18930] =	vst v6  }
0x119: {  	v27 =	vld [tilespmem:$0x1892C];
	_ =	sdelay $0x4  }
0x11a: {  	v6 =	vadd.f32 v27, v6;
	_ =	sdelay $0x1  }
0x11b: {  	[tilespmem:$0x18930] =	vst v6  }
0x11c: {  	v28 =	vld [tilespmem:$0x1892E];
	_ =	sdelay $0x4  }
0x11d: {  	v6 =	vadd.f32 v28, v6;
	_ =	sdelay $0x1  }
0x11e: {  	[tilespmem:$0x18930] =	vst v6  }
0x11f: {  	v29 =	vld [tilespmem:s20+$0x7C0]  }
0x120: {  	v30 =	vld [tilespmem:s20+$0x7D0]  }
0x121: {  	v31 =	vld [tilespmem:s20+$0x7E0]  }
0x122: {  	v32 =	vld [tilespmem:s20+$0x7F0]  }
0x123: {  	v33 =	vld [tilespmem:s20+$0x87C0]  }
0x124: {  	v34 =	vld [tilespmem:s20+$0x87D0]  }
0x125: {  	v35 =	vld [tilespmem:s20+$0x87E0]  }
0x126: {  	v36 =	vld [tilespmem:s20+$0x87F0];
	_ =	sdelay $0x2  }
0x127: {  	v37 =	vld [tilespmem:s20+$0x107C0]  }
0x128: {  	v38 =	vld [tilespmem:s20+$0x107D0];
	v39 =	vmul.f32 v33, v29;
	v40 =	vmul.f32 v35, v31  }
0x129: {  	v41 =	vmul.f32 v34, v30;
	v42 =	vmul.f32 v36, v32  }
0x12a: {  	v21 =	vld [tilespmem:s20+$0x107E0];
	v7 =	vmul.f32 v35, v29  }
0x12b: {  	v9 =	vmul.f32 v33, v31;
	v17 =	vsub.f32 v39, v40;
	v43 =	vsub.f32 v41, v42  }
0x12c: {  	v44 =	vld [tilespmem:s20+$0x107F0];
	v8 =	vmul.f32 v36, v30;
	v10 =	vmul.f32 v34, v32  }
0x12d: {  	v7 =	vadd.f32 v7, v9;
	v45 =	vmul.f32 v37, v17;
	v46 =	vmul.f32 v38, v43;
	_ =	sdelay $0x1  }
0x12e: {  	v8 =	vadd.f32 v8, v10;
	v7 =	vmul.f32 v21, v7;
	v9 =	vadd.f32 v46, v45;
	_ =	sdelay $0x1  }
0x12f: {  	v8 =	vmul.f32 v44, v8;
	v7 =	vadd.f32 v7, v9;
	_ =	sdelay $0x1  }
0x130: {  	v7 =	vadd.f32 v8, v7;
	_ =	sdelay $0x1  }
0x131: {  	[tilespmem:$0x18960] =	vst v7  }
0x132: {  	v47 =	vld [tilespmem:$0x18968];
	_ =	sdelay $0x4  }
0x133: {  	v7 =	vadd.f32 v47, v7;
	_ =	sdelay $0x1  }
0x134: {  	[tilespmem:$0x18960] =	vst v7  }
0x135: {  	v48 =	vld [tilespmem:$0x1895C];
	_ =	sdelay $0x4  }
0x136: {  	v7 =	vadd.f32 v48, v7;
	_ =	sdelay $0x1  }
0x137: {  	[tilespmem:$0x18960] =	vst v7  }
0x138: {  	v49 =	vld [tilespmem:$0x1895E];
	_ =	sdelay $0x4  }
0x139: {  	v7 =	vadd.f32 v49, v7;
	_ =	sdelay $0x1  }
0x13a: {  	[tilespmem:$0x18960] =	vst v7  }
0x13b: {  	v50 =	vld [tilespmem:s20+$0x800]  }
0x13c: {  	v51 =	vld [tilespmem:s20+$0x810]  }
0x13d: {  	v52 =	vld [tilespmem:s20+$0x820]  }
0x13e: {  	v53 =	vld [tilespmem:s20+$0x830]  }
0x13f: {  	v54 =	vld [tilespmem:s20+$0x8800]  }
0x140: {  	v55 =	vld [tilespmem:s20+$0x8810]  }
0x141: {  	v56 =	vld [tilespmem:s20+$0x8820]  }
0x142: {  	v57 =	vld [tilespmem:s20+$0x8830];
	_ =	sdelay $0x2  }
0x143: {  	v58 =	vld [tilespmem:s20+$0x10800]  }
0x144: {  	v59 =	vld [tilespmem:s20+$0x10810];
	v60 =	vmul.f32 v54, v50;
	v61 =	vmul.f32 v56, v52  }
0x145: {  	v62 =	vmul.f32 v55, v51;
	v63 =	vmul.f32 v57, v53  }
0x146: {  	v22 =	vld [tilespmem:s20+$0x10820];
	v8 =	vmul.f32 v56, v50  }
0x147: {  	v10 =	vmul.f32 v54, v52;
	v18 =	vsub.f32 v60, v61;
	v21 =	vsub.f32 v62, v63  }
0x148: {  	v23 =	vld [tilespmem:s20+$0x10830];
	v9 =	vmul.f32 v57, v51;
	v11 =	vmul.f32 v55, v53  }
0x149: {  	v8 =	vadd.f32 v8, v10;
	v24 =	vmul.f32 v58, v18;
	v25 =	vmul.f32 v59, v21;
	_ =	sdelay $0x1  }
0x14a: {  	v9 =	vadd.f32 v9, v11;
	v8 =	vmul.f32 v22, v8;
	v10 =	vadd.f32 v25, v24;
	_ =	sdelay $0x1  }
0x14b: {  	v9 =	vmul.f32 v23, v9;
	v8 =	vadd.f32 v8, v10;
	_ =	sdelay $0x1  }
0x14c: {  	v8 =	vadd.f32 v9, v8;
	_ =	sdelay $0x1  }
0x14d: {  	[tilespmem:$0x18990] =	vst v8  }
0x14e: {  	v26 =	vld [tilespmem:$0x18988];
	_ =	sdelay $0x4  }
0x14f: {  	v8 =	vadd.f32 v26, v8;
	_ =	sdelay $0x1  }
0x150: {  	[tilespmem:$0x18990] =	vst v8  }
0x151: {  	v27 =	vld [tilespmem:$0x18994];
	_ =	sdelay $0x4  }
0x152: {  	v8 =	vadd.f32 v27, v8;
	_ =	sdelay $0x1  }
0x153: {  	[tilespmem:$0x18990] =	vst v8  }
0x154: {  	v28 =	vld [tilespmem:$0x18992];
	_ =	sdelay $0x4  }
0x155: {  	v8 =	vadd.f32 v28, v8;
	_ =	sdelay $0x1  }
0x156: {  	[tilespmem:$0x18990] =	vst v8  }
0x157: {  	v29 =	vld [tilespmem:s20+$0x840]  }
0x158: {  	v30 =	vld [tilespmem:s20+$0x850]  }
0x159: {  	v31 =	vld [tilespmem:s20+$0x860]  }
0x15a: {  	v32 =	vld [tilespmem:s20+$0x870]  }
0x15b: {  	v33 =	vld [tilespmem:s20+$0x8840]  }
0x15c: {  	v34 =	vld [tilespmem:s20+$0x8850]  }
0x15d: {  	v35 =	vld [tilespmem:s20+$0x8860]  }
0x15e: {  	v36 =	vld [tilespmem:s20+$0x8870];
	_ =	sdelay $0x2  }
0x15f: {  	v37 =	vld [tilespmem:s20+$0x10840]  }
0x160: {  	v38 =	vld [tilespmem:s20+$0x10850];
	v39 =	vmul.f32 v33, v29;
	v40 =	vmul.f32 v35, v31  }
0x161: {  	v41 =	vmul.f32 v34, v30;
	v42 =	vmul.f32 v36, v32  }
0x162: {  	v23 =	vld [tilespmem:s20+$0x10860];
	v9 =	vmul.f32 v35, v29  }
0x163: {  	v11 =	vmul.f32 v33, v31;
	v19 =	vsub.f32 v39, v40;
	v43 =	vsub.f32 v41, v42  }
0x164: {  	v44 =	vld [tilespmem:s20+$0x10870];
	v10 =	vmul.f32 v36, v30;
	v12 =	vmul.f32 v34, v32  }
0x165: {  	v9 =	vadd.f32 v9, v11;
	v45 =	vmul.f32 v37, v19;
	v46 =	vmul.f32 v38, v43;
	_ =	sdelay $0x1  }
0x166: {  	v10 =	vadd.f32 v10, v12;
	v9 =	vmul.f32 v23, v9;
	v11 =	vadd.f32 v46, v45;
	_ =	sdelay $0x1  }
0x167: {  	v10 =	vmul.f32 v44, v10;
	v9 =	vadd.f32 v9, v11;
	_ =	sdelay $0x1  }
0x168: {  	v9 =	vadd.f32 v10, v9;
	_ =	sdelay $0x1  }
0x169: {  	[tilespmem:$0x189C0] =	vst v9  }
0x16a: {  	v47 =	vld [tilespmem:$0x189B8];
	_ =	sdelay $0x4  }
0x16b: {  	v9 =	vadd.f32 v47, v9;
	_ =	sdelay $0x1  }
0x16c: {  	[tilespmem:$0x189C0] =	vst v9  }
0x16d: {  	v48 =	vld [tilespmem:$0x189C4];
	_ =	sdelay $0x4  }
0x16e: {  	v9 =	vadd.f32 v48, v9;
	_ =	sdelay $0x1  }
0x16f: {  	[tilespmem:$0x189C0] =	vst v9  }
0x170: {  	v49 =	vld [tilespmem:$0x189C2];
	_ =	sdelay $0x4  }
0x171: {  	v9 =	vadd.f32 v49, v9;
	_ =	sdelay $0x1  }
0x172: {  	[tilespmem:$0x189C0] =	vst v9  }
0x173: {  	v50 =	vld [tilespmem:s20+$0x880]  }
0x174: {  	v51 =	vld [tilespmem:s20+$0x890]  }
0x175: {  	v52 =	vld [tilespmem:s20+$0x8A0]  }
0x176: {  	v53 =	vld [tilespmem:s20+$0x8B0]  }
0x177: {  	v54 =	vld [tilespmem:s20+$0x8880]  }
0x178: {  	v55 =	vld [tilespmem:s20+$0x8890]  }
0x179: {  	v56 =	vld [tilespmem:s20+$0x88A0]  }
0x17a: {  	v57 =	vld [tilespmem:s20+$0x88B0];
	_ =	sdelay $0x2  }
0x17b: {  	v58 =	vld [tilespmem:s20+$0x10880]  }
0x17c: {  	v59 =	vld [tilespmem:s20+$0x10890];
	v60 =	vmul.f32 v54, v50;
	v61 =	vmul.f32 v56, v52  }
0x17d: {  	v62 =	vmul.f32 v55, v51;
	v63 =	vmul.f32 v57, v53  }
0x17e: {  	v24 =	vld [tilespmem:s20+$0x108A0];
	v10 =	vmul.f32 v56, v50  }
0x17f: {  	v12 =	vmul.f32 v54, v52;
	v20 =	vsub.f32 v60, v61;
	v26 =	vsub.f32 v62, v63  }
0x180: {  	v27 =	vld [tilespmem:s20+$0x108B0];
	v11 =	vmul.f32 v57, v51;
	v13 =	vmul.f32 v55, v53  }
0x181: {  	v10 =	vadd.f32 v10, v12;
	v28 =	vmul.f32 v58, v20;
	v29 =	vmul.f32 v59, v26;
	_ =	sdelay $0x1  }
0x182: {  	v11 =	vadd.f32 v11, v13;
	v10 =	vmul.f32 v24, v10;
	v12 =	vadd.f32 v29, v28;
	_ =	sdelay $0x1  }
0x183: {  	v11 =	vmul.f32 v27, v11;
	v10 =	vadd.f32 v10, v12;
	_ =	sdelay $0x1  }
0x184: {  	v10 =	vadd.f32 v11, v10;
	_ =	sdelay $0x1  }
0x185: {  	[tilespmem:$0x189F0] =	vst v10  }
0x186: {  	v30 =	vld [tilespmem:$0x189E8];
	_ =	sdelay $0x4  }
0x187: {  	v10 =	vadd.f32 v30, v10;
	_ =	sdelay $0x1  }
0x188: {  	[tilespmem:$0x189F0] =	vst v10  }
0x189: {  	v31 =	vld [tilespmem:$0x189F4];
	_ =	sdelay $0x4  }
0x18a: {  	v10 =	vadd.f32 v31, v10;
	_ =	sdelay $0x1  }
0x18b: {  	[tilespmem:$0x189F0] =	vst v10  }
0x18c: {  	v32 =	vld [tilespmem:$0x189EE];
	_ =	sdelay $0x4  }
0x18d: {  	v10 =	vadd.f32 v32, v10;
	_ =	sdelay $0x1  }
0x18e: {  	[tilespmem:$0x189F0] =	vst v10  }
0x18f: {  	v33 =	vld [tilespmem:s20+$0x8C0]  }
0x190: {  	v34 =	vld [tilespmem:s20+$0x8D0]  }
0x191: {  	v35 =	vld [tilespmem:s20+$0x8E0]  }
0x192: {  	v36 =	vld [tilespmem:s20+$0x8F0]  }
0x193: {  	v37 =	vld [tilespmem:s20+$0x88C0]  }
0x194: {  	v38 =	vld [tilespmem:s20+$0x88D0]  }
0x195: {  	v39 =	vld [tilespmem:s20+$0x88E0]  }
0x196: {  	v40 =	vld [tilespmem:s20+$0x88F0];
	_ =	sdelay $0x2  }
0x197: {  	v41 =	vld [tilespmem:s20+$0x108C0]  }
0x198: {  	v42 =	vld [tilespmem:s20+$0x108D0];
	v43 =	vmul.f32 v37, v33;
	v44 =	vmul.f32 v39, v35  }
0x199: {  	v45 =	vmul.f32 v38, v34;
	v46 =	vmul.f32 v40, v36  }
0x19a: {  	v25 =	vld [tilespmem:s20+$0x108E0];
	v11 =	vmul.f32 v39, v33  }
0x19b: {  	v13 =	vmul.f32 v37, v35;
	v21 =	vsub.f32 v43, v44;
	v47 =	vsub.f32 v45, v46  }
0x19c: {  	v48 =	vld [tilespmem:s20+$0x108F0];
	v12 =	vmul.f32 v40, v34;
	v14 =	vmul.f32 v38, v36  }
0x19d: {  	v11 =	vadd.f32 v11, v13;
	v49 =	vmul.f32 v41, v21;
	v50 =	vmul.f32 v42, v47;
	_ =	sdelay $0x1  }
0x19e: {  	v12 =	vadd.f32 v12, v14;
	v11 =	vmul.f32 v25, v11;
	v13 =	vadd.f32 v50, v49;
	_ =	sdelay $0x1  }
0x19f: {  	v12 =	vmul.f32 v48, v12;
	v11 =	vadd.f32 v11, v13;
	_ =	sdelay $0x1  }
0x1a0: {  	v11 =	vadd.f32 v12, v11;
	_ =	sdelay $0x1  }
0x1a1: {  	[tilespmem:$0x18A20] =	vst v11  }
0x1a2: {  	v51 =	vld [tilespmem:$0x18A18];
	_ =	sdelay $0x4  }
0x1a3: {  	v11 =	vadd.f32 v51, v11;
	_ =	sdelay $0x1  }
0x1a4: {  	[tilespmem:$0x18A20] =	vst v11  }
0x1a5: {  	v52 =	vld [tilespmem:$0x18A24];
	_ =	sdelay $0x4  }
0x1a6: {  	v11 =	vadd.f32 v52, v11;
	_ =	sdelay $0x1  }
0x1a7: {  	[tilespmem:$0x18A20] =	vst v11  }
0x1a8: {  	v53 =	vld [tilespmem:$0x18A1E];
	_ =	sdelay $0x4  }
0x1a9: {  	v11 =	vadd.f32 v53, v11;
	_ =	sdelay $0x1  }
0x1aa: {  	[tilespmem:$0x18A20] =	vst v11  }
0x1ab: {  	v54 =	vld [tilespmem:s20+$0x900]  }
0x1ac: {  	v55 =	vld [tilespmem:s20+$0x910]  }
0x1ad: {  	v56 =	vld [tilespmem:s20+$0x920]  }
0x1ae: {  	v57 =	vld [tilespmem:s20+$0x930]  }
0x1af: {  	v58 =	vld [tilespmem:s20+$0x8900]  }
0x1b0: {  	v59 =	vld [tilespmem:s20+$0x8910]  }
0x1b1: {  	v60 =	vld [tilespmem:s20+$0x8920]  }
0x1b2: {  	v61 =	vld [tilespmem:s20+$0x8930];
	_ =	sdelay $0x2  }
0x1b3: {  	v62 =	vld [tilespmem:s20+$0x10900]  }
0x1b4: {  	v63 =	vld [tilespmem:s20+$0x10910];
	v28 =	vmul.f32 v58, v54;
	v29 =	vmul.f32 v60, v56  }
0x1b5: {  	v30 =	vmul.f32 v59, v55;
	v31 =	vmul.f32 v61, v57  }
0x1b6: {  	v26 =	vld [tilespmem:s20+$0x10920];
	v12 =	vmul.f32 v60, v54  }
0x1b7: {  	v14 =	vmul.f32 v58, v56;
	v22 =	vsub.f32 v28, v29;
	v32 =	vsub.f32 v30, v31  }
0x1b8: {  	v33 =	vld [tilespmem:s20+$0x10930];
	v13 =	vmul.f32 v61, v55;
	v15 =	vmul.f32 v59, v57  }
0x1b9: {  	v12 =	vadd.f32 v12, v14;
	v34 =	vmul.f32 v62, v22;
	v35 =	vmul.f32 v63, v32;
	_ =	sdelay $0x1  }
0x1ba: {  	v13 =	vadd.f32 v13, v15;
	v12 =	vmul.f32 v26, v12;
	v14 =	vadd.f32 v35, v34;
	_ =	sdelay $0x1  }
0x1bb: {  	v13 =	vmul.f32 v33, v13;
	v12 =	vadd.f32 v12, v14;
	_ =	sdelay $0x1  }
0x1bc: {  	v12 =	vadd.f32 v13, v12;
	_ =	sdelay $0x1  }
0x1bd: {  	[tilespmem:$0x18A50] =	vst v12  }
0x1be: {  	v36 =	vld [tilespmem:$0x18A48];
	_ =	sdelay $0x4  }
0x1bf: {  	v12 =	vadd.f32 v36, v12;
	_ =	sdelay $0x1  }
0x1c0: {  	[tilespmem:$0x18A50] =	vst v12  }
0x1c1: {  	v37 =	vld [tilespmem:$0x18A4C];
	_ =	sdelay $0x4  }
0x1c2: {  	v12 =	vadd.f32 v37, v12;
	_ =	sdelay $0x1  }
0x1c3: {  	[tilespmem:$0x18A50] =	vst v12  }
0x1c4: {  	v38 =	vld [tilespmem:$0x18A52];
	_ =	sdelay $0x4  }
0x1c5: {  	v12 =	vadd.f32 v38, v12;
	_ =	sdelay $0x1  }
0x1c6: {  	[tilespmem:$0x18A50] =	vst v12  }
0x1c7: {  	v39 =	vld [tilespmem:s20+$0x940]  }
0x1c8: {  	v40 =	vld [tilespmem:s20+$0x950]  }
0x1c9: {  	v41 =	vld [tilespmem:s20+$0x960]  }
0x1ca: {  	v42 =	vld [tilespmem:s20+$0x970]  }
0x1cb: {  	v43 =	vld [tilespmem:s20+$0x8940]  }
0x1cc: {  	v44 =	vld [tilespmem:s20+$0x8950]  }
0x1cd: {  	v45 =	vld [tilespmem:s20+$0x8960]  }
0x1ce: {  	v46 =	vld [tilespmem:s20+$0x8970];
	_ =	sdelay $0x2  }
0x1cf: {  	v47 =	vld [tilespmem:s20+$0x10940]  }
0x1d0: {  	v48 =	vld [tilespmem:s20+$0x10950];
	v49 =	vmul.f32 v43, v39;
	v50 =	vmul.f32 v45, v41  }
0x1d1: {  	v51 =	vmul.f32 v44, v40;
	v52 =	vmul.f32 v46, v42  }
0x1d2: {  	v27 =	vld [tilespmem:s20+$0x10960];
	v13 =	vmul.f32 v45, v39  }
0x1d3: {  	v15 =	vmul.f32 v43, v41;
	v23 =	vsub.f32 v49, v50;
	v53 =	vsub.f32 v51, v52  }
0x1d4: {  	v54 =	vld [tilespmem:s20+$0x10970];
	v14 =	vmul.f32 v46, v40;
	v16 =	vmul.f32 v44, v42  }
0x1d5: {  	v13 =	vadd.f32 v13, v15;
	v55 =	vmul.f32 v47, v23;
	v56 =	vmul.f32 v48, v53;
	_ =	sdelay $0x1  }
0x1d6: {  	v14 =	vadd.f32 v14, v16;
	v13 =	vmul.f32 v27, v13;
	v15 =	vadd.f32 v56, v55;
	_ =	sdelay $0x1  }
0x1d7: {  	v14 =	vmul.f32 v54, v14;
	v13 =	vadd.f32 v13, v15;
	_ =	sdelay $0x1  }
0x1d8: {  	v13 =	vadd.f32 v14, v13;
	_ =	sdelay $0x1  }
0x1d9: {  	[tilespmem:$0x18A80] =	vst v13  }
0x1da: {  	v57 =	vld [tilespmem:$0x18A78];
	_ =	sdelay $0x4  }
0x1db: {  	v13 =	vadd.f32 v57, v13;
	_ =	sdelay $0x1  }
0x1dc: {  	[tilespmem:$0x18A80] =	vst v13  }
0x1dd: {  	v58 =	vld [tilespmem:$0x18A7C];
	_ =	sdelay $0x4  }
0x1de: {  	v13 =	vadd.f32 v58, v13;
	_ =	sdelay $0x1  }
0x1df: {  	[tilespmem:$0x18A80] =	vst v13  }
0x1e0: {  	v59 =	vld [tilespmem:$0x18A82];
	_ =	sdelay $0x4  }
0x1e1: {  	v13 =	vadd.f32 v59, v13;
	_ =	sdelay $0x1  }
0x1e2: {  	[tilespmem:$0x18A80] =	vst v13  }
0x1e3: {  	v60 =	vld [tilespmem:s20+$0x980]  }
0x1e4: {  	v61 =	vld [tilespmem:s20+$0x990]  }
0x1e5: {  	v62 =	vld [tilespmem:s20+$0x9A0]  }
0x1e6: {  	v63 =	vld [tilespmem:s20+$0x9B0]  }
0x1e7: {  	v32 =	vld [tilespmem:s20+$0x8980]  }
0x1e8: {  	v33 =	vld [tilespmem:s20+$0x8990]  }
0x1e9: {  	v34 =	vld [tilespmem:s20+$0x89A0]  }
0x1ea: {  	v35 =	vld [tilespmem:s20+$0x89B0];
	_ =	sdelay $0x2  }
0x1eb: {  	v36 =	vld [tilespmem:s20+$0x10980]  }
0x1ec: {  	v37 =	vld [tilespmem:s20+$0x10990];
	v38 =	vmul.f32 v32, v60;
	v39 =	vmul.f32 v34, v62  }
0x1ed: {  	v40 =	vmul.f32 v33, v61;
	v41 =	vmul.f32 v35, v63  }
0x1ee: {  	v28 =	vld [tilespmem:s20+$0x109A0];
	v14 =	vmul.f32 v34, v60  }
0x1ef: {  	v16 =	vmul.f32 v32, v62;
	v24 =	vsub.f32 v38, v39;
	v42 =	vsub.f32 v40, v41  }
0x1f0: {  	v43 =	vld [tilespmem:s20+$0x109B0];
	v15 =	vmul.f32 v35, v61;
	v17 =	vmul.f32 v33, v63  }
0x1f1: {  	v14 =	vadd.f32 v14, v16;
	v44 =	vmul.f32 v36, v24;
	v45 =	vmul.f32 v37, v42;
	_ =	sdelay $0x1  }
0x1f2: {  	v15 =	vadd.f32 v15, v17;
	v14 =	vmul.f32 v28, v14;
	v16 =	vadd.f32 v45, v44;
	_ =	sdelay $0x1  }
0x1f3: {  	v15 =	vmul.f32 v43, v15;
	v14 =	vadd.f32 v14, v16;
	_ =	sdelay $0x1  }
0x1f4: {  	v14 =	vadd.f32 v15, v14;
	_ =	sdelay $0x1  }
0x1f5: {  	[tilespmem:$0x18AB0] =	vst v14  }
0x1f6: {  	v46 =	vld [tilespmem:$0x18AA8];
	_ =	sdelay $0x4  }
0x1f7: {  	v14 =	vadd.f32 v46, v14;
	_ =	sdelay $0x1  }
0x1f8: {  	[tilespmem:$0x18AB0] =	vst v14  }
0x1f9: {  	v47 =	vld [tilespmem:$0x18AAC];
	_ =	sdelay $0x4  }
0x1fa: {  	v14 =	vadd.f32 v47, v14;
	_ =	sdelay $0x1  }
0x1fb: {  	[tilespmem:$0x18AB0] =	vst v14  }
0x1fc: {  	v48 =	vld [tilespmem:$0x18AAE];
	_ =	sdelay $0x4  }
0x1fd: {  	v14 =	vadd.f32 v48, v14;
	_ =	sdelay $0x1  }
0x1fe: {  	[tilespmem:$0x18AB0] =	vst v14  }
0x1ff: {  	v49 =	vld [tilespmem:s20+$0x9C0]  }
0x200: {  	v50 =	vld [tilespmem:s20+$0x9D0]  }
0x201: {  	v51 =	vld [tilespmem:s20+$0x9E0]  }
0x202: {  	v52 =	vld [tilespmem:s20+$0x9F0]  }
0x203: {  	v53 =	vld [tilespmem:s20+$0x89C0]  }
0x204: {  	v54 =	vld [tilespmem:s20+$0x89D0]  }
0x205: {  	v55 =	vld [tilespmem:s20+$0x89E0]  }
0x206: {  	v56 =	vld [tilespmem:s20+$0x89F0];
	_ =	sdelay $0x2  }
0x207: {  	v57 =	vld [tilespmem:s20+$0x109C0]  }
0x208: {  	v58 =	vld [tilespmem:s20+$0x109D0];
	v59 =	vmul.f32 v53, v49;
	v60 =	vmul.f32 v55, v51  }
0x209: {  	v61 =	vmul.f32 v54, v50;
	v62 =	vmul.f32 v56, v52  }
0x20a: {  	v63 =	vld [tilespmem:s20+$0x109E0];
	v15 =	vmul.f32 v55, v49  }
0x20b: {  	v17 =	vmul.f32 v53, v51;
	v25 =	vsub.f32 v59, v60;
	v27 =	vsub.f32 v61, v62  }
0x20c: {  	v28 =	vld [tilespmem:s20+$0x109F0];
	v16 =	vmul.f32 v56, v50;
	v18 =	vmul.f32 v54, v52  }
0x20d: {  	v15 =	vadd.f32 v15, v17;
	v29 =	vmul.f32 v57, v25;
	v30 =	vmul.f32 v58, v27;
	_ =	sdelay $0x1  }
0x20e: {  	v16 =	vadd.f32 v16, v18;
	v15 =	vmul.f32 v63, v15;
	v17 =	vadd.f32 v30, v29;
	_ =	sdelay $0x1  }
0x20f: {  	v16 =	vmul.f32 v28, v16;
	v15 =	vadd.f32 v15, v17;
	_ =	sdelay $0x1  }
0x210: {  	v15 =	vadd.f32 v16, v15;
	_ =	sdelay $0x1  }
0x211: {  	[tilespmem:$0x18AE0] =	vst v15  }
0x212: {  	v31 =	vld [tilespmem:$0x18AD8];
	_ =	sdelay $0x4  }
0x213: {  	v15 =	vadd.f32 v31, v15;
	_ =	sdelay $0x1  }
0x214: {  	v32 =	vld [tilespmem:$0x18811];
	[tilespmem:$0x18AE0] =	vst v15  }
0x215: {  	v33 =	vld [tilespmem:$0x18ADC]  }
0x216: {  	v34 =	vld [tilespmem:$0x1883F]  }
0x217: {  	v35 =	vld [tilespmem:$0x18871]  }
0x218: {  	v38 =	vld [tilespmem:$0x188FF]  }
0x219: {  	v36 =	vld [tilespmem:$0x1889F]  }
0x21a: {  	v37 =	vld [tilespmem:$0x188D1];
	v15 =	vadd.f32 v33, v15  }
0x21b: {  	v39 =	vld [tilespmem:$0x18931]  }
0x21c: {  	v40 =	vld [tilespmem:$0x1895F];
	v0 =	vadd.f32 v32, v0;
	v1 =	vadd.f32 v34, v1;
	[tilespmem:$0x18AE0] =	vst v15  }
0x21d: {  	v2 =	vadd.f32 v35, v2;
	v41 =	vld [tilespmem:$0x18ADE]  }
0x21e: {  	v43 =	vld [tilespmem:$0x18991];
	v0 =	vsel vm0, v0, v1;
	v42 =	vadd.f32 v36, v3  }
0x21f: {  	v45 =	vld [tilespmem:$0x189BF];
	v0 =	vsel vm1, v0, v2;
	v44 =	vadd.f32 v37, v4  }
0x220: {  	v0 =	vsel vm2, v0, v42;
	v46 =	vadd.f32 v38, v5;
	v47 =	vld [tilespmem:$0x189F1]  }
0x221: {  	v0 =	vsel vm3, v0, v44;
	v48 =	vadd.f32 v39, v6;
	v49 =	vld [tilespmem:$0x18A1F]  }
0x222: {  	v0 =	vsel vm4, v0, v46;
	v50 =	vadd.f32 v40, v7;
	v52 =	vld [tilespmem:$0x18A51];
	v51 =	vadd.f32 v41, v15  }
0x223: {  	v0 =	vsel vm5, v0, v48;
	v53 =	vadd.f32 v43, v8;
	v54 =	vld [tilespmem:$0x18A7F]  }
0x224: {  	v55 =	vadd.f32 v45, v9;
	v56 =	vld [tilespmem:$0x18AB1];
	v0 =	vsel vm6, v0, v50;
	[tilespmem:$0x18AE0] =	vst v51  }
0x225: {  	v0 =	vsel vm7, v0, v53;
	v57 =	vadd.f32 v47, v10;
	v58 =	vld [tilespmem:$0x18ADF]  }
0x226: {  	v0 =	vsel vm8, v0, v55;
	v59 =	vadd.f32 v49, v11  }
0x227: {  	v60 =	vadd.f32 v52, v12;
	v0 =	vsel vm9, v0, v57  }
0x228: {  	p0 =	sne.s32 s19, $0x1F000;
	v61 =	vadd.f32 v54, v13;
	v0 =	vsel vm10, v0, v59  }
.Ltmp0:
0x229: {  	v62 =	vadd.f32 v56, v14;
	v0 =	vsel vm11, v0, v60;
	(pc) =	sbr.rel @p0 .LBB2_2-.Ltmp0, $4  }
0x22a: {  	v0 =	vsel vm12, v0, v61;
	v63 =	vadd.f32 v58, v51  }
0x22b: {  	v0 =	vsel vm13, v0, v62  }
0x22c: {  	v0 =	vsel vm14, v0, v63  }
0x22d: {  	s19 =	sadd.s32 $0x1000, s19;
	[tilespmem:s18+$0x0] =	vst v0;
	s18 =	sadd.s32 $0x10, s18  }
0x22e: {  	s17 =	sadd.s32 $0x1, s17  }
0x22f: {  	p0 =	sne.s32 s17, s9  }
.Ltmp1:
0x230: {  	_ = 	snop;
	(pc) =	sbr.rel @p0 .LBB2_1-.Ltmp1, $4  }
0x231: {  	[hbm4b:s8+s1] =	stream.linear.scatter [tilespmem:s16], [sflag:$0x2], $0x200, $0x38;
	[tilespmem:$0x18B00] =	vst v63  }
0x232: {  	_ =	swait.ge [sflag:s10], $0x200  }
0x233: {  	[sflag:s10] =	ssyncset.done $0x0  }
0x234: {  	[sflag:s10] =	ssyncadd.s32 $0xFFFFFE00  }
0x235: {  	_ =	sfence.sel $0x180000  }
0x236: {  	[bflag:$0x0] =	sbarrier.arrive $0xFFFF  }
0x237: {  	_ =	strace $0x90000047  }
0x238: {  	s0 =	stileid.u32;
	[bflag:$0x2] =	sbarrier.arrive $0xFFFF  }
0x239: {  	p0 =	sne.s32 s0, $0x0;
	s0 =	rddreg [dreg:$0x5]  }
0x23a: {  	s0 =	sadd.s32 @!p0 $0x100000, s0  }
0x23b: {  	[sflag:s0] =	ssyncadd.tile.s32 @!p0 $0x1;
	_ =	shalt  }
.Lfunc_end2:
_tile_overlayer_lowered:
.L_overlay_start_2:
0x23c: {  	(tag) =	ssettag $0x2  }
0x23d: {  	s0 =	rddreg [dreg:$0x0];
	s2 =	stileid.u32  }
0x23e: {  	s1 =	rddreg [dreg:$0x1];
	p0 =	sne.s32 s2, $0x0  }
0x23f: {  	s3 =	rddreg [dreg:$0x2];
	[bflag:$0x3] =	sbarrier.arrive $0xFFFF;
	s2 =	simm.s32 @!p0 $0x1C02  }
0x240: {  	[timem:s3], [sflag:s2] =	dma.local @!p0 [hbm:s0], s1  }
0x241: {  	s0 =	simm.s32 @!p0 $0x2  }
0x242: {  	_ =	swait.ge @!p0 [sflag:s0], s1  }
0x243: {  	s1 =	ssub.s32 @!p0 $0x0, s1;
	[sflag:s0] =	ssyncset.done @!p0 $0x0  }
0x244: {  	[sflag:s0] =	ssyncadd.s32 @!p0 s1  }
0x245: {  	[bflag:$0x3] =	sbarrier.arrive $0xFFFF  }
0x246: {  	_ =	shalt  }

</sc_bundles>
